<compile_context>
chip_gen: v7x
topology: tpu7x:2x2x1
jax: 0.10.2.dev20260603
libtpu: 0.0.44.dev20260713+nightly
codegen_flags: <defaults>
</compile_context>

<pallas_src>
import functools

import jax
import jax.numpy as jnp
from jax import lax
from jax.experimental import pallas as pl
from jax.experimental.pallas import tpu as pltpu
from jax.experimental.pallas import tpu_sc as plsc

N = 10000
E = 320000
NC = 2
NS = 16
NW = NC * NS
EPW = E // NW
CH = 80
NCHUNK = 125
EPT = NCHUNK * CH
NP = N + 16
RPT = 624
REMZ = NP - NS * RPT
REMO = N - NS * RPT

BLK = 1000
GRID = N // BLK

@functools.cache
def _mesh():
    return plsc.VectorSubcoreMesh(core_axis_name="c", subcore_axis_name="s",
                                  num_cores=NC, num_subcores=NS)


@functools.cache
def _make_agg(Dp):

    @functools.partial(
        pl.kernel,
        mesh=_mesh(),
        compiler_params=pltpu.CompilerParams(use_tc_tiling_on_sc=False),
        out_type=jax.ShapeDtypeStruct((NC, N, Dp), jnp.float32),
        scratch_types=[
            pltpu.VMEM((NCHUNK, CH), jnp.int32),
            pltpu.VMEM((NCHUNK, CH), jnp.int32),
            pltpu.VMEM((CH, Dp), jnp.float32),
            pltpu.VMEM((CH, Dp), jnp.float32),
            pltpu.VMEM_SHARED((NP, Dp), jnp.float32),
            pltpu.SemaphoreType.DMA,
            pltpu.SemaphoreType.DMA,
        ],
    )
    def agg(table_hbm, src_hbm, dst_hbm, zeros_hbm, out_hbm,
            src_v, dst_v, b0, b1, acc, g0, g1):
        bufs = [b0, b1]
        gsem = [g0, g1]
        c = lax.axis_index("c")
        s = lax.axis_index("s")
        wid = s * NC + c
        pltpu.sync_copy(zeros_hbm, acc.at[pl.ds(s * RPT, RPT)])

        @pl.when(s == 0)
        def _():
            pltpu.sync_copy(zeros_hbm.at[pl.ds(0, REMZ)],
                            acc.at[pl.ds(NS * RPT, REMZ)])

        pltpu.sync_copy(src_hbm.at[wid], src_v)
        pltpu.sync_copy(dst_hbm.at[wid], dst_v)
        plsc.subcore_barrier()

        def issue_g(i, k):
            pltpu.async_copy(table_hbm.at[src_v.at[i]], bufs[k], gsem[k])

        def wait_g(k):
            pltpu.make_async_copy(table_hbm.at[src_v.at[0]], bufs[k],
                                  gsem[k]).wait()

        issue_g(0, 0)

        def pair(j, _):
            i0 = 2 * j
            issue_g(i0 + 1, 1)
            wait_g(0)
            pltpu.sync_copy(bufs[0], acc.at[dst_v.at[i0]], add=True)

            @pl.when(i0 + 2 < NCHUNK)
            def _():
                issue_g(i0 + 2, 0)

            wait_g(1)
            pltpu.sync_copy(bufs[1], acc.at[dst_v.at[i0 + 1]], add=True)
            return ()

        lax.fori_loop(0, NCHUNK // 2, pair, (), unroll=False)
        if NCHUNK % 2:
            wait_g(0)
            pltpu.sync_copy(bufs[0], acc.at[dst_v.at[NCHUNK - 1]], add=True)
        plsc.subcore_barrier()
        pltpu.sync_copy(acc.at[pl.ds(s * RPT, RPT)],
                        out_hbm.at[c, pl.ds(s * RPT, RPT)])

        @pl.when(s == 0)
        def _():
            pltpu.sync_copy(acc.at[pl.ds(NS * RPT, REMO)],
                            out_hbm.at[c, pl.ds(NS * RPT, REMO)])

    return agg


@functools.cache
def _make_deg():
    @functools.partial(
        pl.kernel,
        mesh=_mesh(),
        compiler_params=pltpu.CompilerParams(use_tc_tiling_on_sc=False),
        out_type=jax.ShapeDtypeStruct((NC, N, 16), jnp.float32),
        scratch_types=[
            pltpu.VMEM((NCHUNK, CH), jnp.int32),
            pltpu.VMEM((CH, 16), jnp.float32),
            pltpu.VMEM_SHARED((NP, 16), jnp.float32),
            pltpu.SemaphoreType.DMA,
        ],
    )
    def deg(dst_hbm, ones_hbm, zeros_hbm, out_hbm, dst_v, ones_v, acc, sem):
        c = lax.axis_index("c")
        s = lax.axis_index("s")
        wid = s * NC + c
        pltpu.sync_copy(zeros_hbm, acc.at[pl.ds(s * RPT, RPT)])

        @pl.when(s == 0)
        def _():
            pltpu.sync_copy(zeros_hbm.at[pl.ds(0, REMZ)],
                            acc.at[pl.ds(NS * RPT, REMZ)])

        pltpu.sync_copy(ones_hbm, ones_v)
        pltpu.sync_copy(dst_hbm.at[wid], dst_v)
        plsc.subcore_barrier()

        def fire(i, _):
            pltpu.async_copy(ones_v, acc.at[dst_v.at[i]], sem, add=True)
            return ()

        lax.fori_loop(0, NCHUNK, fire, (), unroll=False)

        def drain(i, _):
            pltpu.make_async_copy(ones_v, acc.at[dst_v.at[0]], sem).wait()
            return ()

        lax.fori_loop(0, NCHUNK, drain, (), unroll=False)
        plsc.subcore_barrier()
        pltpu.sync_copy(acc.at[pl.ds(s * RPT, RPT)],
                        out_hbm.at[c, pl.ds(s * RPT, RPT)])

        @pl.when(s == 0)
        def _():
            pltpu.sync_copy(acc.at[pl.ds(NS * RPT, REMO)],
                            out_hbm.at[c, pl.ds(NS * RPT, REMO)])

    return deg


def _dinv_of(degp_ref):
    deg = degp_ref[0, :, 0:1] + degp_ref[1, :, 0:1] + 1.0
    return lax.rsqrt(deg)


def _t1_body(x_ref, w0_ref, degp_ref, g1_ref):
    h = jnp.dot(x_ref[...], w0_ref[...], preferred_element_type=jnp.float32)
    g1_ref[...] = _dinv_of(degp_ref) * h


def _t2_body(g1_ref, a1_ref, degp_ref, w1_ref, b0_ref, g2_ref):
    dinv = _dinv_of(degp_ref)
    out1 = jnp.maximum(
        dinv * (a1_ref[0] + a1_ref[1] + g1_ref[...]) + b0_ref[...], 0.0)
    g2_ref[...] = dinv * jnp.dot(out1, w1_ref[...],
                                 preferred_element_type=jnp.float32)


def _t3_body(g2_ref, a2_ref, degp_ref, b1_ref, g3_ref):
    dinv = _dinv_of(degp_ref)
    logits = dinv * (a2_ref[0] + a2_ref[1] + g2_ref[...]) + b1_ref[...]
    pad = lax.broadcasted_iota(jnp.int32, logits.shape, 1) >= 40
    logits = jnp.where(pad, -1e30, logits)
    m = jnp.max(logits, axis=1, keepdims=True)
    e = jnp.exp(logits - m)
    p = e / jnp.sum(e, axis=1, keepdims=True)
    g3_ref[...] = dinv * p


def _t4_body(g3_ref, a3_ref, degp_ref, wc0_ref, bc0_ref, wc1_ref, g4_ref):
    dinv = _dinv_of(degp_ref)
    z = dinv * (a3_ref[0] + a3_ref[1] + g3_ref[...])
    h2 = jnp.maximum(
        jnp.dot(z, wc0_ref[...], preferred_element_type=jnp.float32)
        + bc0_ref[...], 0.0)
    g4_ref[...] = dinv * jnp.dot(h2, wc1_ref[...],
                                 preferred_element_type=jnp.float32)


def _t5_body(g4_ref, a4_ref, degp_ref, bc1_ref, out_ref):
    dinv = _dinv_of(degp_ref)
    out_ref[...] = (dinv * (a4_ref[0] + a4_ref[1] + g4_ref[...]))[:, :40] \
        + bc1_ref[...]


def _row_spec(d):
    return pl.BlockSpec((BLK, d), lambda i: (i, 0))


def _agg_spec(d):
    return pl.BlockSpec((2, BLK, d), lambda i: (0, i, 0))


def _full_spec(shape):
    nd = len(shape)
    return pl.BlockSpec(shape, lambda i: (0,) * nd)


_DEGP = _agg_spec(16)


def _tc_call(body, in_specs, out_d):
    return pl.pallas_call(
        body,
        grid=(GRID,),
        in_specs=in_specs,
        out_specs=_row_spec(out_d),
        out_shape=jax.ShapeDtypeStruct((N, out_d), jnp.float32),
    )


_t1 = _tc_call(_t1_body, [_row_spec(128), _full_spec((128, 128)), _DEGP], 128)
_t2 = _tc_call(_t2_body, [_row_spec(128), _agg_spec(128), _DEGP,
                          _full_spec((128, 48)), _full_spec((1, 128))], 48)
_t3 = _tc_call(_t3_body, [_row_spec(48), _agg_spec(48), _DEGP,
                          _full_spec((1, 48))], 48)
_t4 = _tc_call(_t4_body, [_row_spec(48), _agg_spec(48), _DEGP,
                          _full_spec((48, 128)), _full_spec((1, 128)),
                          _full_spec((128, 48))], 48)
_t5 = _tc_call(_t5_body, [_row_spec(48), _agg_spec(48), _DEGP,
                          _full_spec((1, 40))], 40)


def kernel(x, edge_index, W0, b0, W1, b1, Wc0, bc0, Wc1, bc1):
    def edge_split(nparts, nchunk):
        npad = nchunk * CH - E // nparts
        s2 = edge_index[0].reshape(nparts, E // nparts)
        d2 = edge_index[1].reshape(nparts, E // nparts)
        sp = jnp.pad(s2, ((0, 0), (0, npad))).reshape(nparts, nchunk, CH)
        dummy = (N + jnp.arange(nparts, dtype=jnp.int32)
                 % NS)[:, None]
        dp = jnp.concatenate(
            [d2, jnp.broadcast_to(dummy, (nparts, npad))], axis=1
        ).reshape(nparts, nchunk, CH)
        return sp, dp

    src, dst = edge_split(NW, NCHUNK)

    ones16 = jnp.ones((CH, 16), jnp.float32)
    zeros16 = jnp.zeros((RPT, 16), jnp.float32)
    zeros128 = jnp.zeros((RPT, 128), jnp.float32)
    zeros48 = jnp.zeros((RPT, 48), jnp.float32)

    w1p = jnp.pad(W1, ((0, 0), (0, 8)))
    b1p = jnp.pad(b1, (0, 8)).reshape(1, 48)
    wc0p = jnp.pad(Wc0, ((0, 8), (0, 0)))
    wc1p = jnp.pad(Wc1, ((0, 0), (0, 8)))
    b0r = b0.reshape(1, 128)
    bc0r = bc0.reshape(1, 128)
    bc1r = bc1.reshape(1, 40)

    agg128 = _make_agg(128)
    agg48 = _make_agg(48)
    degp = _make_deg()(dst, ones16, zeros16)
    g1 = _t1(x, W0, degp)
    a1 = agg128(g1, src, dst, zeros128)
    g2 = _t2(g1, a1, degp, w1p, b0r)
    a2 = agg48(g2, src, dst, zeros48)
    g3 = _t3(g2, a2, degp, b1p)
    a3 = agg48(g3, src, dst, zeros48)
    g4 = _t4(g3, a3, degp, wc0p, bc0r, wc1p)
    a4 = agg48(g4, src, dst, zeros48)
    out = _t5(g4, a4, degp, bc1r)
    return out

# --- scband reference (transcript-rebuilt; emitter-appended) ---
"""Pipeline reference for scband-cfgnnmodel-54494545052309 (READ-ONLY COPY).

The authoritative reference and input builder live on the scoring server;
editing this copy changes nothing except your own understanding.
"""

import jax, jax.numpy as jnp
import numpy as np

N = 10000
E = 320000
D = 128
H = 128
C = 40


def gcn_conv(x, src, dst, W, b, n):
    # GCNConv with normalize=True: add self-loops, sym-normalized aggregation
    loop = jnp.arange(n, dtype=src.dtype)
    s = jnp.concatenate([src, loop])
    d = jnp.concatenate([dst, loop])
    deg = jax.ops.segment_sum(jnp.ones(s.shape[0], dtype=x.dtype), d, num_segments=n)
    dinv = jax.lax.rsqrt(jnp.maximum(deg, 1.0))
    norm = dinv[s] * dinv[d]
    h = x @ W
    out = jax.ops.segment_sum(norm[:, None] * h[s], d, num_segments=n)
    return out + b


def setup_inputs(seed: int = 0) -> dict:
    key = jax.random.key(seed)
    ks = jax.random.split(key, 12)
    x = jax.random.normal(ks[0], (N, D), dtype=jnp.float32)
    edge_index = jax.random.randint(ks[1], (2, E), 0, N, dtype=jnp.int32)
    # frozen base GCN (in=D -> hidden=H -> out=C)
    W0 = jax.random.normal(ks[2], (D, H), dtype=jnp.float32) / np.sqrt(D)
    b0 = jnp.zeros((H,), dtype=jnp.float32)
    W1 = jax.random.normal(ks[3], (H, C), dtype=jnp.float32) / np.sqrt(H)
    b1 = jnp.zeros((C,), dtype=jnp.float32)
    # CF-GNN correction head (in=C -> hidden=128 -> out=C)
    Wc0 = jax.random.normal(ks[4], (C, 128), dtype=jnp.float32) / np.sqrt(C)
    bc0 = jnp.zeros((128,), dtype=jnp.float32)
    Wc1 = jax.random.normal(ks[5], (128, C), dtype=jnp.float32) / np.sqrt(128)
    bc1 = jnp.zeros((C,), dtype=jnp.float32)
    return {"x": x, "edge_index": edge_index, "W0": W0, "b0": b0, "W1": W1, "b1": b1,
            "Wc0": Wc0, "bc0": bc0, "Wc1": Wc1, "bc1": bc1}


def reference(x, edge_index, W0, b0, W1, b1, Wc0, bc0, Wc1, bc1):
    src, dst = edge_index[0], edge_index[1]
    # base model (frozen, eval): 2-layer GCN
    h = jax.nn.relu(gcn_conv(x, src, dst, W0, b0, N))
    logits = gcn_conv(h, src, dst, W1, b1, N)
    pre_probs = jax.nn.softmax(logits, axis=1)
    # GNN_Multi_Layer (num_layers=2); dropout is identity in eval mode
    h2 = jax.nn.relu(gcn_conv(pre_probs, src, dst, Wc0, bc0, N))
    out = gcn_conv(h2, src, dst, Wc1, bc1, N)
    return out

if __name__ == "__main__":
    import jax
    _d = setup_inputs()
    print(jax.jit(kernel)(*tuple(_d.values())))

</pallas_src>

<mosaic_0001>
#map = affine_map<(d0, d1) -> (0, 0)>
#map1 = affine_map<(d0, d1) -> (0, 0, 0)>
module attributes {stable_mosaic.version = 14 : i64} {
  func.func @agg(%arg0: i32, %arg1: i32, %arg2: memref<10000x48xf32, #tpu.memory_space<hbm>>, %arg3: memref<32x125x80xi32, #tpu.memory_space<hbm>>, %arg4: memref<32x125x80xi32, #tpu.memory_space<hbm>>, %arg5: memref<624x48xf32, #tpu.memory_space<hbm>>, %arg6: memref<2x10000x48xf32, #tpu.memory_space<hbm>>, %arg7: memref<125x80xi32, #tpu.memory_space<vmem>>, %arg8: memref<125x80xi32, #tpu.memory_space<vmem>>, %arg9: memref<80x48xf32, #tpu.memory_space<vmem>>, %arg10: memref<80x48xf32, #tpu.memory_space<vmem>>, %arg11: memref<10016x48xf32, #tpu.memory_space<vmem_shared>>, %arg12: memref<!tpu.dma_semaphore, #tpu.memory_space<semaphore_mem>>, %arg13: memref<!tpu.dma_semaphore, #tpu.memory_space<semaphore_mem>>) attributes {dimension_semantics = [#tpu.dimension_semantics<core_parallel>, #tpu.dimension_semantics<subcore_parallel>], iteration_bounds = array<i64: 2, 16>, scalar_prefetch = 0 : i64, scratch_operands = 7 : i64, tpu.core_type = #tpu.core_type<sc_vector_subcore>, window_params = [{transform_indices = #map}, {transform_indices = #map1}, {transform_indices = #map1}, {transform_indices = #map}, {transform_indices = #map1}]} {
    %mul3A = arith.constant 2 : i32
    %mul3A_0 = arith.muli %arg1, %mul3A : i32
    %add3A = arith.addi %mul3A_0, %arg0 : i32
    %mul3A_1 = arith.constant 624 : i32
    %mul3A_2 = arith.muli %arg1, %mul3A_1 : i32
    "tpu.region"() ({
      %run_scoped3A_31 = tpu.sem_alloc : memref<!tpu.dma_semaphore, #tpu.memory_space<semaphore_mem>>
      %dma_start3A_32 = arith.constant 0 : i32
      %dma_start3A_33 = tpu.memref_slice %arg11[%mul3A_2, %dma_start3A_32] : memref<10016x48xf32, #tpu.memory_space<vmem_shared>> -> memref<624x48xf32, #tpu.memory_space<vmem_shared>>
      tpu.enqueue_dma source(%arg5 : memref<624x48xf32, #tpu.memory_space<hbm>>) target(%dma_start3A_33 : memref<624x48xf32, #tpu.memory_space<vmem_shared>>) target_semaphore(%run_scoped3A_31 : memref<!tpu.dma_semaphore, #tpu.memory_space<semaphore_mem>>)
      %dma_wait3A_34 = arith.constant 0 : i32
      %dma_wait3A_35 = tpu.memref_slice %arg11[%mul3A_2, %dma_wait3A_34] : memref<10016x48xf32, #tpu.memory_space<vmem_shared>> -> memref<624x48xf32, #tpu.memory_space<vmem_shared>>
      tpu.wait_dma2 semaphore(%run_scoped3A_31 : memref<!tpu.dma_semaphore, #tpu.memory_space<semaphore_mem>>) src(%arg5 : memref<624x48xf32, #tpu.memory_space<hbm>>) dst(%dma_wait3A_35 : memref<624x48xf32, #tpu.memory_space<vmem_shared>>)
      tpu.yield
    }) : () -> ()
    %eq3A = arith.constant 0 : i32
    %eq3A_3 = arith.cmpi eq, %arg1, %eq3A : i32
    %convert_element_type3A = arith.extui %eq3A_3 : i1 to i32
    %cond3A = arith.constant 0 : i32
    %cond3A_4 = arith.cmpi ne, %convert_element_type3A, %cond3A : i32
    scf.if %cond3A_4 {
      "tpu.region"() ({
        %run_scoped3A_31 = tpu.sem_alloc : memref<!tpu.dma_semaphore, #tpu.memory_space<semaphore_mem>>
        %dma_start3A_32 = arith.constant 9984 : i32
        %dma_start3A_33 = arith.constant 0 : i32
        %dma_start3A_34 = tpu.memref_slice %arg11[%dma_start3A_32, %dma_start3A_33] : memref<10016x48xf32, #tpu.memory_space<vmem_shared>> -> memref<32x48xf32, #tpu.memory_space<vmem_shared>>
        %dma_start3A_35 = arith.constant 0 : i32
        %dma_start3A_36 = arith.constant 0 : i32
        %dma_start3A_37 = tpu.memref_slice %arg5[%dma_start3A_35, %dma_start3A_36] : memref<624x48xf32, #tpu.memory_space<hbm>> -> memref<32x48xf32, #tpu.memory_space<hbm>>
        tpu.enqueue_dma source(%dma_start3A_37 : memref<32x48xf32, #tpu.memory_space<hbm>>) target(%dma_start3A_34 : memref<32x48xf32, #tpu.memory_space<vmem_shared>>) target_semaphore(%run_scoped3A_31 : memref<!tpu.dma_semaphore, #tpu.memory_space<semaphore_mem>>)
        %dma_wait3A_38 = arith.constant 9984 : i32
        %dma_wait3A_39 = arith.constant 0 : i32
        %dma_wait3A_40 = tpu.memref_slice %arg11[%dma_wait3A_38, %dma_wait3A_39] : memref<10016x48xf32, #tpu.memory_space<vmem_shared>> -> memref<32x48xf32, #tpu.memory_space<vmem_shared>>
        %dma_wait3A_41 = arith.constant 0 : i32
        %dma_wait3A_42 = arith.constant 0 : i32
        %dma_wait3A_43 = tpu.memref_slice %arg5[%dma_wait3A_41, %dma_wait3A_42] : memref<624x48xf32, #tpu.memory_space<hbm>> -> memref<32x48xf32, #tpu.memory_space<hbm>>
        tpu.wait_dma2 semaphore(%run_scoped3A_31 : memref<!tpu.dma_semaphore, #tpu.memory_space<semaphore_mem>>) src(%dma_wait3A_43 : memref<32x48xf32, #tpu.memory_space<hbm>>) dst(%dma_wait3A_40 : memref<32x48xf32, #tpu.memory_space<vmem_shared>>)
        tpu.yield
      }) : () -> ()
    } else {
    }
    "tpu.region"() ({
      %run_scoped3A_31 = tpu.sem_alloc : memref<!tpu.dma_semaphore, #tpu.memory_space<semaphore_mem>>
      %dma_start3A_32 = arith.constant 0 : i32
      %dma_start3A_33 = arith.constant 0 : i32
      %dma_start3A_34 = tpu.memref_slice %arg3[%add3A, %dma_start3A_32, %dma_start3A_33] : memref<32x125x80xi32, #tpu.memory_space<hbm>> -> memref<1x125x80xi32, #tpu.memory_space<hbm>>
      %dma_start3A_35 = tpu.memref_squeeze %dma_start3A_34 : memref<1x125x80xi32, #tpu.memory_space<hbm>> -> memref<125x80xi32, #tpu.memory_space<hbm>>
      %dma_start3A_36 = arith.constant 0 : i32
      %dma_start3A_37 = arith.constant 0 : i32
      %dma_start3A_38 = tpu.memref_slice %arg3[%add3A, %dma_start3A_36, %dma_start3A_37] : memref<32x125x80xi32, #tpu.memory_space<hbm>> -> memref<1x125x80xi32, #tpu.memory_space<hbm>>
      %dma_start3A_39 = tpu.memref_squeeze %dma_start3A_38 : memref<1x125x80xi32, #tpu.memory_space<hbm>> -> memref<125x80xi32, #tpu.memory_space<hbm>>
      tpu.enqueue_dma source(%dma_start3A_39 : memref<125x80xi32, #tpu.memory_space<hbm>>) target(%arg7 : memref<125x80xi32, #tpu.memory_space<vmem>>) target_semaphore(%run_scoped3A_31 : memref<!tpu.dma_semaphore, #tpu.memory_space<semaphore_mem>>)
      %dma_wait3A_40 = arith.constant 0 : i32
      %dma_wait3A_41 = arith.constant 0 : i32
      %dma_wait3A_42 = tpu.memref_slice %arg3[%add3A, %dma_wait3A_40, %dma_wait3A_41] : memref<32x125x80xi32, #tpu.memory_space<hbm>> -> memref<1x125x80xi32, #tpu.memory_space<hbm>>
      %dma_wait3A_43 = tpu.memref_squeeze %dma_wait3A_42 : memref<1x125x80xi32, #tpu.memory_space<hbm>> -> memref<125x80xi32, #tpu.memory_space<hbm>>
      %dma_wait3A_44 = arith.constant 0 : i32
      %dma_wait3A_45 = arith.constant 0 : i32
      %dma_wait3A_46 = tpu.memref_slice %arg3[%add3A, %dma_wait3A_44, %dma_wait3A_45] : memref<32x125x80xi32, #tpu.memory_space<hbm>> -> memref<1x125x80xi32, #tpu.memory_space<hbm>>
      %dma_wait3A_47 = tpu.memref_squeeze %dma_wait3A_46 : memref<1x125x80xi32, #tpu.memory_space<hbm>> -> memref<125x80xi32, #tpu.memory_space<hbm>>
      tpu.wait_dma2 semaphore(%run_scoped3A_31 : memref<!tpu.dma_semaphore, #tpu.memory_space<semaphore_mem>>) src(%dma_wait3A_47 : memref<125x80xi32, #tpu.memory_space<hbm>>) dst(%arg7 : memref<125x80xi32, #tpu.memory_space<vmem>>)
      tpu.yield
    }) : () -> ()
    "tpu.region"() ({
      %run_scoped3A_31 = tpu.sem_alloc : memref<!tpu.dma_semaphore, #tpu.memory_space<semaphore_mem>>
      %dma_start3A_32 = arith.constant 0 : i32
      %dma_start3A_33 = arith.constant 0 : i32
      %dma_start3A_34 = tpu.memref_slice %arg4[%add3A, %dma_start3A_32, %dma_start3A_33] : memref<32x125x80xi32, #tpu.memory_space<hbm>> -> memref<1x125x80xi32, #tpu.memory_space<hbm>>
      %dma_start3A_35 = tpu.memref_squeeze %dma_start3A_34 : memref<1x125x80xi32, #tpu.memory_space<hbm>> -> memref<125x80xi32, #tpu.memory_space<hbm>>
      %dma_start3A_36 = arith.constant 0 : i32
      %dma_start3A_37 = arith.constant 0 : i32
      %dma_start3A_38 = tpu.memref_slice %arg4[%add3A, %dma_start3A_36, %dma_start3A_37] : memref<32x125x80xi32, #tpu.memory_space<hbm>> -> memref<1x125x80xi32, #tpu.memory_space<hbm>>
      %dma_start3A_39 = tpu.memref_squeeze %dma_start3A_38 : memref<1x125x80xi32, #tpu.memory_space<hbm>> -> memref<125x80xi32, #tpu.memory_space<hbm>>
      tpu.enqueue_dma source(%dma_start3A_39 : memref<125x80xi32, #tpu.memory_space<hbm>>) target(%arg8 : memref<125x80xi32, #tpu.memory_space<vmem>>) target_semaphore(%run_scoped3A_31 : memref<!tpu.dma_semaphore, #tpu.memory_space<semaphore_mem>>)
      %dma_wait3A_40 = arith.constant 0 : i32
      %dma_wait3A_41 = arith.constant 0 : i32
      %dma_wait3A_42 = tpu.memref_slice %arg4[%add3A, %dma_wait3A_40, %dma_wait3A_41] : memref<32x125x80xi32, #tpu.memory_space<hbm>> -> memref<1x125x80xi32, #tpu.memory_space<hbm>>
      %dma_wait3A_43 = tpu.memref_squeeze %dma_wait3A_42 : memref<1x125x80xi32, #tpu.memory_space<hbm>> -> memref<125x80xi32, #tpu.memory_space<hbm>>
      %dma_wait3A_44 = arith.constant 0 : i32
      %dma_wait3A_45 = arith.constant 0 : i32
      %dma_wait3A_46 = tpu.memref_slice %arg4[%add3A, %dma_wait3A_44, %dma_wait3A_45] : memref<32x125x80xi32, #tpu.memory_space<hbm>> -> memref<1x125x80xi32, #tpu.memory_space<hbm>>
      %dma_wait3A_47 = tpu.memref_squeeze %dma_wait3A_46 : memref<1x125x80xi32, #tpu.memory_space<hbm>> -> memref<125x80xi32, #tpu.memory_space<hbm>>
      tpu.wait_dma2 semaphore(%run_scoped3A_31 : memref<!tpu.dma_semaphore, #tpu.memory_space<semaphore_mem>>) src(%dma_wait3A_47 : memref<125x80xi32, #tpu.memory_space<hbm>>) dst(%arg8 : memref<125x80xi32, #tpu.memory_space<vmem>>)
      tpu.yield
    }) : () -> ()
    %barrier3A = arith.constant 0 : index
    tpu.barrier barrier_id(%barrier3A)
    %dma_start3A = arith.constant 0 : i32
    %dma_start3A_5 = arith.constant 0 : i32
    %dma_start3A_6 = tpu.memref_slice %arg7[%dma_start3A, %dma_start3A_5] : memref<125x80xi32, #tpu.memory_space<vmem>> -> memref<1x80xi32, #tpu.memory_space<vmem>>
    %dma_start3A_7 = tpu.memref_squeeze %dma_start3A_6 : memref<1x80xi32, #tpu.memory_space<vmem>> -> memref<80xi32, #tpu.memory_space<vmem>>
    %dma_start3A_8 = arith.constant 0 : i32
    %dma_start3A_9 = arith.constant 0 : i32
    %dma_start3A_10 = tpu.memref_slice %arg2[%dma_start3A_8, %dma_start3A_9] : memref<10000x48xf32, #tpu.memory_space<hbm>> -> memref<10000x48xf32, #tpu.memory_space<hbm>>
    tpu.enqueue_indirect_dma source(%dma_start3A_10 : memref<10000x48xf32, #tpu.memory_space<hbm>>) target(%arg9 : memref<80x48xf32, #tpu.memory_space<vmem>>) offsets(%dma_start3A_7 : memref<80xi32, #tpu.memory_space<vmem>>) semaphore(%arg12 : memref<!tpu.dma_semaphore, #tpu.memory_space<semaphore_mem>>)
    %scan3A = arith.constant 0 : i32
    %scan3A_11 = arith.constant 62 : i32
    %scan3A_12 = arith.addi %scan3A, %scan3A_11 : i32
    %scan3A_13 = arith.constant 1 : i32
    scf.for %scan3A_31 = %scan3A to %scan3A_12 step %scan3A_13  : i32 {
      %mul3A_32 = arith.constant 2 : i32
      %mul3A_33 = arith.muli %mul3A_32, %scan3A_31 : i32
      %add3A_34 = arith.constant 1 : i32
      %add3A_35 = arith.addi %mul3A_33, %add3A_34 : i32
      %dma_start3A_36 = arith.constant 0 : i32
      %dma_start3A_37 = tpu.memref_slice %arg7[%add3A_35, %dma_start3A_36] : memref<125x80xi32, #tpu.memory_space<vmem>> -> memref<1x80xi32, #tpu.memory_space<vmem>>
      %dma_start3A_38 = tpu.memref_squeeze %dma_start3A_37 : memref<1x80xi32, #tpu.memory_space<vmem>> -> memref<80xi32, #tpu.memory_space<vmem>>
      %dma_start3A_39 = arith.constant 0 : i32
      %dma_start3A_40 = arith.constant 0 : i32
      %dma_start3A_41 = tpu.memref_slice %arg2[%dma_start3A_39, %dma_start3A_40] : memref<10000x48xf32, #tpu.memory_space<hbm>> -> memref<10000x48xf32, #tpu.memory_space<hbm>>
      tpu.enqueue_indirect_dma source(%dma_start3A_41 : memref<10000x48xf32, #tpu.memory_space<hbm>>) target(%arg10 : memref<80x48xf32, #tpu.memory_space<vmem>>) offsets(%dma_start3A_38 : memref<80xi32, #tpu.memory_space<vmem>>) semaphore(%arg13 : memref<!tpu.dma_semaphore, #tpu.memory_space<semaphore_mem>>)
      %dma_wait3A_42 = arith.constant 0 : i32
      %dma_wait3A_43 = arith.constant 0 : i32
      %dma_wait3A_44 = tpu.memref_slice %arg7[%dma_wait3A_42, %dma_wait3A_43] : memref<125x80xi32, #tpu.memory_space<vmem>> -> memref<1x80xi32, #tpu.memory_space<vmem>>
      %dma_wait3A_45 = tpu.memref_squeeze %dma_wait3A_44 : memref<1x80xi32, #tpu.memory_space<vmem>> -> memref<80xi32, #tpu.memory_space<vmem>>
      %dma_wait3A_46 = arith.constant 0 : i32
      %dma_wait3A_47 = arith.constant 0 : i32
      %dma_wait3A_48 = tpu.memref_slice %arg2[%dma_wait3A_46, %dma_wait3A_47] : memref<10000x48xf32, #tpu.memory_space<hbm>> -> memref<10000x48xf32, #tpu.memory_space<hbm>>
      tpu.wait_indirect_dma semaphore(%arg12 : memref<!tpu.dma_semaphore, #tpu.memory_space<semaphore_mem>>) src(%dma_wait3A_48 : memref<10000x48xf32, #tpu.memory_space<hbm>>) dst(%arg9 : memref<80x48xf32, #tpu.memory_space<vmem>>)
      "tpu.region"() ({
        %run_scoped3A_64 = tpu.sem_alloc : memref<!tpu.dma_semaphore, #tpu.memory_space<semaphore_mem>>
        %dma_start3A_65 = arith.constant 0 : i32
        %dma_start3A_66 = tpu.memref_slice %arg8[%mul3A_33, %dma_start3A_65] : memref<125x80xi32, #tpu.memory_space<vmem>> -> memref<1x80xi32, #tpu.memory_space<vmem>>
        %dma_start3A_67 = tpu.memref_squeeze %dma_start3A_66 : memref<1x80xi32, #tpu.memory_space<vmem>> -> memref<80xi32, #tpu.memory_space<vmem>>
        %dma_start3A_68 = arith.constant 0 : i32
        %dma_start3A_69 = arith.constant 0 : i32
        %dma_start3A_70 = tpu.memref_slice %arg11[%dma_start3A_68, %dma_start3A_69] : memref<10016x48xf32, #tpu.memory_space<vmem_shared>> -> memref<10016x48xf32, #tpu.memory_space<vmem_shared>>
        tpu.enqueue_indirect_dma source(%arg9 : memref<80x48xf32, #tpu.memory_space<vmem>>) target(%dma_start3A_70 : memref<10016x48xf32, #tpu.memory_space<vmem_shared>>) offsets(%dma_start3A_67 : memref<80xi32, #tpu.memory_space<vmem>>) semaphore(%run_scoped3A_64 : memref<!tpu.dma_semaphore, #tpu.memory_space<semaphore_mem>>) {add = true}
        %dma_wait3A_71 = arith.constant 0 : i32
        %dma_wait3A_72 = tpu.memref_slice %arg8[%mul3A_33, %dma_wait3A_71] : memref<125x80xi32, #tpu.memory_space<vmem>> -> memref<1x80xi32, #tpu.memory_space<vmem>>
        %dma_wait3A_73 = tpu.memref_squeeze %dma_wait3A_72 : memref<1x80xi32, #tpu.memory_space<vmem>> -> memref<80xi32, #tpu.memory_space<vmem>>
        %dma_wait3A_74 = arith.constant 0 : i32
        %dma_wait3A_75 = arith.constant 0 : i32
        %dma_wait3A_76 = tpu.memref_slice %arg11[%dma_wait3A_74, %dma_wait3A_75] : memref<10016x48xf32, #tpu.memory_space<vmem_shared>> -> memref<10016x48xf32, #tpu.memory_space<vmem_shared>>
        tpu.wait_indirect_dma semaphore(%run_scoped3A_64 : memref<!tpu.dma_semaphore, #tpu.memory_space<semaphore_mem>>) src(%arg9 : memref<80x48xf32, #tpu.memory_space<vmem>>) dst(%dma_wait3A_76 : memref<10016x48xf32, #tpu.memory_space<vmem_shared>>)
        tpu.yield
      }) : () -> ()
      %add3A_49 = arith.constant 2 : i32
      %add3A_50 = arith.addi %mul3A_33, %add3A_49 : i32
      %lt3A = arith.constant 125 : i32
      %lt3A_51 = arith.cmpi slt, %add3A_50, %lt3A : i32
      %convert_element_type3A_52 = arith.extui %lt3A_51 : i1 to i32
      %cond3A_53 = arith.constant 0 : i32
      %cond3A_54 = arith.cmpi ne, %convert_element_type3A_52, %cond3A_53 : i32
      scf.if %cond3A_54 {
        %add3A_64 = arith.constant 2 : i32
        %add3A_65 = arith.addi %mul3A_33, %add3A_64 : i32
        %dma_start3A_66 = arith.constant 0 : i32
        %dma_start3A_67 = tpu.memref_slice %arg7[%add3A_65, %dma_start3A_66] : memref<125x80xi32, #tpu.memory_space<vmem>> -> memref<1x80xi32, #tpu.memory_space<vmem>>
        %dma_start3A_68 = tpu.memref_squeeze %dma_start3A_67 : memref<1x80xi32, #tpu.memory_space<vmem>> -> memref<80xi32, #tpu.memory_space<vmem>>
        %dma_start3A_69 = arith.constant 0 : i32
        %dma_start3A_70 = arith.constant 0 : i32
        %dma_start3A_71 = tpu.memref_slice %arg2[%dma_start3A_69, %dma_start3A_70] : memref<10000x48xf32, #tpu.memory_space<hbm>> -> memref<10000x48xf32, #tpu.memory_space<hbm>>
        tpu.enqueue_indirect_dma source(%dma_start3A_71 : memref<10000x48xf32, #tpu.memory_space<hbm>>) target(%arg9 : memref<80x48xf32, #tpu.memory_space<vmem>>) offsets(%dma_start3A_68 : memref<80xi32, #tpu.memory_space<vmem>>) semaphore(%arg12 : memref<!tpu.dma_semaphore, #tpu.memory_space<semaphore_mem>>)
      } else {
      }
      %dma_wait3A_55 = arith.constant 0 : i32
      %dma_wait3A_56 = arith.constant 0 : i32
      %dma_wait3A_57 = tpu.memref_slice %arg7[%dma_wait3A_55, %dma_wait3A_56] : memref<125x80xi32, #tpu.memory_space<vmem>> -> memref<1x80xi32, #tpu.memory_space<vmem>>
      %dma_wait3A_58 = tpu.memref_squeeze %dma_wait3A_57 : memref<1x80xi32, #tpu.memory_space<vmem>> -> memref<80xi32, #tpu.memory_space<vmem>>
      %dma_wait3A_59 = arith.constant 0 : i32
      %dma_wait3A_60 = arith.constant 0 : i32
      %dma_wait3A_61 = tpu.memref_slice %arg2[%dma_wait3A_59, %dma_wait3A_60] : memref<10000x48xf32, #tpu.memory_space<hbm>> -> memref<10000x48xf32, #tpu.memory_space<hbm>>
      tpu.wait_indirect_dma semaphore(%arg13 : memref<!tpu.dma_semaphore, #tpu.memory_space<semaphore_mem>>) src(%dma_wait3A_61 : memref<10000x48xf32, #tpu.memory_space<hbm>>) dst(%arg10 : memref<80x48xf32, #tpu.memory_space<vmem>>)
      %add3A_62 = arith.constant 1 : i32
      %add3A_63 = arith.addi %mul3A_33, %add3A_62 : i32
      "tpu.region"() ({
        %run_scoped3A_64 = tpu.sem_alloc : memref<!tpu.dma_semaphore, #tpu.memory_space<semaphore_mem>>
        %dma_start3A_65 = arith.constant 0 : i32
        %dma_start3A_66 = tpu.memref_slice %arg8[%add3A_63, %dma_start3A_65] : memref<125x80xi32, #tpu.memory_space<vmem>> -> memref<1x80xi32, #tpu.memory_space<vmem>>
        %dma_start3A_67 = tpu.memref_squeeze %dma_start3A_66 : memref<1x80xi32, #tpu.memory_space<vmem>> -> memref<80xi32, #tpu.memory_space<vmem>>
        %dma_start3A_68 = arith.constant 0 : i32
        %dma_start3A_69 = arith.constant 0 : i32
        %dma_start3A_70 = tpu.memref_slice %arg11[%dma_start3A_68, %dma_start3A_69] : memref<10016x48xf32, #tpu.memory_space<vmem_shared>> -> memref<10016x48xf32, #tpu.memory_space<vmem_shared>>
        tpu.enqueue_indirect_dma source(%arg10 : memref<80x48xf32, #tpu.memory_space<vmem>>) target(%dma_start3A_70 : memref<10016x48xf32, #tpu.memory_space<vmem_shared>>) offsets(%dma_start3A_67 : memref<80xi32, #tpu.memory_space<vmem>>) semaphore(%run_scoped3A_64 : memref<!tpu.dma_semaphore, #tpu.memory_space<semaphore_mem>>) {add = true}
        %dma_wait3A_71 = arith.constant 0 : i32
        %dma_wait3A_72 = tpu.memref_slice %arg8[%add3A_63, %dma_wait3A_71] : memref<125x80xi32, #tpu.memory_space<vmem>> -> memref<1x80xi32, #tpu.memory_space<vmem>>
        %dma_wait3A_73 = tpu.memref_squeeze %dma_wait3A_72 : memref<1x80xi32, #tpu.memory_space<vmem>> -> memref<80xi32, #tpu.memory_space<vmem>>
        %dma_wait3A_74 = arith.constant 0 : i32
        %dma_wait3A_75 = arith.constant 0 : i32
        %dma_wait3A_76 = tpu.memref_slice %arg11[%dma_wait3A_74, %dma_wait3A_75] : memref<10016x48xf32, #tpu.memory_space<vmem_shared>> -> memref<10016x48xf32, #tpu.memory_space<vmem_shared>>
        tpu.wait_indirect_dma semaphore(%run_scoped3A_64 : memref<!tpu.dma_semaphore, #tpu.memory_space<semaphore_mem>>) src(%arg10 : memref<80x48xf32, #tpu.memory_space<vmem>>) dst(%dma_wait3A_76 : memref<10016x48xf32, #tpu.memory_space<vmem_shared>>)
        tpu.yield
      }) : () -> ()
    }
    %scan3A_14 = arith.constant 62 : i32
    %dma_wait3A = arith.constant 0 : i32
    %dma_wait3A_15 = arith.constant 0 : i32
    %dma_wait3A_16 = tpu.memref_slice %arg7[%dma_wait3A, %dma_wait3A_15] : memref<125x80xi32, #tpu.memory_space<vmem>> -> memref<1x80xi32, #tpu.memory_space<vmem>>
    %dma_wait3A_17 = tpu.memref_squeeze %dma_wait3A_16 : memref<1x80xi32, #tpu.memory_space<vmem>> -> memref<80xi32, #tpu.memory_space<vmem>>
    %dma_wait3A_18 = arith.constant 0 : i32
    %dma_wait3A_19 = arith.constant 0 : i32
    %dma_wait3A_20 = tpu.memref_slice %arg2[%dma_wait3A_18, %dma_wait3A_19] : memref<10000x48xf32, #tpu.memory_space<hbm>> -> memref<10000x48xf32, #tpu.memory_space<hbm>>
    tpu.wait_indirect_dma semaphore(%arg12 : memref<!tpu.dma_semaphore, #tpu.memory_space<semaphore_mem>>) src(%dma_wait3A_20 : memref<10000x48xf32, #tpu.memory_space<hbm>>) dst(%arg9 : memref<80x48xf32, #tpu.memory_space<vmem>>)
    %run_scoped3A = arith.constant 124 : i32
    "tpu.region"() ({
      %run_scoped3A_31 = tpu.sem_alloc : memref<!tpu.dma_semaphore, #tpu.memory_space<semaphore_mem>>
      %dma_start3A_32 = arith.constant 0 : i32
      %dma_start3A_33 = tpu.memref_slice %arg8[%run_scoped3A, %dma_start3A_32] : memref<125x80xi32, #tpu.memory_space<vmem>> -> memref<1x80xi32, #tpu.memory_space<vmem>>
      %dma_start3A_34 = tpu.memref_squeeze %dma_start3A_33 : memref<1x80xi32, #tpu.memory_space<vmem>> -> memref<80xi32, #tpu.memory_space<vmem>>
      %dma_start3A_35 = arith.constant 0 : i32
      %dma_start3A_36 = arith.constant 0 : i32
      %dma_start3A_37 = tpu.memref_slice %arg11[%dma_start3A_35, %dma_start3A_36] : memref<10016x48xf32, #tpu.memory_space<vmem_shared>> -> memref<10016x48xf32, #tpu.memory_space<vmem_shared>>
      tpu.enqueue_indirect_dma source(%arg9 : memref<80x48xf32, #tpu.memory_space<vmem>>) target(%dma_start3A_37 : memref<10016x48xf32, #tpu.memory_space<vmem_shared>>) offsets(%dma_start3A_34 : memref<80xi32, #tpu.memory_space<vmem>>) semaphore(%run_scoped3A_31 : memref<!tpu.dma_semaphore, #tpu.memory_space<semaphore_mem>>) {add = true}
      %dma_wait3A_38 = arith.constant 0 : i32
      %dma_wait3A_39 = tpu.memref_slice %arg8[%run_scoped3A, %dma_wait3A_38] : memref<125x80xi32, #tpu.memory_space<vmem>> -> memref<1x80xi32, #tpu.memory_space<vmem>>
      %dma_wait3A_40 = tpu.memref_squeeze %dma_wait3A_39 : memref<1x80xi32, #tpu.memory_space<vmem>> -> memref<80xi32, #tpu.memory_space<vmem>>
      %dma_wait3A_41 = arith.constant 0 : i32
      %dma_wait3A_42 = arith.constant 0 : i32
      %dma_wait3A_43 = tpu.memref_slice %arg11[%dma_wait3A_41, %dma_wait3A_42] : memref<10016x48xf32, #tpu.memory_space<vmem_shared>> -> memref<10016x48xf32, #tpu.memory_space<vmem_shared>>
      tpu.wait_indirect_dma semaphore(%run_scoped3A_31 : memref<!tpu.dma_semaphore, #tpu.memory_space<semaphore_mem>>) src(%arg9 : memref<80x48xf32, #tpu.memory_space<vmem>>) dst(%dma_wait3A_43 : memref<10016x48xf32, #tpu.memory_space<vmem_shared>>)
      tpu.yield
    }) : () -> ()
    %barrier3A_21 = arith.constant 0 : index
    tpu.barrier barrier_id(%barrier3A_21)
    %mul3A_22 = arith.constant 624 : i32
    %mul3A_23 = arith.muli %arg1, %mul3A_22 : i32
    %mul3A_24 = arith.constant 624 : i32
    %mul3A_25 = arith.muli %arg1, %mul3A_24 : i32
    "tpu.region"() ({
      %run_scoped3A_31 = tpu.sem_alloc : memref<!tpu.dma_semaphore, #tpu.memory_space<semaphore_mem>>
      %dma_start3A_32 = arith.constant 0 : i32
      %dma_start3A_33 = tpu.memref_slice %arg6[%arg0, %mul3A_25, %dma_start3A_32] : memref<2x10000x48xf32, #tpu.memory_space<hbm>> -> memref<1x624x48xf32, #tpu.memory_space<hbm>>
      %dma_start3A_34 = tpu.memref_squeeze %dma_start3A_33 : memref<1x624x48xf32, #tpu.memory_space<hbm>> -> memref<624x48xf32, #tpu.memory_space<hbm>>
      %dma_start3A_35 = arith.constant 0 : i32
      %dma_start3A_36 = tpu.memref_slice %arg11[%mul3A_23, %dma_start3A_35] : memref<10016x48xf32, #tpu.memory_space<vmem_shared>> -> memref<624x48xf32, #tpu.memory_space<vmem_shared>>
      tpu.enqueue_dma source(%dma_start3A_36 : memref<624x48xf32, #tpu.memory_space<vmem_shared>>) target(%dma_start3A_34 : memref<624x48xf32, #tpu.memory_space<hbm>>) target_semaphore(%run_scoped3A_31 : memref<!tpu.dma_semaphore, #tpu.memory_space<semaphore_mem>>)
      %dma_wait3A_37 = arith.constant 0 : i32
      %dma_wait3A_38 = tpu.memref_slice %arg6[%arg0, %mul3A_25, %dma_wait3A_37] : memref<2x10000x48xf32, #tpu.memory_space<hbm>> -> memref<1x624x48xf32, #tpu.memory_space<hbm>>
      %dma_wait3A_39 = tpu.memref_squeeze %dma_wait3A_38 : memref<1x624x48xf32, #tpu.memory_space<hbm>> -> memref<624x48xf32, #tpu.memory_space<hbm>>
      %dma_wait3A_40 = arith.constant 0 : i32
      %dma_wait3A_41 = tpu.memref_slice %arg11[%mul3A_23, %dma_wait3A_40] : memref<10016x48xf32, #tpu.memory_space<vmem_shared>> -> memref<624x48xf32, #tpu.memory_space<vmem_shared>>
      tpu.wait_dma2 semaphore(%run_scoped3A_31 : memref<!tpu.dma_semaphore, #tpu.memory_space<semaphore_mem>>) src(%dma_wait3A_41 : memref<624x48xf32, #tpu.memory_space<vmem_shared>>) dst(%dma_wait3A_39 : memref<624x48xf32, #tpu.memory_space<hbm>>)
      tpu.yield
    }) : () -> ()
    %eq3A_26 = arith.constant 0 : i32
    %eq3A_27 = arith.cmpi eq, %arg1, %eq3A_26 : i32
    %convert_element_type3A_28 = arith.extui %eq3A_27 : i1 to i32
    %cond3A_29 = arith.constant 0 : i32
    %cond3A_30 = arith.cmpi ne, %convert_element_type3A_28, %cond3A_29 : i32
    scf.if %cond3A_30 {
      "tpu.region"() ({
        %run_scoped3A_31 = tpu.sem_alloc : memref<!tpu.dma_semaphore, #tpu.memory_space<semaphore_mem>>
        %dma_start3A_32 = arith.constant 9984 : i32
        %dma_start3A_33 = arith.constant 0 : i32
        %dma_start3A_34 = tpu.memref_slice %arg6[%arg0, %dma_start3A_32, %dma_start3A_33] : memref<2x10000x48xf32, #tpu.memory_space<hbm>> -> memref<1x16x48xf32, #tpu.memory_space<hbm>>
        %dma_start3A_35 = tpu.memref_squeeze %dma_start3A_34 : memref<1x16x48xf32, #tpu.memory_space<hbm>> -> memref<16x48xf32, #tpu.memory_space<hbm>>
        %dma_start3A_36 = arith.constant 9984 : i32
        %dma_start3A_37 = arith.constant 0 : i32
        %dma_start3A_38 = tpu.memref_slice %arg11[%dma_start3A_36, %dma_start3A_37] : memref<10016x48xf32, #tpu.memory_space<vmem_shared>> -> memref<16x48xf32, #tpu.memory_space<vmem_shared>>
        tpu.enqueue_dma source(%dma_start3A_38 : memref<16x48xf32, #tpu.memory_space<vmem_shared>>) target(%dma_start3A_35 : memref<16x48xf32, #tpu.memory_space<hbm>>) target_semaphore(%run_scoped3A_31 : memref<!tpu.dma_semaphore, #tpu.memory_space<semaphore_mem>>)
        %dma_wait3A_39 = arith.constant 9984 : i32
        %dma_wait3A_40 = arith.constant 0 : i32
        %dma_wait3A_41 = tpu.memref_slice %arg6[%arg0, %dma_wait3A_39, %dma_wait3A_40] : memref<2x10000x48xf32, #tpu.memory_space<hbm>> -> memref<1x16x48xf32, #tpu.memory_space<hbm>>
        %dma_wait3A_42 = tpu.memref_squeeze %dma_wait3A_41 : memref<1x16x48xf32, #tpu.memory_space<hbm>> -> memref<16x48xf32, #tpu.memory_space<hbm>>
        %dma_wait3A_43 = arith.constant 9984 : i32
        %dma_wait3A_44 = arith.constant 0 : i32
        %dma_wait3A_45 = tpu.memref_slice %arg11[%dma_wait3A_43, %dma_wait3A_44] : memref<10016x48xf32, #tpu.memory_space<vmem_shared>> -> memref<16x48xf32, #tpu.memory_space<vmem_shared>>
        tpu.wait_dma2 semaphore(%run_scoped3A_31 : memref<!tpu.dma_semaphore, #tpu.memory_space<semaphore_mem>>) src(%dma_wait3A_45 : memref<16x48xf32, #tpu.memory_space<vmem_shared>>) dst(%dma_wait3A_42 : memref<16x48xf32, #tpu.memory_space<hbm>>)
        tpu.yield
      }) : () -> ()
    } else {
    }
    return
  }
}

#map = affine_map<(d0, d1) -> (0, 0)>
#map1 = affine_map<(d0, d1) -> (0, 0, 0)>
module attributes {stable_mosaic.version = 14 : i64} {
  func.func @agg(%arg0: i32, %arg1: i32, %arg2: memref<10000x48xf32, #tpu.memory_space<hbm>>, %arg3: memref<32x125x80xi32, #tpu.memory_space<hbm>>, %arg4: memref<32x125x80xi32, #tpu.memory_space<hbm>>, %arg5: memref<624x48xf32, #tpu.memory_space<hbm>>, %arg6: memref<2x10000x48xf32, #tpu.memory_space<hbm>>, %arg7: memref<125x80xi32, #tpu.memory_space<vmem>>, %arg8: memref<125x80xi32, #tpu.memory_space<vmem>>, %arg9: memref<80x48xf32, #tpu.memory_space<vmem>>, %arg10: memref<80x48xf32, #tpu.memory_space<vmem>>, %arg11: memref<10016x48xf32, #tpu.memory_space<vmem_shared>>, %arg12: memref<!tpu.dma_semaphore, #tpu.memory_space<semaphore_mem>>, %arg13: memref<!tpu.dma_semaphore, #tpu.memory_space<semaphore_mem>>) attributes {dimension_semantics = [#tpu.dimension_semantics<core_parallel>, #tpu.dimension_semantics<subcore_parallel>], iteration_bounds = array<i64: 2, 16>, scalar_prefetch = 0 : i64, scratch_operands = 7 : i64, tpu.core_type = #tpu.core_type<sc_vector_subcore>, window_params = [{transform_indices = #map}, {transform_indices = #map1}, {transform_indices = #map1}, {transform_indices = #map}, {transform_indices = #map1}]} {
    %mul3A = arith.constant 2 : i32
    %mul3A_0 = arith.muli %arg1, %mul3A : i32
    %add3A = arith.addi %mul3A_0, %arg0 : i32
    %mul3A_1 = arith.constant 624 : i32
    %mul3A_2 = arith.muli %arg1, %mul3A_1 : i32
    "tpu.region"() ({
      %run_scoped3A_31 = tpu.sem_alloc : memref<!tpu.dma_semaphore, #tpu.memory_space<semaphore_mem>>
      %dma_start3A_32 = arith.constant 0 : i32
      %dma_start3A_33 = tpu.memref_slice %arg11[%mul3A_2, %dma_start3A_32] : memref<10016x48xf32, #tpu.memory_space<vmem_shared>> -> memref<624x48xf32, #tpu.memory_space<vmem_shared>>
      tpu.enqueue_dma source(%arg5 : memref<624x48xf32, #tpu.memory_space<hbm>>) target(%dma_start3A_33 : memref<624x48xf32, #tpu.memory_space<vmem_shared>>) target_semaphore(%run_scoped3A_31 : memref<!tpu.dma_semaphore, #tpu.memory_space<semaphore_mem>>)
      %dma_wait3A_34 = arith.constant 0 : i32
      %dma_wait3A_35 = tpu.memref_slice %arg11[%mul3A_2, %dma_wait3A_34] : memref<10016x48xf32, #tpu.memory_space<vmem_shared>> -> memref<624x48xf32, #tpu.memory_space<vmem_shared>>
      tpu.wait_dma2 semaphore(%run_scoped3A_31 : memref<!tpu.dma_semaphore, #tpu.memory_space<semaphore_mem>>) src(%arg5 : memref<624x48xf32, #tpu.memory_space<hbm>>) dst(%dma_wait3A_35 : memref<624x48xf32, #tpu.memory_space<vmem_shared>>)
      tpu.yield
    }) : () -> ()
    %eq3A = arith.constant 0 : i32
    %eq3A_3 = arith.cmpi eq, %arg1, %eq3A : i32
    %convert_element_type3A = arith.extui %eq3A_3 : i1 to i32
    %cond3A = arith.constant 0 : i32
    %cond3A_4 = arith.cmpi ne, %convert_element_type3A, %cond3A : i32
    scf.if %cond3A_4 {
      "tpu.region"() ({
        %run_scoped3A_31 = tpu.sem_alloc : memref<!tpu.dma_semaphore, #tpu.memory_space<semaphore_mem>>
        %dma_start3A_32 = arith.constant 9984 : i32
        %dma_start3A_33 = arith.constant 0 : i32
        %dma_start3A_34 = tpu.memref_slice %arg11[%dma_start3A_32, %dma_start3A_33] : memref<10016x48xf32, #tpu.memory_space<vmem_shared>> -> memref<32x48xf32, #tpu.memory_space<vmem_shared>>
        %dma_start3A_35 = arith.constant 0 : i32
        %dma_start3A_36 = arith.constant 0 : i32
        %dma_start3A_37 = tpu.memref_slice %arg5[%dma_start3A_35, %dma_start3A_36] : memref<624x48xf32, #tpu.memory_space<hbm>> -> memref<32x48xf32, #tpu.memory_space<hbm>>
        tpu.enqueue_dma source(%dma_start3A_37 : memref<32x48xf32, #tpu.memory_space<hbm>>) target(%dma_start3A_34 : memref<32x48xf32, #tpu.memory_space<vmem_shared>>) target_semaphore(%run_scoped3A_31 : memref<!tpu.dma_semaphore, #tpu.memory_space<semaphore_mem>>)
        %dma_wait3A_38 = arith.constant 9984 : i32
        %dma_wait3A_39 = arith.constant 0 : i32
        %dma_wait3A_40 = tpu.memref_slice %arg11[%dma_wait3A_38, %dma_wait3A_39] : memref<10016x48xf32, #tpu.memory_space<vmem_shared>> -> memref<32x48xf32, #tpu.memory_space<vmem_shared>>
        %dma_wait3A_41 = arith.constant 0 : i32
        %dma_wait3A_42 = arith.constant 0 : i32
        %dma_wait3A_43 = tpu.memref_slice %arg5[%dma_wait3A_41, %dma_wait3A_42] : memref<624x48xf32, #tpu.memory_space<hbm>> -> memref<32x48xf32, #tpu.memory_space<hbm>>
        tpu.wait_dma2 semaphore(%run_scoped3A_31 : memref<!tpu.dma_semaphore, #tpu.memory_space<semaphore_mem>>) src(%dma_wait3A_43 : memref<32x48xf32, #tpu.memory_space<hbm>>) dst(%dma_wait3A_40 : memref<32x48xf32, #tpu.memory_space<vmem_shared>>)
        tpu.yield
      }) : () -> ()
    } else {
    }
    "tpu.region"() ({
      %run_scoped3A_31 = tpu.sem_alloc : memref<!tpu.dma_semaphore, #tpu.memory_space<semaphore_mem>>
      %dma_start3A_32 = arith.constant 0 : i32
      %dma_start3A_33 = arith.constant 0 : i32
      %dma_start3A_34 = tpu.memref_slice %arg3[%add3A, %dma_start3A_32, %dma_start3A_33] : memref<32x125x80xi32, #tpu.memory_space<hbm>> -> memref<1x125x80xi32, #tpu.memory_space<hbm>>
      %dma_start3A_35 = tpu.memref_squeeze %dma_start3A_34 : memref<1x125x80xi32, #tpu.memory_space<hbm>> -> memref<125x80xi32, #tpu.memory_space<hbm>>
      %dma_start3A_36 = arith.constant 0 : i32
      %dma_start3A_37 = arith.constant 0 : i32
      %dma_start3A_38 = tpu.memref_slice %arg3[%add3A, %dma_start3A_36, %dma_start3A_37] : memref<32x125x80xi32, #tpu.memory_space<hbm>> -> memref<1x125x80xi32, #tpu.memory_space<hbm>>
      %dma_start3A_39 = tpu.memref_squeeze %dma_start3A_38 : memref<1x125x80xi32, #tpu.memory_space<hbm>> -> memref<125x80xi32, #tpu.memory_space<hbm>>
      tpu.enqueue_dma source(%dma_start3A_39 : memref<125x80xi32, #tpu.memory_space<hbm>>) target(%arg7 : memref<125x80xi32, #tpu.memory_space<vmem>>) target_semaphore(%run_scoped3A_31 : memref<!tpu.dma_semaphore, #tpu.memory_space<semaphore_mem>>)
      %dma_wait3A_40 = arith.constant 0 : i32
      %dma_wait3A_41 = arith.constant 0 : i32
      %dma_wait3A_42 = tpu.memref_slice %arg3[%add3A, %dma_wait3A_40, %dma_wait3A_41] : memref<32x125x80xi32, #tpu.memory_space<hbm>> -> memref<1x125x80xi32, #tpu.memory_space<hbm>>
      %dma_wait3A_43 = tpu.memref_squeeze %dma_wait3A_42 : memref<1x125x80xi32, #tpu.memory_space<hbm>> -> memref<125x80xi32, #tpu.memory_space<hbm>>
      %dma_wait3A_44 = arith.constant 0 : i32
      %dma_wait3A_45 = arith.constant 0 : i32
      %dma_wait3A_46 = tpu.memref_slice %arg3[%add3A, %dma_wait3A_44, %dma_wait3A_45] : memref<32x125x80xi32, #tpu.memory_space<hbm>> -> memref<1x125x80xi32, #tpu.memory_space<hbm>>
      %dma_wait3A_47 = tpu.memref_squeeze %dma_wait3A_46 : memref<1x125x80xi32, #tpu.memory_space<hbm>> -> memref<125x80xi32, #tpu.memory_space<hbm>>
      tpu.wait_dma2 semaphore(%run_scoped3A_31 : memref<!tpu.dma_semaphore, #tpu.memory_space<semaphore_mem>>) src(%dma_wait3A_47 : memref<125x80xi32, #tpu.memory_space<hbm>>) dst(%arg7 : memref<125x80xi32, #tpu.memory_space<vmem>>)
      tpu.yield
    }) : () -> ()
    "tpu.region"() ({
      %run_scoped3A_31 = tpu.sem_alloc : memref<!tpu.dma_semaphore, #tpu.memory_space<semaphore_mem>>
      %dma_start3A_32 = arith.constant 0 : i32
      %dma_start3A_33 = arith.constant 0 : i32
      %dma_start3A_34 = tpu.memref_slice %arg4[%add3A, %dma_start3A_32, %dma_start3A_33] : memref<32x125x80xi32, #tpu.memory_space<hbm>> -> memref<1x125x80xi32, #tpu.memory_space<hbm>>
      %dma_start3A_35 = tpu.memref_squeeze %dma_start3A_34 : memref<1x125x80xi32, #tpu.memory_space<hbm>> -> memref<125x80xi32, #tpu.memory_space<hbm>>
      %dma_start3A_36 = arith.constant 0 : i32
      %dma_start3A_37 = arith.constant 0 : i32
      %dma_start3A_38 = tpu.memref_slice %arg4[%add3A, %dma_start3A_36, %dma_start3A_37] : memref<32x125x80xi32, #tpu.memory_space<hbm>> -> memref<1x125x80xi32, #tpu.memory_space<hbm>>
      %dma_start3A_39 = tpu.memref_squeeze %dma_start3A_38 : memref<1x125x80xi32, #tpu.memory_space<hbm>> -> memref<125x80xi32, #tpu.memory_space<hbm>>
      tpu.enqueue_dma source(%dma_start3A_39 : memref<125x80xi32, #tpu.memory_space<hbm>>) target(%arg8 : memref<125x80xi32, #tpu.memory_space<vmem>>) target_semaphore(%run_scoped3A_31 : memref<!tpu.dma_semaphore, #tpu.memory_space<semaphore_mem>>)
      %dma_wait3A_40 = arith.constant 0 : i32
      %dma_wait3A_41 = arith.constant 0 : i32
      %dma_wait3A_42 = tpu.memref_slice %arg4[%add3A, %dma_wait3A_40, %dma_wait3A_41] : memref<32x125x80xi32, #tpu.memory_space<hbm>> -> memref<1x125x80xi32, #tpu.memory_space<hbm>>
      %dma_wait3A_43 = tpu.memref_squeeze %dma_wait3A_42 : memref<1x125x80xi32, #tpu.memory_space<hbm>> -> memref<125x80xi32, #tpu.memory_space<hbm>>
      %dma_wait3A_44 = arith.constant 0 : i32
      %dma_wait3A_45 = arith.constant 0 : i32
      %dma_wait3A_46 = tpu.memref_slice %arg4[%add3A, %dma_wait3A_44, %dma_wait3A_45] : memref<32x125x80xi32, #tpu.memory_space<hbm>> -> memref<1x125x80xi32, #tpu.memory_space<hbm>>
      %dma_wait3A_47 = tpu.memref_squeeze %dma_wait3A_46 : memref<1x125x80xi32, #tpu.memory_space<hbm>> -> memref<125x80xi32, #tpu.memory_space<hbm>>
      tpu.wait_dma2 semaphore(%run_scoped3A_31 : memref<!tpu.dma_semaphore, #tpu.memory_space<semaphore_mem>>) src(%dma_wait3A_47 : memref<125x80xi32, #tpu.memory_space<hbm>>) dst(%arg8 : memref<125x80xi32, #tpu.memory_space<vmem>>)
      tpu.yield
    }) : () -> ()
    %barrier3A = arith.constant 0 : index
    tpu.barrier barrier_id(%barrier3A)
    %dma_start3A = arith.constant 0 : i32
    %dma_start3A_5 = arith.constant 0 : i32
    %dma_start3A_6 = tpu.memref_slice %arg7[%dma_start3A, %dma_start3A_5] : memref<125x80xi32, #tpu.memory_space<vmem>> -> memref<1x80xi32, #tpu.memory_space<vmem>>
    %dma_start3A_7 = tpu.memref_squeeze %dma_start3A_6 : memref<1x80xi32, #tpu.memory_space<vmem>> -> memref<80xi32, #tpu.memory_space<vmem>>
    %dma_start3A_8 = arith.constant 0 : i32
    %dma_start3A_9 = arith.constant 0 : i32
    %dma_start3A_10 = tpu.memref_slice %arg2[%dma_start3A_8, %dma_start3A_9] : memref<10000x48xf32, #tpu.memory_space<hbm>> -> memref<10000x48xf32, #tpu.memory_space<hbm>>
    tpu.enqueue_indirect_dma source(%dma_start3A_10 : memref<10000x48xf32, #tpu.memory_space<hbm>>) target(%arg9 : memref<80x48xf32, #tpu.memory_space<vmem>>) offsets(%dma_start3A_7 : memref<80xi32, #tpu.memory_space<vmem>>) semaphore(%arg12 : memref<!tpu.dma_semaphore, #tpu.memory_space<semaphore_mem>>)
    %scan3A = arith.constant 0 : i32
    %scan3A_11 = arith.constant 62 : i32
    %scan3A_12 = arith.addi %scan3A, %scan3A_11 : i32
    %scan3A_13 = arith.constant 1 : i32
    scf.for %scan3A_31 = %scan3A to %scan3A_12 step %scan3A_13  : i32 {
      %mul3A_32 = arith.constant 2 : i32
      %mul3A_33 = arith.muli %mul3A_32, %scan3A_31 : i32
      %add3A_34 = arith.constant 1 : i32
      %add3A_35 = arith.addi %mul3A_33, %add3A_34 : i32
      %dma_start3A_36 = arith.constant 0 : i32
      %dma_start3A_37 = tpu.memref_slice %arg7[%add3A_35, %dma_start3A_36] : memref<125x80xi32, #tpu.memory_space<vmem>> -> memref<1x80xi32, #tpu.memory_space<vmem>>
      %dma_start3A_38 = tpu.memref_squeeze %dma_start3A_37 : memref<1x80xi32, #tpu.memory_space<vmem>> -> memref<80xi32, #tpu.memory_space<vmem>>
      %dma_start3A_39 = arith.constant 0 : i32
      %dma_start3A_40 = arith.constant 0 : i32
      %dma_start3A_41 = tpu.memref_slice %arg2[%dma_start3A_39, %dma_start3A_40] : memref<10000x48xf32, #tpu.memory_space<hbm>> -> memref<10000x48xf32, #tpu.memory_space<hbm>>
      tpu.enqueue_indirect_dma source(%dma_start3A_41 : memref<10000x48xf32, #tpu.memory_space<hbm>>) target(%arg10 : memref<80x48xf32, #tpu.memory_space<vmem>>) offsets(%dma_start3A_38 : memref<80xi32, #tpu.memory_space<vmem>>) semaphore(%arg13 : memref<!tpu.dma_semaphore, #tpu.memory_space<semaphore_mem>>)
      %dma_wait3A_42 = arith.constant 0 : i32
      %dma_wait3A_43 = arith.constant 0 : i32
      %dma_wait3A_44 = tpu.memref_slice %arg7[%dma_wait3A_42, %dma_wait3A_43] : memref<125x80xi32, #tpu.memory_space<vmem>> -> memref<1x80xi32, #tpu.memory_space<vmem>>
      %dma_wait3A_45 = tpu.memref_squeeze %dma_wait3A_44 : memref<1x80xi32, #tpu.memory_space<vmem>> -> memref<80xi32, #tpu.memory_space<vmem>>
      %dma_wait3A_46 = arith.constant 0 : i32
      %dma_wait3A_47 = arith.constant 0 : i32
      %dma_wait3A_48 = tpu.memref_slice %arg2[%dma_wait3A_46, %dma_wait3A_47] : memref<10000x48xf32, #tpu.memory_space<hbm>> -> memref<10000x48xf32, #tpu.memory_space<hbm>>
      tpu.wait_indirect_dma semaphore(%arg12 : memref<!tpu.dma_semaphore, #tpu.memory_space<semaphore_mem>>) src(%dma_wait3A_48 : memref<10000x48xf32, #tpu.memory_space<hbm>>) dst(%arg9 : memref<80x48xf32, #tpu.memory_space<vmem>>)
      "tpu.region"() ({
        %run_scoped3A_64 = tpu.sem_alloc : memref<!tpu.dma_semaphore, #tpu.memory_space<semaphore_mem>>
        %dma_start3A_65 = arith.constant 0 : i32
        %dma_start3A_66 = tpu.memref_slice %arg8[%mul3A_33, %dma_start3A_65] : memref<125x80xi32, #tpu.memory_space<vmem>> -> memref<1x80xi32, #tpu.memory_space<vmem>>
        %dma_start3A_67 = tpu.memref_squeeze %dma_start3A_66 : memref<1x80xi32, #tpu.memory_space<vmem>> -> memref<80xi32, #tpu.memory_space<vmem>>
        %dma_start3A_68 = arith.constant 0 : i32
        %dma_start3A_69 = arith.constant 0 : i32
        %dma_start3A_70 = tpu.memref_slice %arg11[%dma_start3A_68, %dma_start3A_69] : memref<10016x48xf32, #tpu.memory_space<vmem_shared>> -> memref<10016x48xf32, #tpu.memory_space<vmem_shared>>
        tpu.enqueue_indirect_dma source(%arg9 : memref<80x48xf32, #tpu.memory_space<vmem>>) target(%dma_start3A_70 : memref<10016x48xf32, #tpu.memory_space<vmem_shared>>) offsets(%dma_start3A_67 : memref<80xi32, #tpu.memory_space<vmem>>) semaphore(%run_scoped3A_64 : memref<!tpu.dma_semaphore, #tpu.memory_space<semaphore_mem>>) {add = true}
        %dma_wait3A_71 = arith.constant 0 : i32
        %dma_wait3A_72 = tpu.memref_slice %arg8[%mul3A_33, %dma_wait3A_71] : memref<125x80xi32, #tpu.memory_space<vmem>> -> memref<1x80xi32, #tpu.memory_space<vmem>>
        %dma_wait3A_73 = tpu.memref_squeeze %dma_wait3A_72 : memref<1x80xi32, #tpu.memory_space<vmem>> -> memref<80xi32, #tpu.memory_space<vmem>>
        %dma_wait3A_74 = arith.constant 0 : i32
        %dma_wait3A_75 = arith.constant 0 : i32
        %dma_wait3A_76 = tpu.memref_slice %arg11[%dma_wait3A_74, %dma_wait3A_75] : memref<10016x48xf32, #tpu.memory_space<vmem_shared>> -> memref<10016x48xf32, #tpu.memory_space<vmem_shared>>
        tpu.wait_indirect_dma semaphore(%run_scoped3A_64 : memref<!tpu.dma_semaphore, #tpu.memory_space<semaphore_mem>>) src(%arg9 : memref<80x48xf32, #tpu.memory_space<vmem>>) dst(%dma_wait3A_76 : memref<10016x48xf32, #tpu.memory_space<vmem_shared>>)
        tpu.yield
      }) : () -> ()
      %add3A_49 = arith.constant 2 : i32
      %add3A_50 = arith.addi %mul3A_33, %add3A_49 : i32
      %lt3A = arith.constant 125 : i32
      %lt3A_51 = arith.cmpi slt, %add3A_50, %lt3A : i32
      %convert_element_type3A_52 = arith.extui %lt3A_51 : i1 to i32
      %cond3A_53 = arith.constant 0 : i32
      %cond3A_54 = arith.cmpi ne, %convert_element_type3A_52, %cond3A_53 : i32
      scf.if %cond3A_54 {
        %add3A_64 = arith.constant 2 : i32
        %add3A_65 = arith.addi %mul3A_33, %add3A_64 : i32
        %dma_start3A_66 = arith.constant 0 : i32
        %dma_start3A_67 = tpu.memref_slice %arg7[%add3A_65, %dma_start3A_66] : memref<125x80xi32, #tpu.memory_space<vmem>> -> memref<1x80xi32, #tpu.memory_space<vmem>>
        %dma_start3A_68 = tpu.memref_squeeze %dma_start3A_67 : memref<1x80xi32, #tpu.memory_space<vmem>> -> memref<80xi32, #tpu.memory_space<vmem>>
        %dma_start3A_69 = arith.constant 0 : i32
        %dma_start3A_70 = arith.constant 0 : i32
        %dma_start3A_71 = tpu.memref_slice %arg2[%dma_start3A_69, %dma_start3A_70] : memref<10000x48xf32, #tpu.memory_space<hbm>> -> memref<10000x48xf32, #tpu.memory_space<hbm>>
        tpu.enqueue_indirect_dma source(%dma_start3A_71 : memref<10000x48xf32, #tpu.memory_space<hbm>>) target(%arg9 : memref<80x48xf32, #tpu.memory_space<vmem>>) offsets(%dma_start3A_68 : memref<80xi32, #tpu.memory_space<vmem>>) semaphore(%arg12 : memref<!tpu.dma_semaphore, #tpu.memory_space<semaphore_mem>>)
      } else {
      }
      %dma_wait3A_55 = arith.constant 0 : i32
      %dma_wait3A_56 = arith.constant 0 : i32
      %dma_wait3A_57 = tpu.memref_slice %arg7[%dma_wait3A_55, %dma_wait3A_56] : memref<125x80xi32, #tpu.memory_space<vmem>> -> memref<1x80xi32, #tpu.memory_space<vmem>>
      %dma_wait3A_58 = tpu.memref_squeeze %dma_wait3A_57 : memref<1x80xi32, #tpu.memory_space<vmem>> -> memref<80xi32, #tpu.memory_space<vmem>>
      %dma_wait3A_59 = arith.constant 0 : i32
      %dma_wait3A_60 = arith.constant 0 : i32
      %dma_wait3A_61 = tpu.memref_slice %arg2[%dma_wait3A_59, %dma_wait3A_60] : memref<10000x48xf32, #tpu.memory_space<hbm>> -> memref<10000x48xf32, #tpu.memory_space<hbm>>
      tpu.wait_indirect_dma semaphore(%arg13 : memref<!tpu.dma_semaphore, #tpu.memory_space<semaphore_mem>>) src(%dma_wait3A_61 : memref<10000x48xf32, #tpu.memory_space<hbm>>) dst(%arg10 : memref<80x48xf32, #tpu.memory_space<vmem>>)
      %add3A_62 = arith.constant 1 : i32
      %add3A_63 = arith.addi %mul3A_33, %add3A_62 : i32
      "tpu.region"() ({
        %run_scoped3A_64 = tpu.sem_alloc : memref<!tpu.dma_semaphore, #tpu.memory_space<semaphore_mem>>
        %dma_start3A_65 = arith.constant 0 : i32
        %dma_start3A_66 = tpu.memref_slice %arg8[%add3A_63, %dma_start3A_65] : memref<125x80xi32, #tpu.memory_space<vmem>> -> memref<1x80xi32, #tpu.memory_space<vmem>>
        %dma_start3A_67 = tpu.memref_squeeze %dma_start3A_66 : memref<1x80xi32, #tpu.memory_space<vmem>> -> memref<80xi32, #tpu.memory_space<vmem>>
        %dma_start3A_68 = arith.constant 0 : i32
        %dma_start3A_69 = arith.constant 0 : i32
        %dma_start3A_70 = tpu.memref_slice %arg11[%dma_start3A_68, %dma_start3A_69] : memref<10016x48xf32, #tpu.memory_space<vmem_shared>> -> memref<10016x48xf32, #tpu.memory_space<vmem_shared>>
        tpu.enqueue_indirect_dma source(%arg10 : memref<80x48xf32, #tpu.memory_space<vmem>>) target(%dma_start3A_70 : memref<10016x48xf32, #tpu.memory_space<vmem_shared>>) offsets(%dma_start3A_67 : memref<80xi32, #tpu.memory_space<vmem>>) semaphore(%run_scoped3A_64 : memref<!tpu.dma_semaphore, #tpu.memory_space<semaphore_mem>>) {add = true}
        %dma_wait3A_71 = arith.constant 0 : i32
        %dma_wait3A_72 = tpu.memref_slice %arg8[%add3A_63, %dma_wait3A_71] : memref<125x80xi32, #tpu.memory_space<vmem>> -> memref<1x80xi32, #tpu.memory_space<vmem>>
        %dma_wait3A_73 = tpu.memref_squeeze %dma_wait3A_72 : memref<1x80xi32, #tpu.memory_space<vmem>> -> memref<80xi32, #tpu.memory_space<vmem>>
        %dma_wait3A_74 = arith.constant 0 : i32
        %dma_wait3A_75 = arith.constant 0 : i32
        %dma_wait3A_76 = tpu.memref_slice %arg11[%dma_wait3A_74, %dma_wait3A_75] : memref<10016x48xf32, #tpu.memory_space<vmem_shared>> -> memref<10016x48xf32, #tpu.memory_space<vmem_shared>>
        tpu.wait_indirect_dma semaphore(%run_scoped3A_64 : memref<!tpu.dma_semaphore, #tpu.memory_space<semaphore_mem>>) src(%arg10 : memref<80x48xf32, #tpu.memory_space<vmem>>) dst(%dma_wait3A_76 : memref<10016x48xf32, #tpu.memory_space<vmem_shared>>)
        tpu.yield
      }) : () -> ()
    }
    %scan3A_14 = arith.constant 62 : i32
    %dma_wait3A = arith.constant 0 : i32
    %dma_wait3A_15 = arith.constant 0 : i32
    %dma_wait3A_16 = tpu.memref_slice %arg7[%dma_wait3A, %dma_wait3A_15] : memref<125x80xi32, #tpu.memory_space<vmem>> -> memref<1x80xi32, #tpu.memory_space<vmem>>
    %dma_wait3A_17 = tpu.memref_squeeze %dma_wait3A_16 : memref<1x80xi32, #tpu.memory_space<vmem>> -> memref<80xi32, #tpu.memory_space<vmem>>
    %dma_wait3A_18 = arith.constant 0 : i32
    %dma_wait3A_19 = arith.constant 0 : i32
    %dma_wait3A_20 = tpu.memref_slice %arg2[%dma_wait3A_18, %dma_wait3A_19] : memref<10000x48xf32, #tpu.memory_space<hbm>> -> memref<10000x48xf32, #tpu.memory_space<hbm>>
    tpu.wait_indirect_dma semaphore(%arg12 : memref<!tpu.dma_semaphore, #tpu.memory_space<semaphore_mem>>) src(%dma_wait3A_20 : memref<10000x48xf32, #tpu.memory_space<hbm>>) dst(%arg9 : memref<80x48xf32, #tpu.memory_space<vmem>>)
    %run_scoped3A = arith.constant 124 : i32
    "tpu.region"() ({
      %run_scoped3A_31 = tpu.sem_alloc : memref<!tpu.dma_semaphore, #tpu.memory_space<semaphore_mem>>
      %dma_start3A_32 = arith.constant 0 : i32
      %dma_start3A_33 = tpu.memref_slice %arg8[%run_scoped3A, %dma_start3A_32] : memref<125x80xi32, #tpu.memory_space<vmem>> -> memref<1x80xi32, #tpu.memory_space<vmem>>
      %dma_start3A_34 = tpu.memref_squeeze %dma_start3A_33 : memref<1x80xi32, #tpu.memory_space<vmem>> -> memref<80xi32, #tpu.memory_space<vmem>>
      %dma_start3A_35 = arith.constant 0 : i32
      %dma_start3A_36 = arith.constant 0 : i32
      %dma_start3A_37 = tpu.memref_slice %arg11[%dma_start3A_35, %dma_start3A_36] : memref<10016x48xf32, #tpu.memory_space<vmem_shared>> -> memref<10016x48xf32, #tpu.memory_space<vmem_shared>>
      tpu.enqueue_indirect_dma source(%arg9 : memref<80x48xf32, #tpu.memory_space<vmem>>) target(%dma_start3A_37 : memref<10016x48xf32, #tpu.memory_space<vmem_shared>>) offsets(%dma_start3A_34 : memref<80xi32, #tpu.memory_space<vmem>>) semaphore(%run_scoped3A_31 : memref<!tpu.dma_semaphore, #tpu.memory_space<semaphore_mem>>) {add = true}
      %dma_wait3A_38 = arith.constant 0 : i32
      %dma_wait3A_39 = tpu.memref_slice %arg8[%run_scoped3A, %dma_wait3A_38] : memref<125x80xi32, #tpu.memory_space<vmem>> -> memref<1x80xi32, #tpu.memory_space<vmem>>
      %dma_wait3A_40 = tpu.memref_squeeze %dma_wait3A_39 : memref<1x80xi32, #tpu.memory_space<vmem>> -> memref<80xi32, #tpu.memory_space<vmem>>
      %dma_wait3A_41 = arith.constant 0 : i32
      %dma_wait3A_42 = arith.constant 0 : i32
      %dma_wait3A_43 = tpu.memref_slice %arg11[%dma_wait3A_41, %dma_wait3A_42] : memref<10016x48xf32, #tpu.memory_space<vmem_shared>> -> memref<10016x48xf32, #tpu.memory_space<vmem_shared>>
      tpu.wait_indirect_dma semaphore(%run_scoped3A_31 : memref<!tpu.dma_semaphore, #tpu.memory_space<semaphore_mem>>) src(%arg9 : memref<80x48xf32, #tpu.memory_space<vmem>>) dst(%dma_wait3A_43 : memref<10016x48xf32, #tpu.memory_space<vmem_shared>>)
      tpu.yield
    }) : () -> ()
    %barrier3A_21 = arith.constant 0 : index
    tpu.barrier barrier_id(%barrier3A_21)
    %mul3A_22 = arith.constant 624 : i32
    %mul3A_23 = arith.muli %arg1, %mul3A_22 : i32
    %mul3A_24 = arith.constant 624 : i32
    %mul3A_25 = arith.muli %arg1, %mul3A_24 : i32
    "tpu.region"() ({
      %run_scoped3A_31 = tpu.sem_alloc : memref<!tpu.dma_semaphore, #tpu.memory_space<semaphore_mem>>
      %dma_start3A_32 = arith.constant 0 : i32
      %dma_start3A_33 = tpu.memref_slice %arg6[%arg0, %mul3A_25, %dma_start3A_32] : memref<2x10000x48xf32, #tpu.memory_space<hbm>> -> memref<1x624x48xf32, #tpu.memory_space<hbm>>
      %dma_start3A_34 = tpu.memref_squeeze %dma_start3A_33 : memref<1x624x48xf32, #tpu.memory_space<hbm>> -> memref<624x48xf32, #tpu.memory_space<hbm>>
      %dma_start3A_35 = arith.constant 0 : i32
      %dma_start3A_36 = tpu.memref_slice %arg11[%mul3A_23, %dma_start3A_35] : memref<10016x48xf32, #tpu.memory_space<vmem_shared>> -> memref<624x48xf32, #tpu.memory_space<vmem_shared>>
      tpu.enqueue_dma source(%dma_start3A_36 : memref<624x48xf32, #tpu.memory_space<vmem_shared>>) target(%dma_start3A_34 : memref<624x48xf32, #tpu.memory_space<hbm>>) target_semaphore(%run_scoped3A_31 : memref<!tpu.dma_semaphore, #tpu.memory_space<semaphore_mem>>)
      %dma_wait3A_37 = arith.constant 0 : i32
      %dma_wait3A_38 = tpu.memref_slice %arg6[%arg0, %mul3A_25, %dma_wait3A_37] : memref<2x10000x48xf32, #tpu.memory_space<hbm>> -> memref<1x624x48xf32, #tpu.memory_space<hbm>>
      %dma_wait3A_39 = tpu.memref_squeeze %dma_wait3A_38 : memref<1x624x48xf32, #tpu.memory_space<hbm>> -> memref<624x48xf32, #tpu.memory_space<hbm>>
      %dma_wait3A_40 = arith.constant 0 : i32
      %dma_wait3A_41 = tpu.memref_slice %arg11[%mul3A_23, %dma_wait3A_40] : memref<10016x48xf32, #tpu.memory_space<vmem_shared>> -> memref<624x48xf32, #tpu.memory_space<vmem_shared>>
      tpu.wait_dma2 semaphore(%run_scoped3A_31 : memref<!tpu.dma_semaphore, #tpu.memory_space<semaphore_mem>>) src(%dma_wait3A_41 : memref<624x48xf32, #tpu.memory_space<vmem_shared>>) dst(%dma_wait3A_39 : memref<624x48xf32, #tpu.memory_space<hbm>>)
      tpu.yield
    }) : () -> ()
    %eq3A_26 = arith.constant 0 : i32
    %eq3A_27 = arith.cmpi eq, %arg1, %eq3A_26 : i32
    %convert_element_type3A_28 = arith.extui %eq3A_27 : i1 to i32
    %cond3A_29 = arith.constant 0 : i32
    %cond3A_30 = arith.cmpi ne, %convert_element_type3A_28, %cond3A_29 : i32
    scf.if %cond3A_30 {
      "tpu.region"() ({
        %run_scoped3A_31 = tpu.sem_alloc : memref<!tpu.dma_semaphore, #tpu.memory_space<semaphore_mem>>
        %dma_start3A_32 = arith.constant 9984 : i32
        %dma_start3A_33 = arith.constant 0 : i32
        %dma_start3A_34 = tpu.memref_slice %arg6[%arg0, %dma_start3A_32, %dma_start3A_33] : memref<2x10000x48xf32, #tpu.memory_space<hbm>> -> memref<1x16x48xf32, #tpu.memory_space<hbm>>
        %dma_start3A_35 = tpu.memref_squeeze %dma_start3A_34 : memref<1x16x48xf32, #tpu.memory_space<hbm>> -> memref<16x48xf32, #tpu.memory_space<hbm>>
        %dma_start3A_36 = arith.constant 9984 : i32
        %dma_start3A_37 = arith.constant 0 : i32
        %dma_start3A_38 = tpu.memref_slice %arg11[%dma_start3A_36, %dma_start3A_37] : memref<10016x48xf32, #tpu.memory_space<vmem_shared>> -> memref<16x48xf32, #tpu.memory_space<vmem_shared>>
        tpu.enqueue_dma source(%dma_start3A_38 : memref<16x48xf32, #tpu.memory_space<vmem_shared>>) target(%dma_start3A_35 : memref<16x48xf32, #tpu.memory_space<hbm>>) target_semaphore(%run_scoped3A_31 : memref<!tpu.dma_semaphore, #tpu.memory_space<semaphore_mem>>)
        %dma_wait3A_39 = arith.constant 9984 : i32
        %dma_wait3A_40 = arith.constant 0 : i32
        %dma_wait3A_41 = tpu.memref_slice %arg6[%arg0, %dma_wait3A_39, %dma_wait3A_40] : memref<2x10000x48xf32, #tpu.memory_space<hbm>> -> memref<1x16x48xf32, #tpu.memory_space<hbm>>
        %dma_wait3A_42 = tpu.memref_squeeze %dma_wait3A_41 : memref<1x16x48xf32, #tpu.memory_space<hbm>> -> memref<16x48xf32, #tpu.memory_space<hbm>>
        %dma_wait3A_43 = arith.constant 9984 : i32
        %dma_wait3A_44 = arith.constant 0 : i32
        %dma_wait3A_45 = tpu.memref_slice %arg11[%dma_wait3A_43, %dma_wait3A_44] : memref<10016x48xf32, #tpu.memory_space<vmem_shared>> -> memref<16x48xf32, #tpu.memory_space<vmem_shared>>
        tpu.wait_dma2 semaphore(%run_scoped3A_31 : memref<!tpu.dma_semaphore, #tpu.memory_space<semaphore_mem>>) src(%dma_wait3A_45 : memref<16x48xf32, #tpu.memory_space<vmem_shared>>) dst(%dma_wait3A_42 : memref<16x48xf32, #tpu.memory_space<hbm>>)
        tpu.yield
      }) : () -> ()
    } else {
    }
    return
  }
}

#map = affine_map<(d0, d1) -> (0, 0, 0)>
#map1 = affine_map<(d0, d1) -> (0, 0)>
module attributes {stable_mosaic.version = 14 : i64} {
  func.func @deg(%arg0: i32, %arg1: i32, %arg2: memref<32x125x80xi32, #tpu.memory_space<hbm>>, %arg3: memref<80x16xf32, #tpu.memory_space<hbm>>, %arg4: memref<624x16xf32, #tpu.memory_space<hbm>>, %arg5: memref<2x10000x16xf32, #tpu.memory_space<hbm>>, %arg6: memref<125x80xi32, #tpu.memory_space<vmem>>, %arg7: memref<80x16xf32, #tpu.memory_space<vmem>>, %arg8: memref<10016x16xf32, #tpu.memory_space<vmem_shared>>, %arg9: memref<!tpu.dma_semaphore, #tpu.memory_space<semaphore_mem>>) attributes {dimension_semantics = [#tpu.dimension_semantics<core_parallel>, #tpu.dimension_semantics<subcore_parallel>], iteration_bounds = array<i64: 2, 16>, scalar_prefetch = 0 : i64, scratch_operands = 4 : i64, tpu.core_type = #tpu.core_type<sc_vector_subcore>, window_params = [{transform_indices = #map}, {transform_indices = #map1}, {transform_indices = #map1}, {transform_indices = #map}]} {
    %mul3A = arith.constant 2 : i32
    %mul3A_0 = arith.muli %arg1, %mul3A : i32
    %add3A = arith.addi %mul3A_0, %arg0 : i32
    %mul3A_1 = arith.constant 624 : i32
    %mul3A_2 = arith.muli %arg1, %mul3A_1 : i32
    "tpu.region"() ({
      %run_scoped3A = tpu.sem_alloc : memref<!tpu.dma_semaphore, #tpu.memory_space<semaphore_mem>>
      %dma_start3A = arith.constant 0 : i32
      %dma_start3A_24 = tpu.memref_slice %arg8[%mul3A_2, %dma_start3A] : memref<10016x16xf32, #tpu.memory_space<vmem_shared>> -> memref<624x16xf32, #tpu.memory_space<vmem_shared>>
      tpu.enqueue_dma source(%arg4 : memref<624x16xf32, #tpu.memory_space<hbm>>) target(%dma_start3A_24 : memref<624x16xf32, #tpu.memory_space<vmem_shared>>) target_semaphore(%run_scoped3A : memref<!tpu.dma_semaphore, #tpu.memory_space<semaphore_mem>>)
      %dma_wait3A = arith.constant 0 : i32
      %dma_wait3A_25 = tpu.memref_slice %arg8[%mul3A_2, %dma_wait3A] : memref<10016x16xf32, #tpu.memory_space<vmem_shared>> -> memref<624x16xf32, #tpu.memory_space<vmem_shared>>
      tpu.wait_dma2 semaphore(%run_scoped3A : memref<!tpu.dma_semaphore, #tpu.memory_space<semaphore_mem>>) src(%arg4 : memref<624x16xf32, #tpu.memory_space<hbm>>) dst(%dma_wait3A_25 : memref<624x16xf32, #tpu.memory_space<vmem_shared>>)
      tpu.yield
    }) : () -> ()
    %eq3A = arith.constant 0 : i32
    %eq3A_3 = arith.cmpi eq, %arg1, %eq3A : i32
    %convert_element_type3A = arith.extui %eq3A_3 : i1 to i32
    %cond3A = arith.constant 0 : i32
    %cond3A_4 = arith.cmpi ne, %convert_element_type3A, %cond3A : i32
    scf.if %cond3A_4 {
      "tpu.region"() ({
        %run_scoped3A = tpu.sem_alloc : memref<!tpu.dma_semaphore, #tpu.memory_space<semaphore_mem>>
        %dma_start3A = arith.constant 9984 : i32
        %dma_start3A_24 = arith.constant 0 : i32
        %dma_start3A_25 = tpu.memref_slice %arg8[%dma_start3A, %dma_start3A_24] : memref<10016x16xf32, #tpu.memory_space<vmem_shared>> -> memref<32x16xf32, #tpu.memory_space<vmem_shared>>
        %dma_start3A_26 = arith.constant 0 : i32
        %dma_start3A_27 = arith.constant 0 : i32
        %dma_start3A_28 = tpu.memref_slice %arg4[%dma_start3A_26, %dma_start3A_27] : memref<624x16xf32, #tpu.memory_space<hbm>> -> memref<32x16xf32, #tpu.memory_space<hbm>>
        tpu.enqueue_dma source(%dma_start3A_28 : memref<32x16xf32, #tpu.memory_space<hbm>>) target(%dma_start3A_25 : memref<32x16xf32, #tpu.memory_space<vmem_shared>>) target_semaphore(%run_scoped3A : memref<!tpu.dma_semaphore, #tpu.memory_space<semaphore_mem>>)
        %dma_wait3A = arith.constant 9984 : i32
        %dma_wait3A_29 = arith.constant 0 : i32
        %dma_wait3A_30 = tpu.memref_slice %arg8[%dma_wait3A, %dma_wait3A_29] : memref<10016x16xf32, #tpu.memory_space<vmem_shared>> -> memref<32x16xf32, #tpu.memory_space<vmem_shared>>
        %dma_wait3A_31 = arith.constant 0 : i32
        %dma_wait3A_32 = arith.constant 0 : i32
        %dma_wait3A_33 = tpu.memref_slice %arg4[%dma_wait3A_31, %dma_wait3A_32] : memref<624x16xf32, #tpu.memory_space<hbm>> -> memref<32x16xf32, #tpu.memory_space<hbm>>
        tpu.wait_dma2 semaphore(%run_scoped3A : memref<!tpu.dma_semaphore, #tpu.memory_space<semaphore_mem>>) src(%dma_wait3A_33 : memref<32x16xf32, #tpu.memory_space<hbm>>) dst(%dma_wait3A_30 : memref<32x16xf32, #tpu.memory_space<vmem_shared>>)
        tpu.yield
      }) : () -> ()
    } else {
    }
    "tpu.region"() ({
      %run_scoped3A = tpu.sem_alloc : memref<!tpu.dma_semaphore, #tpu.memory_space<semaphore_mem>>
      tpu.enqueue_dma source(%arg3 : memref<80x16xf32, #tpu.memory_space<hbm>>) target(%arg7 : memref<80x16xf32, #tpu.memory_space<vmem>>) target_semaphore(%run_scoped3A : memref<!tpu.dma_semaphore, #tpu.memory_space<semaphore_mem>>)
      tpu.wait_dma2 semaphore(%run_scoped3A : memref<!tpu.dma_semaphore, #tpu.memory_space<semaphore_mem>>) src(%arg3 : memref<80x16xf32, #tpu.memory_space<hbm>>) dst(%arg7 : memref<80x16xf32, #tpu.memory_space<vmem>>)
      tpu.yield
    }) : () -> ()
    "tpu.region"() ({
      %run_scoped3A = tpu.sem_alloc : memref<!tpu.dma_semaphore, #tpu.memory_space<semaphore_mem>>
      %dma_start3A = arith.constant 0 : i32
      %dma_start3A_24 = arith.constant 0 : i32
      %dma_start3A_25 = tpu.memref_slice %arg2[%add3A, %dma_start3A, %dma_start3A_24] : memref<32x125x80xi32, #tpu.memory_space<hbm>> -> memref<1x125x80xi32, #tpu.memory_space<hbm>>
      %dma_start3A_26 = tpu.memref_squeeze %dma_start3A_25 : memref<1x125x80xi32, #tpu.memory_space<hbm>> -> memref<125x80xi32, #tpu.memory_space<hbm>>
      %dma_start3A_27 = arith.constant 0 : i32
      %dma_start3A_28 = arith.constant 0 : i32
      %dma_start3A_29 = tpu.memref_slice %arg2[%add3A, %dma_start3A_27, %dma_start3A_28] : memref<32x125x80xi32, #tpu.memory_space<hbm>> -> memref<1x125x80xi32, #tpu.memory_space<hbm>>
      %dma_start3A_30 = tpu.memref_squeeze %dma_start3A_29 : memref<1x125x80xi32, #tpu.memory_space<hbm>> -> memref<125x80xi32, #tpu.memory_space<hbm>>
      tpu.enqueue_dma source(%dma_start3A_30 : memref<125x80xi32, #tpu.memory_space<hbm>>) target(%arg6 : memref<125x80xi32, #tpu.memory_space<vmem>>) target_semaphore(%run_scoped3A : memref<!tpu.dma_semaphore, #tpu.memory_space<semaphore_mem>>)
      %dma_wait3A = arith.constant 0 : i32
      %dma_wait3A_31 = arith.constant 0 : i32
      %dma_wait3A_32 = tpu.memref_slice %arg2[%add3A, %dma_wait3A, %dma_wait3A_31] : memref<32x125x80xi32, #tpu.memory_space<hbm>> -> memref<1x125x80xi32, #tpu.memory_space<hbm>>
      %dma_wait3A_33 = tpu.memref_squeeze %dma_wait3A_32 : memref<1x125x80xi32, #tpu.memory_space<hbm>> -> memref<125x80xi32, #tpu.memory_space<hbm>>
      %dma_wait3A_34 = arith.constant 0 : i32
      %dma_wait3A_35 = arith.constant 0 : i32
      %dma_wait3A_36 = tpu.memref_slice %arg2[%add3A, %dma_wait3A_34, %dma_wait3A_35] : memref<32x125x80xi32, #tpu.memory_space<hbm>> -> memref<1x125x80xi32, #tpu.memory_space<hbm>>
      %dma_wait3A_37 = tpu.memref_squeeze %dma_wait3A_36 : memref<1x125x80xi32, #tpu.memory_space<hbm>> -> memref<125x80xi32, #tpu.memory_space<hbm>>
      tpu.wait_dma2 semaphore(%run_scoped3A : memref<!tpu.dma_semaphore, #tpu.memory_space<semaphore_mem>>) src(%dma_wait3A_37 : memref<125x80xi32, #tpu.memory_space<hbm>>) dst(%arg6 : memref<125x80xi32, #tpu.memory_space<vmem>>)
      tpu.yield
    }) : () -> ()
    %barrier3A = arith.constant 0 : index
    tpu.barrier barrier_id(%barrier3A)
    %scan3A = arith.constant 0 : i32
    %scan3A_5 = arith.constant 125 : i32
    %scan3A_6 = arith.addi %scan3A, %scan3A_5 : i32
    %scan3A_7 = arith.constant 1 : i32
    scf.for %scan3A_24 = %scan3A to %scan3A_6 step %scan3A_7  : i32 {
      %dma_start3A = arith.constant 0 : i32
      %dma_start3A_25 = tpu.memref_slice %arg6[%scan3A_24, %dma_start3A] : memref<125x80xi32, #tpu.memory_space<vmem>> -> memref<1x80xi32, #tpu.memory_space<vmem>>
      %dma_start3A_26 = tpu.memref_squeeze %dma_start3A_25 : memref<1x80xi32, #tpu.memory_space<vmem>> -> memref<80xi32, #tpu.memory_space<vmem>>
      %dma_start3A_27 = arith.constant 0 : i32
      %dma_start3A_28 = arith.constant 0 : i32
      %dma_start3A_29 = tpu.memref_slice %arg8[%dma_start3A_27, %dma_start3A_28] : memref<10016x16xf32, #tpu.memory_space<vmem_shared>> -> memref<10016x16xf32, #tpu.memory_space<vmem_shared>>
      tpu.enqueue_indirect_dma source(%arg7 : memref<80x16xf32, #tpu.memory_space<vmem>>) target(%dma_start3A_29 : memref<10016x16xf32, #tpu.memory_space<vmem_shared>>) offsets(%dma_start3A_26 : memref<80xi32, #tpu.memory_space<vmem>>) semaphore(%arg9 : memref<!tpu.dma_semaphore, #tpu.memory_space<semaphore_mem>>) {add = true}
    }
    %scan3A_8 = arith.constant 125 : i32
    %scan3A_9 = arith.constant 0 : i32
    %scan3A_10 = arith.constant 125 : i32
    %scan3A_11 = arith.addi %scan3A_9, %scan3A_10 : i32
    %scan3A_12 = arith.constant 1 : i32
    scf.for %scan3A_24 = %scan3A_9 to %scan3A_11 step %scan3A_12  : i32 {
      %dma_wait3A = arith.constant 0 : i32
      %dma_wait3A_25 = arith.constant 0 : i32
      %dma_wait3A_26 = tpu.memref_slice %arg6[%dma_wait3A, %dma_wait3A_25] : memref<125x80xi32, #tpu.memory_space<vmem>> -> memref<1x80xi32, #tpu.memory_space<vmem>>
      %dma_wait3A_27 = tpu.memref_squeeze %dma_wait3A_26 : memref<1x80xi32, #tpu.memory_space<vmem>> -> memref<80xi32, #tpu.memory_space<vmem>>
      %dma_wait3A_28 = arith.constant 0 : i32
      %dma_wait3A_29 = arith.constant 0 : i32
      %dma_wait3A_30 = tpu.memref_slice %arg8[%dma_wait3A_28, %dma_wait3A_29] : memref<10016x16xf32, #tpu.memory_space<vmem_shared>> -> memref<10016x16xf32, #tpu.memory_space<vmem_shared>>
      tpu.wait_indirect_dma semaphore(%arg9 : memref<!tpu.dma_semaphore, #tpu.memory_space<semaphore_mem>>) src(%arg7 : memref<80x16xf32, #tpu.memory_space<vmem>>) dst(%dma_wait3A_30 : memref<10016x16xf32, #tpu.memory_space<vmem_shared>>)
    }
    %scan3A_13 = arith.constant 125 : i32
    %barrier3A_14 = arith.constant 0 : index
    tpu.barrier barrier_id(%barrier3A_14)
    %mul3A_15 = arith.constant 624 : i32
    %mul3A_16 = arith.muli %arg1, %mul3A_15 : i32
    %mul3A_17 = arith.constant 624 : i32
    %mul3A_18 = arith.muli %arg1, %mul3A_17 : i32
    "tpu.region"() ({
      %run_scoped3A = tpu.sem_alloc : memref<!tpu.dma_semaphore, #tpu.memory_space<semaphore_mem>>
      %dma_start3A = arith.constant 0 : i32
      %dma_start3A_24 = tpu.memref_slice %arg5[%arg0, %mul3A_18, %dma_start3A] : memref<2x10000x16xf32, #tpu.memory_space<hbm>> -> memref<1x624x16xf32, #tpu.memory_space<hbm>>
      %dma_start3A_25 = tpu.memref_squeeze %dma_start3A_24 : memref<1x624x16xf32, #tpu.memory_space<hbm>> -> memref<624x16xf32, #tpu.memory_space<hbm>>
      %dma_start3A_26 = arith.constant 0 : i32
      %dma_start3A_27 = tpu.memref_slice %arg8[%mul3A_16, %dma_start3A_26] : memref<10016x16xf32, #tpu.memory_space<vmem_shared>> -> memref<624x16xf32, #tpu.memory_space<vmem_shared>>
      tpu.enqueue_dma source(%dma_start3A_27 : memref<624x16xf32, #tpu.memory_space<vmem_shared>>) target(%dma_start3A_25 : memref<624x16xf32, #tpu.memory_space<hbm>>) target_semaphore(%run_scoped3A : memref<!tpu.dma_semaphore, #tpu.memory_space<semaphore_mem>>)
      %dma_wait3A = arith.constant 0 : i32
      %dma_wait3A_28 = tpu.memref_slice %arg5[%arg0, %mul3A_18, %dma_wait3A] : memref<2x10000x16xf32, #tpu.memory_space<hbm>> -> memref<1x624x16xf32, #tpu.memory_space<hbm>>
      %dma_wait3A_29 = tpu.memref_squeeze %dma_wait3A_28 : memref<1x624x16xf32, #tpu.memory_space<hbm>> -> memref<624x16xf32, #tpu.memory_space<hbm>>
      %dma_wait3A_30 = arith.constant 0 : i32
      %dma_wait3A_31 = tpu.memref_slice %arg8[%mul3A_16, %dma_wait3A_30] : memref<10016x16xf32, #tpu.memory_space<vmem_shared>> -> memref<624x16xf32, #tpu.memory_space<vmem_shared>>
      tpu.wait_dma2 semaphore(%run_scoped3A : memref<!tpu.dma_semaphore, #tpu.memory_space<semaphore_mem>>) src(%dma_wait3A_31 : memref<624x16xf32, #tpu.memory_space<vmem_shared>>) dst(%dma_wait3A_29 : memref<624x16xf32, #tpu.memory_space<hbm>>)
      tpu.yield
    }) : () -> ()
    %eq3A_19 = arith.constant 0 : i32
    %eq3A_20 = arith.cmpi eq, %arg1, %eq3A_19 : i32
    %convert_element_type3A_21 = arith.extui %eq3A_20 : i1 to i32
    %cond3A_22 = arith.constant 0 : i32
    %cond3A_23 = arith.cmpi ne, %convert_element_type3A_21, %cond3A_22 : i32
    scf.if %cond3A_23 {
      "tpu.region"() ({
        %run_scoped3A = tpu.sem_alloc : memref<!tpu.dma_semaphore, #tpu.memory_space<semaphore_mem>>
        %dma_start3A = arith.constant 9984 : i32
        %dma_start3A_24 = arith.constant 0 : i32
        %dma_start3A_25 = tpu.memref_slice %arg5[%arg0, %dma_start3A, %dma_start3A_24] : memref<2x10000x16xf32, #tpu.memory_space<hbm>> -> memref<1x16x16xf32, #tpu.memory_space<hbm>>
        %dma_start3A_26 = tpu.memref_squeeze %dma_start3A_25 : memref<1x16x16xf32, #tpu.memory_space<hbm>> -> memref<16x16xf32, #tpu.memory_space<hbm>>
        %dma_start3A_27 = arith.constant 9984 : i32
        %dma_start3A_28 = arith.constant 0 : i32
        %dma_start3A_29 = tpu.memref_slice %arg8[%dma_start3A_27, %dma_start3A_28] : memref<10016x16xf32, #tpu.memory_space<vmem_shared>> -> memref<16x16xf32, #tpu.memory_space<vmem_shared>>
        tpu.enqueue_dma source(%dma_start3A_29 : memref<16x16xf32, #tpu.memory_space<vmem_shared>>) target(%dma_start3A_26 : memref<16x16xf32, #tpu.memory_space<hbm>>) target_semaphore(%run_scoped3A : memref<!tpu.dma_semaphore, #tpu.memory_space<semaphore_mem>>)
        %dma_wait3A = arith.constant 9984 : i32
        %dma_wait3A_30 = arith.constant 0 : i32
        %dma_wait3A_31 = tpu.memref_slice %arg5[%arg0, %dma_wait3A, %dma_wait3A_30] : memref<2x10000x16xf32, #tpu.memory_space<hbm>> -> memref<1x16x16xf32, #tpu.memory_space<hbm>>
        %dma_wait3A_32 = tpu.memref_squeeze %dma_wait3A_31 : memref<1x16x16xf32, #tpu.memory_space<hbm>> -> memref<16x16xf32, #tpu.memory_space<hbm>>
        %dma_wait3A_33 = arith.constant 9984 : i32
        %dma_wait3A_34 = arith.constant 0 : i32
        %dma_wait3A_35 = tpu.memref_slice %arg8[%dma_wait3A_33, %dma_wait3A_34] : memref<10016x16xf32, #tpu.memory_space<vmem_shared>> -> memref<16x16xf32, #tpu.memory_space<vmem_shared>>
        tpu.wait_dma2 semaphore(%run_scoped3A : memref<!tpu.dma_semaphore, #tpu.memory_space<semaphore_mem>>) src(%dma_wait3A_35 : memref<16x16xf32, #tpu.memory_space<vmem_shared>>) dst(%dma_wait3A_32 : memref<16x16xf32, #tpu.memory_space<hbm>>)
        tpu.yield
      }) : () -> ()
    } else {
    }
    return
  }
}

#map = affine_map<(d0, d1) -> (0, 0)>
#map1 = affine_map<(d0, d1) -> (0, 0, 0)>
module attributes {stable_mosaic.version = 14 : i64} {
  func.func @agg(%arg0: i32, %arg1: i32, %arg2: memref<10000x128xf32, #tpu.memory_space<hbm>>, %arg3: memref<32x125x80xi32, #tpu.memory_space<hbm>>, %arg4: memref<32x125x80xi32, #tpu.memory_space<hbm>>, %arg5: memref<624x128xf32, #tpu.memory_space<hbm>>, %arg6: memref<2x10000x128xf32, #tpu.memory_space<hbm>>, %arg7: memref<125x80xi32, #tpu.memory_space<vmem>>, %arg8: memref<125x80xi32, #tpu.memory_space<vmem>>, %arg9: memref<80x128xf32, #tpu.memory_space<vmem>>, %arg10: memref<80x128xf32, #tpu.memory_space<vmem>>, %arg11: memref<10016x128xf32, #tpu.memory_space<vmem_shared>>, %arg12: memref<!tpu.dma_semaphore, #tpu.memory_space<semaphore_mem>>, %arg13: memref<!tpu.dma_semaphore, #tpu.memory_space<semaphore_mem>>) attributes {dimension_semantics = [#tpu.dimension_semantics<core_parallel>, #tpu.dimension_semantics<subcore_parallel>], iteration_bounds = array<i64: 2, 16>, scalar_prefetch = 0 : i64, scratch_operands = 7 : i64, tpu.core_type = #tpu.core_type<sc_vector_subcore>, window_params = [{transform_indices = #map}, {transform_indices = #map1}, {transform_indices = #map1}, {transform_indices = #map}, {transform_indices = #map1}]} {
    %mul3A = arith.constant 2 : i32
    %mul3A_0 = arith.muli %arg1, %mul3A : i32
    %add3A = arith.addi %mul3A_0, %arg0 : i32
    %mul3A_1 = arith.constant 624 : i32
    %mul3A_2 = arith.muli %arg1, %mul3A_1 : i32
    "tpu.region"() ({
      %run_scoped3A_31 = tpu.sem_alloc : memref<!tpu.dma_semaphore, #tpu.memory_space<semaphore_mem>>
      %dma_start3A_32 = arith.constant 0 : i32
      %dma_start3A_33 = tpu.memref_slice %arg11[%mul3A_2, %dma_start3A_32] : memref<10016x128xf32, #tpu.memory_space<vmem_shared>> -> memref<624x128xf32, #tpu.memory_space<vmem_shared>>
      tpu.enqueue_dma source(%arg5 : memref<624x128xf32, #tpu.memory_space<hbm>>) target(%dma_start3A_33 : memref<624x128xf32, #tpu.memory_space<vmem_shared>>) target_semaphore(%run_scoped3A_31 : memref<!tpu.dma_semaphore, #tpu.memory_space<semaphore_mem>>)
      %dma_wait3A_34 = arith.constant 0 : i32
      %dma_wait3A_35 = tpu.memref_slice %arg11[%mul3A_2, %dma_wait3A_34] : memref<10016x128xf32, #tpu.memory_space<vmem_shared>> -> memref<624x128xf32, #tpu.memory_space<vmem_shared>>
      tpu.wait_dma2 semaphore(%run_scoped3A_31 : memref<!tpu.dma_semaphore, #tpu.memory_space<semaphore_mem>>) src(%arg5 : memref<624x128xf32, #tpu.memory_space<hbm>>) dst(%dma_wait3A_35 : memref<624x128xf32, #tpu.memory_space<vmem_shared>>)
      tpu.yield
    }) : () -> ()
    %eq3A = arith.constant 0 : i32
    %eq3A_3 = arith.cmpi eq, %arg1, %eq3A : i32
    %convert_element_type3A = arith.extui %eq3A_3 : i1 to i32
    %cond3A = arith.constant 0 : i32
    %cond3A_4 = arith.cmpi ne, %convert_element_type3A, %cond3A : i32
    scf.if %cond3A_4 {
      "tpu.region"() ({
        %run_scoped3A_31 = tpu.sem_alloc : memref<!tpu.dma_semaphore, #tpu.memory_space<semaphore_mem>>
        %dma_start3A_32 = arith.constant 9984 : i32
        %dma_start3A_33 = arith.constant 0 : i32
        %dma_start3A_34 = tpu.memref_slice %arg11[%dma_start3A_32, %dma_start3A_33] : memref<10016x128xf32, #tpu.memory_space<vmem_shared>> -> memref<32x128xf32, #tpu.memory_space<vmem_shared>>
        %dma_start3A_35 = arith.constant 0 : i32
        %dma_start3A_36 = arith.constant 0 : i32
        %dma_start3A_37 = tpu.memref_slice %arg5[%dma_start3A_35, %dma_start3A_36] : memref<624x128xf32, #tpu.memory_space<hbm>> -> memref<32x128xf32, #tpu.memory_space<hbm>>
        tpu.enqueue_dma source(%dma_start3A_37 : memref<32x128xf32, #tpu.memory_space<hbm>>) target(%dma_start3A_34 : memref<32x128xf32, #tpu.memory_space<vmem_shared>>) target_semaphore(%run_scoped3A_31 : memref<!tpu.dma_semaphore, #tpu.memory_space<semaphore_mem>>)
        %dma_wait3A_38 = arith.constant 9984 : i32
        %dma_wait3A_39 = arith.constant 0 : i32
        %dma_wait3A_40 = tpu.memref_slice %arg11[%dma_wait3A_38, %dma_wait3A_39] : memref<10016x128xf32, #tpu.memory_space<vmem_shared>> -> memref<32x128xf32, #tpu.memory_space<vmem_shared>>
        %dma_wait3A_41 = arith.constant 0 : i32
        %dma_wait3A_42 = arith.constant 0 : i32
        %dma_wait3A_43 = tpu.memref_slice %arg5[%dma_wait3A_41, %dma_wait3A_42] : memref<624x128xf32, #tpu.memory_space<hbm>> -> memref<32x128xf32, #tpu.memory_space<hbm>>
        tpu.wait_dma2 semaphore(%run_scoped3A_31 : memref<!tpu.dma_semaphore, #tpu.memory_space<semaphore_mem>>) src(%dma_wait3A_43 : memref<32x128xf32, #tpu.memory_space<hbm>>) dst(%dma_wait3A_40 : memref<32x128xf32, #tpu.memory_space<vmem_shared>>)
        tpu.yield
      }) : () -> ()
    } else {
    }
    "tpu.region"() ({
      %run_scoped3A_31 = tpu.sem_alloc : memref<!tpu.dma_semaphore, #tpu.memory_space<semaphore_mem>>
      %dma_start3A_32 = arith.constant 0 : i32
      %dma_start3A_33 = arith.constant 0 : i32
      %dma_start3A_34 = tpu.memref_slice %arg3[%add3A, %dma_start3A_32, %dma_start3A_33] : memref<32x125x80xi32, #tpu.memory_space<hbm>> -> memref<1x125x80xi32, #tpu.memory_space<hbm>>
      %dma_start3A_35 = tpu.memref_squeeze %dma_start3A_34 : memref<1x125x80xi32, #tpu.memory_space<hbm>> -> memref<125x80xi32, #tpu.memory_space<hbm>>
      %dma_start3A_36 = arith.constant 0 : i32
      %dma_start3A_37 = arith.constant 0 : i32
      %dma_start3A_38 = tpu.memref_slice %arg3[%add3A, %dma_start3A_36, %dma_start3A_37] : memref<32x125x80xi32, #tpu.memory_space<hbm>> -> memref<1x125x80xi32, #tpu.memory_space<hbm>>
      %dma_start3A_39 = tpu.memref_squeeze %dma_start3A_38 : memref<1x125x80xi32, #tpu.memory_space<hbm>> -> memref<125x80xi32, #tpu.memory_space<hbm>>
      tpu.enqueue_dma source(%dma_start3A_39 : memref<125x80xi32, #tpu.memory_space<hbm>>) target(%arg7 : memref<125x80xi32, #tpu.memory_space<vmem>>) target_semaphore(%run_scoped3A_31 : memref<!tpu.dma_semaphore, #tpu.memory_space<semaphore_mem>>)
      %dma_wait3A_40 = arith.constant 0 : i32
      %dma_wait3A_41 = arith.constant 0 : i32
      %dma_wait3A_42 = tpu.memref_slice %arg3[%add3A, %dma_wait3A_40, %dma_wait3A_41] : memref<32x125x80xi32, #tpu.memory_space<hbm>> -> memref<1x125x80xi32, #tpu.memory_space<hbm>>
      %dma_wait3A_43 = tpu.memref_squeeze %dma_wait3A_42 : memref<1x125x80xi32, #tpu.memory_space<hbm>> -> memref<125x80xi32, #tpu.memory_space<hbm>>
      %dma_wait3A_44 = arith.constant 0 : i32
      %dma_wait3A_45 = arith.constant 0 : i32
      %dma_wait3A_46 = tpu.memref_slice %arg3[%add3A, %dma_wait3A_44, %dma_wait3A_45] : memref<32x125x80xi32, #tpu.memory_space<hbm>> -> memref<1x125x80xi32, #tpu.memory_space<hbm>>
      %dma_wait3A_47 = tpu.memref_squeeze %dma_wait3A_46 : memref<1x125x80xi32, #tpu.memory_space<hbm>> -> memref<125x80xi32, #tpu.memory_space<hbm>>
      tpu.wait_dma2 semaphore(%run_scoped3A_31 : memref<!tpu.dma_semaphore, #tpu.memory_space<semaphore_mem>>) src(%dma_wait3A_47 : memref<125x80xi32, #tpu.memory_space<hbm>>) dst(%arg7 : memref<125x80xi32, #tpu.memory_space<vmem>>)
      tpu.yield
    }) : () -> ()
    "tpu.region"() ({
      %run_scoped3A_31 = tpu.sem_alloc : memref<!tpu.dma_semaphore, #tpu.memory_space<semaphore_mem>>
      %dma_start3A_32 = arith.constant 0 : i32
      %dma_start3A_33 = arith.constant 0 : i32
      %dma_start3A_34 = tpu.memref_slice %arg4[%add3A, %dma_start3A_32, %dma_start3A_33] : memref<32x125x80xi32, #tpu.memory_space<hbm>> -> memref<1x125x80xi32, #tpu.memory_space<hbm>>
      %dma_start3A_35 = tpu.memref_squeeze %dma_start3A_34 : memref<1x125x80xi32, #tpu.memory_space<hbm>> -> memref<125x80xi32, #tpu.memory_space<hbm>>
      %dma_start3A_36 = arith.constant 0 : i32
      %dma_start3A_37 = arith.constant 0 : i32
      %dma_start3A_38 = tpu.memref_slice %arg4[%add3A, %dma_start3A_36, %dma_start3A_37] : memref<32x125x80xi32, #tpu.memory_space<hbm>> -> memref<1x125x80xi32, #tpu.memory_space<hbm>>
      %dma_start3A_39 = tpu.memref_squeeze %dma_start3A_38 : memref<1x125x80xi32, #tpu.memory_space<hbm>> -> memref<125x80xi32, #tpu.memory_space<hbm>>
      tpu.enqueue_dma source(%dma_start3A_39 : memref<125x80xi32, #tpu.memory_space<hbm>>) target(%arg8 : memref<125x80xi32, #tpu.memory_space<vmem>>) target_semaphore(%run_scoped3A_31 : memref<!tpu.dma_semaphore, #tpu.memory_space<semaphore_mem>>)
      %dma_wait3A_40 = arith.constant 0 : i32
      %dma_wait3A_41 = arith.constant 0 : i32
      %dma_wait3A_42 = tpu.memref_slice %arg4[%add3A, %dma_wait3A_40, %dma_wait3A_41] : memref<32x125x80xi32, #tpu.memory_space<hbm>> -> memref<1x125x80xi32, #tpu.memory_space<hbm>>
      %dma_wait3A_43 = tpu.memref_squeeze %dma_wait3A_42 : memref<1x125x80xi32, #tpu.memory_space<hbm>> -> memref<125x80xi32, #tpu.memory_space<hbm>>
      %dma_wait3A_44 = arith.constant 0 : i32
      %dma_wait3A_45 = arith.constant 0 : i32
      %dma_wait3A_46 = tpu.memref_slice %arg4[%add3A, %dma_wait3A_44, %dma_wait3A_45] : memref<32x125x80xi32, #tpu.memory_space<hbm>> -> memref<1x125x80xi32, #tpu.memory_space<hbm>>
      %dma_wait3A_47 = tpu.memref_squeeze %dma_wait3A_46 : memref<1x125x80xi32, #tpu.memory_space<hbm>> -> memref<125x80xi32, #tpu.memory_space<hbm>>
      tpu.wait_dma2 semaphore(%run_scoped3A_31 : memref<!tpu.dma_semaphore, #tpu.memory_space<semaphore_mem>>) src(%dma_wait3A_47 : memref<125x80xi32, #tpu.memory_space<hbm>>) dst(%arg8 : memref<125x80xi32, #tpu.memory_space<vmem>>)
      tpu.yield
    }) : () -> ()
    %barrier3A = arith.constant 0 : index
    tpu.barrier barrier_id(%barrier3A)
    %dma_start3A = arith.constant 0 : i32
    %dma_start3A_5 = arith.constant 0 : i32
    %dma_start3A_6 = tpu.memref_slice %arg7[%dma_start3A, %dma_start3A_5] : memref<125x80xi32, #tpu.memory_space<vmem>> -> memref<1x80xi32, #tpu.memory_space<vmem>>
    %dma_start3A_7 = tpu.memref_squeeze %dma_start3A_6 : memref<1x80xi32, #tpu.memory_space<vmem>> -> memref<80xi32, #tpu.memory_space<vmem>>
    %dma_start3A_8 = arith.constant 0 : i32
    %dma_start3A_9 = arith.constant 0 : i32
    %dma_start3A_10 = tpu.memref_slice %arg2[%dma_start3A_8, %dma_start3A_9] : memref<10000x128xf32, #tpu.memory_space<hbm>> -> memref<10000x128xf32, #tpu.memory_space<hbm>>
    tpu.enqueue_indirect_dma source(%dma_start3A_10 : memref<10000x128xf32, #tpu.memory_space<hbm>>) target(%arg9 : memref<80x128xf32, #tpu.memory_space<vmem>>) offsets(%dma_start3A_7 : memref<80xi32, #tpu.memory_space<vmem>>) semaphore(%arg12 : memref<!tpu.dma_semaphore, #tpu.memory_space<semaphore_mem>>)
    %scan3A = arith.constant 0 : i32
    %scan3A_11 = arith.constant 62 : i32
    %scan3A_12 = arith.addi %scan3A, %scan3A_11 : i32
    %scan3A_13 = arith.constant 1 : i32
    scf.for %scan3A_31 = %scan3A to %scan3A_12 step %scan3A_13  : i32 {
      %mul3A_32 = arith.constant 2 : i32
      %mul3A_33 = arith.muli %mul3A_32, %scan3A_31 : i32
      %add3A_34 = arith.constant 1 : i32
      %add3A_35 = arith.addi %mul3A_33, %add3A_34 : i32
      %dma_start3A_36 = arith.constant 0 : i32
      %dma_start3A_37 = tpu.memref_slice %arg7[%add3A_35, %dma_start3A_36] : memref<125x80xi32, #tpu.memory_space<vmem>> -> memref<1x80xi32, #tpu.memory_space<vmem>>
      %dma_start3A_38 = tpu.memref_squeeze %dma_start3A_37 : memref<1x80xi32, #tpu.memory_space<vmem>> -> memref<80xi32, #tpu.memory_space<vmem>>
      %dma_start3A_39 = arith.constant 0 : i32
      %dma_start3A_40 = arith.constant 0 : i32
      %dma_start3A_41 = tpu.memref_slice %arg2[%dma_start3A_39, %dma_start3A_40] : memref<10000x128xf32, #tpu.memory_space<hbm>> -> memref<10000x128xf32, #tpu.memory_space<hbm>>
      tpu.enqueue_indirect_dma source(%dma_start3A_41 : memref<10000x128xf32, #tpu.memory_space<hbm>>) target(%arg10 : memref<80x128xf32, #tpu.memory_space<vmem>>) offsets(%dma_start3A_38 : memref<80xi32, #tpu.memory_space<vmem>>) semaphore(%arg13 : memref<!tpu.dma_semaphore, #tpu.memory_space<semaphore_mem>>)
      %dma_wait3A_42 = arith.constant 0 : i32
      %dma_wait3A_43 = arith.constant 0 : i32
      %dma_wait3A_44 = tpu.memref_slice %arg7[%dma_wait3A_42, %dma_wait3A_43] : memref<125x80xi32, #tpu.memory_space<vmem>> -> memref<1x80xi32, #tpu.memory_space<vmem>>
      %dma_wait3A_45 = tpu.memref_squeeze %dma_wait3A_44 : memref<1x80xi32, #tpu.memory_space<vmem>> -> memref<80xi32, #tpu.memory_space<vmem>>
      %dma_wait3A_46 = arith.constant 0 : i32
      %dma_wait3A_47 = arith.constant 0 : i32
      %dma_wait3A_48 = tpu.memref_slice %arg2[%dma_wait3A_46, %dma_wait3A_47] : memref<10000x128xf32, #tpu.memory_space<hbm>> -> memref<10000x128xf32, #tpu.memory_space<hbm>>
      tpu.wait_indirect_dma semaphore(%arg12 : memref<!tpu.dma_semaphore, #tpu.memory_space<semaphore_mem>>) src(%dma_wait3A_48 : memref<10000x128xf32, #tpu.memory_space<hbm>>) dst(%arg9 : memref<80x128xf32, #tpu.memory_space<vmem>>)
      "tpu.region"() ({
        %run_scoped3A_64 = tpu.sem_alloc : memref<!tpu.dma_semaphore, #tpu.memory_space<semaphore_mem>>
        %dma_start3A_65 = arith.constant 0 : i32
        %dma_start3A_66 = tpu.memref_slice %arg8[%mul3A_33, %dma_start3A_65] : memref<125x80xi32, #tpu.memory_space<vmem>> -> memref<1x80xi32, #tpu.memory_space<vmem>>
        %dma_start3A_67 = tpu.memref_squeeze %dma_start3A_66 : memref<1x80xi32, #tpu.memory_space<vmem>> -> memref<80xi32, #tpu.memory_space<vmem>>
        %dma_start3A_68 = arith.constant 0 : i32
        %dma_start3A_69 = arith.constant 0 : i32
        %dma_start3A_70 = tpu.memref_slice %arg11[%dma_start3A_68, %dma_start3A_69] : memref<10016x128xf32, #tpu.memory_space<vmem_shared>> -> memref<10016x128xf32, #tpu.memory_space<vmem_shared>>
        tpu.enqueue_indirect_dma source(%arg9 : memref<80x128xf32, #tpu.memory_space<vmem>>) target(%dma_start3A_70 : memref<10016x128xf32, #tpu.memory_space<vmem_shared>>) offsets(%dma_start3A_67 : memref<80xi32, #tpu.memory_space<vmem>>) semaphore(%run_scoped3A_64 : memref<!tpu.dma_semaphore, #tpu.memory_space<semaphore_mem>>) {add = true}
        %dma_wait3A_71 = arith.constant 0 : i32
        %dma_wait3A_72 = tpu.memref_slice %arg8[%mul3A_33, %dma_wait3A_71] : memref<125x80xi32, #tpu.memory_space<vmem>> -> memref<1x80xi32, #tpu.memory_space<vmem>>
        %dma_wait3A_73 = tpu.memref_squeeze %dma_wait3A_72 : memref<1x80xi32, #tpu.memory_space<vmem>> -> memref<80xi32, #tpu.memory_space<vmem>>
        %dma_wait3A_74 = arith.constant 0 : i32
        %dma_wait3A_75 = arith.constant 0 : i32
        %dma_wait3A_76 = tpu.memref_slice %arg11[%dma_wait3A_74, %dma_wait3A_75] : memref<10016x128xf32, #tpu.memory_space<vmem_shared>> -> memref<10016x128xf32, #tpu.memory_space<vmem_shared>>
        tpu.wait_indirect_dma semaphore(%run_scoped3A_64 : memref<!tpu.dma_semaphore, #tpu.memory_space<semaphore_mem>>) src(%arg9 : memref<80x128xf32, #tpu.memory_space<vmem>>) dst(%dma_wait3A_76 : memref<10016x128xf32, #tpu.memory_space<vmem_shared>>)
        tpu.yield
      }) : () -> ()
      %add3A_49 = arith.constant 2 : i32
      %add3A_50 = arith.addi %mul3A_33, %add3A_49 : i32
      %lt3A = arith.constant 125 : i32
      %lt3A_51 = arith.cmpi slt, %add3A_50, %lt3A : i32
      %convert_element_type3A_52 = arith.extui %lt3A_51 : i1 to i32
      %cond3A_53 = arith.constant 0 : i32
      %cond3A_54 = arith.cmpi ne, %convert_element_type3A_52, %cond3A_53 : i32
      scf.if %cond3A_54 {
        %add3A_64 = arith.constant 2 : i32
        %add3A_65 = arith.addi %mul3A_33, %add3A_64 : i32
        %dma_start3A_66 = arith.constant 0 : i32
        %dma_start3A_67 = tpu.memref_slice %arg7[%add3A_65, %dma_start3A_66] : memref<125x80xi32, #tpu.memory_space<vmem>> -> memref<1x80xi32, #tpu.memory_space<vmem>>
        %dma_start3A_68 = tpu.memref_squeeze %dma_start3A_67 : memref<1x80xi32, #tpu.memory_space<vmem>> -> memref<80xi32, #tpu.memory_space<vmem>>
        %dma_start3A_69 = arith.constant 0 : i32
        %dma_start3A_70 = arith.constant 0 : i32
        %dma_start3A_71 = tpu.memref_slice %arg2[%dma_start3A_69, %dma_start3A_70] : memref<10000x128xf32, #tpu.memory_space<hbm>> -> memref<10000x128xf32, #tpu.memory_space<hbm>>
        tpu.enqueue_indirect_dma source(%dma_start3A_71 : memref<10000x128xf32, #tpu.memory_space<hbm>>) target(%arg9 : memref<80x128xf32, #tpu.memory_space<vmem>>) offsets(%dma_start3A_68 : memref<80xi32, #tpu.memory_space<vmem>>) semaphore(%arg12 : memref<!tpu.dma_semaphore, #tpu.memory_space<semaphore_mem>>)
      } else {
      }
      %dma_wait3A_55 = arith.constant 0 : i32
      %dma_wait3A_56 = arith.constant 0 : i32
      %dma_wait3A_57 = tpu.memref_slice %arg7[%dma_wait3A_55, %dma_wait3A_56] : memref<125x80xi32, #tpu.memory_space<vmem>> -> memref<1x80xi32, #tpu.memory_space<vmem>>
      %dma_wait3A_58 = tpu.memref_squeeze %dma_wait3A_57 : memref<1x80xi32, #tpu.memory_space<vmem>> -> memref<80xi32, #tpu.memory_space<vmem>>
      %dma_wait3A_59 = arith.constant 0 : i32
      %dma_wait3A_60 = arith.constant 0 : i32
      %dma_wait3A_61 = tpu.memref_slice %arg2[%dma_wait3A_59, %dma_wait3A_60] : memref<10000x128xf32, #tpu.memory_space<hbm>> -> memref<10000x128xf32, #tpu.memory_space<hbm>>
      tpu.wait_indirect_dma semaphore(%arg13 : memref<!tpu.dma_semaphore, #tpu.memory_space<semaphore_mem>>) src(%dma_wait3A_61 : memref<10000x128xf32, #tpu.memory_space<hbm>>) dst(%arg10 : memref<80x128xf32, #tpu.memory_space<vmem>>)
      %add3A_62 = arith.constant 1 : i32
      %add3A_63 = arith.addi %mul3A_33, %add3A_62 : i32
      "tpu.region"() ({
        %run_scoped3A_64 = tpu.sem_alloc : memref<!tpu.dma_semaphore, #tpu.memory_space<semaphore_mem>>
        %dma_start3A_65 = arith.constant 0 : i32
        %dma_start3A_66 = tpu.memref_slice %arg8[%add3A_63, %dma_start3A_65] : memref<125x80xi32, #tpu.memory_space<vmem>> -> memref<1x80xi32, #tpu.memory_space<vmem>>
        %dma_start3A_67 = tpu.memref_squeeze %dma_start3A_66 : memref<1x80xi32, #tpu.memory_space<vmem>> -> memref<80xi32, #tpu.memory_space<vmem>>
        %dma_start3A_68 = arith.constant 0 : i32
        %dma_start3A_69 = arith.constant 0 : i32
        %dma_start3A_70 = tpu.memref_slice %arg11[%dma_start3A_68, %dma_start3A_69] : memref<10016x128xf32, #tpu.memory_space<vmem_shared>> -> memref<10016x128xf32, #tpu.memory_space<vmem_shared>>
        tpu.enqueue_indirect_dma source(%arg10 : memref<80x128xf32, #tpu.memory_space<vmem>>) target(%dma_start3A_70 : memref<10016x128xf32, #tpu.memory_space<vmem_shared>>) offsets(%dma_start3A_67 : memref<80xi32, #tpu.memory_space<vmem>>) semaphore(%run_scoped3A_64 : memref<!tpu.dma_semaphore, #tpu.memory_space<semaphore_mem>>) {add = true}
        %dma_wait3A_71 = arith.constant 0 : i32
        %dma_wait3A_72 = tpu.memref_slice %arg8[%add3A_63, %dma_wait3A_71] : memref<125x80xi32, #tpu.memory_space<vmem>> -> memref<1x80xi32, #tpu.memory_space<vmem>>
        %dma_wait3A_73 = tpu.memref_squeeze %dma_wait3A_72 : memref<1x80xi32, #tpu.memory_space<vmem>> -> memref<80xi32, #tpu.memory_space<vmem>>
        %dma_wait3A_74 = arith.constant 0 : i32
        %dma_wait3A_75 = arith.constant 0 : i32
        %dma_wait3A_76 = tpu.memref_slice %arg11[%dma_wait3A_74, %dma_wait3A_75] : memref<10016x128xf32, #tpu.memory_space<vmem_shared>> -> memref<10016x128xf32, #tpu.memory_space<vmem_shared>>
        tpu.wait_indirect_dma semaphore(%run_scoped3A_64 : memref<!tpu.dma_semaphore, #tpu.memory_space<semaphore_mem>>) src(%arg10 : memref<80x128xf32, #tpu.memory_space<vmem>>) dst(%dma_wait3A_76 : memref<10016x128xf32, #tpu.memory_space<vmem_shared>>)
        tpu.yield
      }) : () -> ()
    }
    %scan3A_14 = arith.constant 62 : i32
    %dma_wait3A = arith.constant 0 : i32
    %dma_wait3A_15 = arith.constant 0 : i32
    %dma_wait3A_16 = tpu.memref_slice %arg7[%dma_wait3A, %dma_wait3A_15] : memref<125x80xi32, #tpu.memory_space<vmem>> -> memref<1x80xi32, #tpu.memory_space<vmem>>
    %dma_wait3A_17 = tpu.memref_squeeze %dma_wait3A_16 : memref<1x80xi32, #tpu.memory_space<vmem>> -> memref<80xi32, #tpu.memory_space<vmem>>
    %dma_wait3A_18 = arith.constant 0 : i32
    %dma_wait3A_19 = arith.constant 0 : i32
    %dma_wait3A_20 = tpu.memref_slice %arg2[%dma_wait3A_18, %dma_wait3A_19] : memref<10000x128xf32, #tpu.memory_space<hbm>> -> memref<10000x128xf32, #tpu.memory_space<hbm>>
    tpu.wait_indirect_dma semaphore(%arg12 : memref<!tpu.dma_semaphore, #tpu.memory_space<semaphore_mem>>) src(%dma_wait3A_20 : memref<10000x128xf32, #tpu.memory_space<hbm>>) dst(%arg9 : memref<80x128xf32, #tpu.memory_space<vmem>>)
    %run_scoped3A = arith.constant 124 : i32
    "tpu.region"() ({
      %run_scoped3A_31 = tpu.sem_alloc : memref<!tpu.dma_semaphore, #tpu.memory_space<semaphore_mem>>
      %dma_start3A_32 = arith.constant 0 : i32
      %dma_start3A_33 = tpu.memref_slice %arg8[%run_scoped3A, %dma_start3A_32] : memref<125x80xi32, #tpu.memory_space<vmem>> -> memref<1x80xi32, #tpu.memory_space<vmem>>
      %dma_start3A_34 = tpu.memref_squeeze %dma_start3A_33 : memref<1x80xi32, #tpu.memory_space<vmem>> -> memref<80xi32, #tpu.memory_space<vmem>>
      %dma_start3A_35 = arith.constant 0 : i32
      %dma_start3A_36 = arith.constant 0 : i32
      %dma_start3A_37 = tpu.memref_slice %arg11[%dma_start3A_35, %dma_start3A_36] : memref<10016x128xf32, #tpu.memory_space<vmem_shared>> -> memref<10016x128xf32, #tpu.memory_space<vmem_shared>>
      tpu.enqueue_indirect_dma source(%arg9 : memref<80x128xf32, #tpu.memory_space<vmem>>) target(%dma_start3A_37 : memref<10016x128xf32, #tpu.memory_space<vmem_shared>>) offsets(%dma_start3A_34 : memref<80xi32, #tpu.memory_space<vmem>>) semaphore(%run_scoped3A_31 : memref<!tpu.dma_semaphore, #tpu.memory_space<semaphore_mem>>) {add = true}
      %dma_wait3A_38 = arith.constant 0 : i32
      %dma_wait3A_39 = tpu.memref_slice %arg8[%run_scoped3A, %dma_wait3A_38] : memref<125x80xi32, #tpu.memory_space<vmem>> -> memref<1x80xi32, #tpu.memory_space<vmem>>
      %dma_wait3A_40 = tpu.memref_squeeze %dma_wait3A_39 : memref<1x80xi32, #tpu.memory_space<vmem>> -> memref<80xi32, #tpu.memory_space<vmem>>
      %dma_wait3A_41 = arith.constant 0 : i32
      %dma_wait3A_42 = arith.constant 0 : i32
      %dma_wait3A_43 = tpu.memref_slice %arg11[%dma_wait3A_41, %dma_wait3A_42] : memref<10016x128xf32, #tpu.memory_space<vmem_shared>> -> memref<10016x128xf32, #tpu.memory_space<vmem_shared>>
      tpu.wait_indirect_dma semaphore(%run_scoped3A_31 : memref<!tpu.dma_semaphore, #tpu.memory_space<semaphore_mem>>) src(%arg9 : memref<80x128xf32, #tpu.memory_space<vmem>>) dst(%dma_wait3A_43 : memref<10016x128xf32, #tpu.memory_space<vmem_shared>>)
      tpu.yield
    }) : () -> ()
    %barrier3A_21 = arith.constant 0 : index
    tpu.barrier barrier_id(%barrier3A_21)
    %mul3A_22 = arith.constant 624 : i32
    %mul3A_23 = arith.muli %arg1, %mul3A_22 : i32
    %mul3A_24 = arith.constant 624 : i32
    %mul3A_25 = arith.muli %arg1, %mul3A_24 : i32
    "tpu.region"() ({
      %run_scoped3A_31 = tpu.sem_alloc : memref<!tpu.dma_semaphore, #tpu.memory_space<semaphore_mem>>
      %dma_start3A_32 = arith.constant 0 : i32
      %dma_start3A_33 = tpu.memref_slice %arg6[%arg0, %mul3A_25, %dma_start3A_32] : memref<2x10000x128xf32, #tpu.memory_space<hbm>> -> memref<1x624x128xf32, #tpu.memory_space<hbm>>
      %dma_start3A_34 = tpu.memref_squeeze %dma_start3A_33 : memref<1x624x128xf32, #tpu.memory_space<hbm>> -> memref<624x128xf32, #tpu.memory_space<hbm>>
      %dma_start3A_35 = arith.constant 0 : i32
      %dma_start3A_36 = tpu.memref_slice %arg11[%mul3A_23, %dma_start3A_35] : memref<10016x128xf32, #tpu.memory_space<vmem_shared>> -> memref<624x128xf32, #tpu.memory_space<vmem_shared>>
      tpu.enqueue_dma source(%dma_start3A_36 : memref<624x128xf32, #tpu.memory_space<vmem_shared>>) target(%dma_start3A_34 : memref<624x128xf32, #tpu.memory_space<hbm>>) target_semaphore(%run_scoped3A_31 : memref<!tpu.dma_semaphore, #tpu.memory_space<semaphore_mem>>)
      %dma_wait3A_37 = arith.constant 0 : i32
      %dma_wait3A_38 = tpu.memref_slice %arg6[%arg0, %mul3A_25, %dma_wait3A_37] : memref<2x10000x128xf32, #tpu.memory_space<hbm>> -> memref<1x624x128xf32, #tpu.memory_space<hbm>>
      %dma_wait3A_39 = tpu.memref_squeeze %dma_wait3A_38 : memref<1x624x128xf32, #tpu.memory_space<hbm>> -> memref<624x128xf32, #tpu.memory_space<hbm>>
      %dma_wait3A_40 = arith.constant 0 : i32
      %dma_wait3A_41 = tpu.memref_slice %arg11[%mul3A_23, %dma_wait3A_40] : memref<10016x128xf32, #tpu.memory_space<vmem_shared>> -> memref<624x128xf32, #tpu.memory_space<vmem_shared>>
      tpu.wait_dma2 semaphore(%run_scoped3A_31 : memref<!tpu.dma_semaphore, #tpu.memory_space<semaphore_mem>>) src(%dma_wait3A_41 : memref<624x128xf32, #tpu.memory_space<vmem_shared>>) dst(%dma_wait3A_39 : memref<624x128xf32, #tpu.memory_space<hbm>>)
      tpu.yield
    }) : () -> ()
    %eq3A_26 = arith.constant 0 : i32
    %eq3A_27 = arith.cmpi eq, %arg1, %eq3A_26 : i32
    %convert_element_type3A_28 = arith.extui %eq3A_27 : i1 to i32
    %cond3A_29 = arith.constant 0 : i32
    %cond3A_30 = arith.cmpi ne, %convert_element_type3A_28, %cond3A_29 : i32
    scf.if %cond3A_30 {
      "tpu.region"() ({
        %run_scoped3A_31 = tpu.sem_alloc : memref<!tpu.dma_semaphore, #tpu.memory_space<semaphore_mem>>
        %dma_start3A_32 = arith.constant 9984 : i32
        %dma_start3A_33 = arith.constant 0 : i32
        %dma_start3A_34 = tpu.memref_slice %arg6[%arg0, %dma_start3A_32, %dma_start3A_33] : memref<2x10000x128xf32, #tpu.memory_space<hbm>> -> memref<1x16x128xf32, #tpu.memory_space<hbm>>
        %dma_start3A_35 = tpu.memref_squeeze %dma_start3A_34 : memref<1x16x128xf32, #tpu.memory_space<hbm>> -> memref<16x128xf32, #tpu.memory_space<hbm>>
        %dma_start3A_36 = arith.constant 9984 : i32
        %dma_start3A_37 = arith.constant 0 : i32
        %dma_start3A_38 = tpu.memref_slice %arg11[%dma_start3A_36, %dma_start3A_37] : memref<10016x128xf32, #tpu.memory_space<vmem_shared>> -> memref<16x128xf32, #tpu.memory_space<vmem_shared>>
        tpu.enqueue_dma source(%dma_start3A_38 : memref<16x128xf32, #tpu.memory_space<vmem_shared>>) target(%dma_start3A_35 : memref<16x128xf32, #tpu.memory_space<hbm>>) target_semaphore(%run_scoped3A_31 : memref<!tpu.dma_semaphore, #tpu.memory_space<semaphore_mem>>)
        %dma_wait3A_39 = arith.constant 9984 : i32
        %dma_wait3A_40 = arith.constant 0 : i32
        %dma_wait3A_41 = tpu.memref_slice %arg6[%arg0, %dma_wait3A_39, %dma_wait3A_40] : memref<2x10000x128xf32, #tpu.memory_space<hbm>> -> memref<1x16x128xf32, #tpu.memory_space<hbm>>
        %dma_wait3A_42 = tpu.memref_squeeze %dma_wait3A_41 : memref<1x16x128xf32, #tpu.memory_space<hbm>> -> memref<16x128xf32, #tpu.memory_space<hbm>>
        %dma_wait3A_43 = arith.constant 9984 : i32
        %dma_wait3A_44 = arith.constant 0 : i32
        %dma_wait3A_45 = tpu.memref_slice %arg11[%dma_wait3A_43, %dma_wait3A_44] : memref<10016x128xf32, #tpu.memory_space<vmem_shared>> -> memref<16x128xf32, #tpu.memory_space<vmem_shared>>
        tpu.wait_dma2 semaphore(%run_scoped3A_31 : memref<!tpu.dma_semaphore, #tpu.memory_space<semaphore_mem>>) src(%dma_wait3A_45 : memref<16x128xf32, #tpu.memory_space<vmem_shared>>) dst(%dma_wait3A_42 : memref<16x128xf32, #tpu.memory_space<hbm>>)
        tpu.yield
      }) : () -> ()
    } else {
    }
    return
  }
}

#map = affine_map<(d0, d1) -> (0, 0)>
#map1 = affine_map<(d0, d1) -> (0, 0, 0)>
module attributes {stable_mosaic.version = 14 : i64} {
  func.func @agg(%arg0: i32, %arg1: i32, %arg2: memref<10000x48xf32, #tpu.memory_space<hbm>>, %arg3: memref<32x125x80xi32, #tpu.memory_space<hbm>>, %arg4: memref<32x125x80xi32, #tpu.memory_space<hbm>>, %arg5: memref<624x48xf32, #tpu.memory_space<hbm>>, %arg6: memref<2x10000x48xf32, #tpu.memory_space<hbm>>, %arg7: memref<125x80xi32, #tpu.memory_space<vmem>>, %arg8: memref<125x80xi32, #tpu.memory_space<vmem>>, %arg9: memref<80x48xf32, #tpu.memory_space<vmem>>, %arg10: memref<80x48xf32, #tpu.memory_space<vmem>>, %arg11: memref<10016x48xf32, #tpu.memory_space<vmem_shared>>, %arg12: memref<!tpu.dma_semaphore, #tpu.memory_space<semaphore_mem>>, %arg13: memref<!tpu.dma_semaphore, #tpu.memory_space<semaphore_mem>>) attributes {dimension_semantics = [#tpu.dimension_semantics<core_parallel>, #tpu.dimension_semantics<subcore_parallel>], iteration_bounds = array<i64: 2, 16>, scalar_prefetch = 0 : i64, scratch_operands = 7 : i64, tpu.core_type = #tpu.core_type<sc_vector_subcore>, window_params = [{transform_indices = #map}, {transform_indices = #map1}, {transform_indices = #map1}, {transform_indices = #map}, {transform_indices = #map1}]} {
    %mul3A = arith.constant 2 : i32
    %mul3A_0 = arith.muli %arg1, %mul3A : i32
    %add3A = arith.addi %mul3A_0, %arg0 : i32
    %mul3A_1 = arith.constant 624 : i32
    %mul3A_2 = arith.muli %arg1, %mul3A_1 : i32
    "tpu.region"() ({
      %run_scoped3A_31 = tpu.sem_alloc : memref<!tpu.dma_semaphore, #tpu.memory_space<semaphore_mem>>
      %dma_start3A_32 = arith.constant 0 : i32
      %dma_start3A_33 = tpu.memref_slice %arg11[%mul3A_2, %dma_start3A_32] : memref<10016x48xf32, #tpu.memory_space<vmem_shared>> -> memref<624x48xf32, #tpu.memory_space<vmem_shared>>
      tpu.enqueue_dma source(%arg5 : memref<624x48xf32, #tpu.memory_space<hbm>>) target(%dma_start3A_33 : memref<624x48xf32, #tpu.memory_space<vmem_shared>>) target_semaphore(%run_scoped3A_31 : memref<!tpu.dma_semaphore, #tpu.memory_space<semaphore_mem>>)
      %dma_wait3A_34 = arith.constant 0 : i32
      %dma_wait3A_35 = tpu.memref_slice %arg11[%mul3A_2, %dma_wait3A_34] : memref<10016x48xf32, #tpu.memory_space<vmem_shared>> -> memref<624x48xf32, #tpu.memory_space<vmem_shared>>
      tpu.wait_dma2 semaphore(%run_scoped3A_31 : memref<!tpu.dma_semaphore, #tpu.memory_space<semaphore_mem>>) src(%arg5 : memref<624x48xf32, #tpu.memory_space<hbm>>) dst(%dma_wait3A_35 : memref<624x48xf32, #tpu.memory_space<vmem_shared>>)
      tpu.yield
    }) : () -> ()
    %eq3A = arith.constant 0 : i32
    %eq3A_3 = arith.cmpi eq, %arg1, %eq3A : i32
    %convert_element_type3A = arith.extui %eq3A_3 : i1 to i32
    %cond3A = arith.constant 0 : i32
    %cond3A_4 = arith.cmpi ne, %convert_element_type3A, %cond3A : i32
    scf.if %cond3A_4 {
      "tpu.region"() ({
        %run_scoped3A_31 = tpu.sem_alloc : memref<!tpu.dma_semaphore, #tpu.memory_space<semaphore_mem>>
        %dma_start3A_32 = arith.constant 9984 : i32
        %dma_start3A_33 = arith.constant 0 : i32
        %dma_start3A_34 = tpu.memref_slice %arg11[%dma_start3A_32, %dma_start3A_33] : memref<10016x48xf32, #tpu.memory_space<vmem_shared>> -> memref<32x48xf32, #tpu.memory_space<vmem_shared>>
        %dma_start3A_35 = arith.constant 0 : i32
        %dma_start3A_36 = arith.constant 0 : i32
        %dma_start3A_37 = tpu.memref_slice %arg5[%dma_start3A_35, %dma_start3A_36] : memref<624x48xf32, #tpu.memory_space<hbm>> -> memref<32x48xf32, #tpu.memory_space<hbm>>
        tpu.enqueue_dma source(%dma_start3A_37 : memref<32x48xf32, #tpu.memory_space<hbm>>) target(%dma_start3A_34 : memref<32x48xf32, #tpu.memory_space<vmem_shared>>) target_semaphore(%run_scoped3A_31 : memref<!tpu.dma_semaphore, #tpu.memory_space<semaphore_mem>>)
        %dma_wait3A_38 = arith.constant 9984 : i32
        %dma_wait3A_39 = arith.constant 0 : i32
        %dma_wait3A_40 = tpu.memref_slice %arg11[%dma_wait3A_38, %dma_wait3A_39] : memref<10016x48xf32, #tpu.memory_space<vmem_shared>> -> memref<32x48xf32, #tpu.memory_space<vmem_shared>>
        %dma_wait3A_41 = arith.constant 0 : i32
        %dma_wait3A_42 = arith.constant 0 : i32
        %dma_wait3A_43 = tpu.memref_slice %arg5[%dma_wait3A_41, %dma_wait3A_42] : memref<624x48xf32, #tpu.memory_space<hbm>> -> memref<32x48xf32, #tpu.memory_space<hbm>>
        tpu.wait_dma2 semaphore(%run_scoped3A_31 : memref<!tpu.dma_semaphore, #tpu.memory_space<semaphore_mem>>) src(%dma_wait3A_43 : memref<32x48xf32, #tpu.memory_space<hbm>>) dst(%dma_wait3A_40 : memref<32x48xf32, #tpu.memory_space<vmem_shared>>)
        tpu.yield
      }) : () -> ()
    } else {
    }
    "tpu.region"() ({
      %run_scoped3A_31 = tpu.sem_alloc : memref<!tpu.dma_semaphore, #tpu.memory_space<semaphore_mem>>
      %dma_start3A_32 = arith.constant 0 : i32
      %dma_start3A_33 = arith.constant 0 : i32
      %dma_start3A_34 = tpu.memref_slice %arg3[%add3A, %dma_start3A_32, %dma_start3A_33] : memref<32x125x80xi32, #tpu.memory_space<hbm>> -> memref<1x125x80xi32, #tpu.memory_space<hbm>>
      %dma_start3A_35 = tpu.memref_squeeze %dma_start3A_34 : memref<1x125x80xi32, #tpu.memory_space<hbm>> -> memref<125x80xi32, #tpu.memory_space<hbm>>
      %dma_start3A_36 = arith.constant 0 : i32
      %dma_start3A_37 = arith.constant 0 : i32
      %dma_start3A_38 = tpu.memref_slice %arg3[%add3A, %dma_start3A_36, %dma_start3A_37] : memref<32x125x80xi32, #tpu.memory_space<hbm>> -> memref<1x125x80xi32, #tpu.memory_space<hbm>>
      %dma_start3A_39 = tpu.memref_squeeze %dma_start3A_38 : memref<1x125x80xi32, #tpu.memory_space<hbm>> -> memref<125x80xi32, #tpu.memory_space<hbm>>
      tpu.enqueue_dma source(%dma_start3A_39 : memref<125x80xi32, #tpu.memory_space<hbm>>) target(%arg7 : memref<125x80xi32, #tpu.memory_space<vmem>>) target_semaphore(%run_scoped3A_31 : memref<!tpu.dma_semaphore, #tpu.memory_space<semaphore_mem>>)
      %dma_wait3A_40 = arith.constant 0 : i32
      %dma_wait3A_41 = arith.constant 0 : i32
      %dma_wait3A_42 = tpu.memref_slice %arg3[%add3A, %dma_wait3A_40, %dma_wait3A_41] : memref<32x125x80xi32, #tpu.memory_space<hbm>> -> memref<1x125x80xi32, #tpu.memory_space<hbm>>
      %dma_wait3A_43 = tpu.memref_squeeze %dma_wait3A_42 : memref<1x125x80xi32, #tpu.memory_space<hbm>> -> memref<125x80xi32, #tpu.memory_space<hbm>>
      %dma_wait3A_44 = arith.constant 0 : i32
      %dma_wait3A_45 = arith.constant 0 : i32
      %dma_wait3A_46 = tpu.memref_slice %arg3[%add3A, %dma_wait3A_44, %dma_wait3A_45] : memref<32x125x80xi32, #tpu.memory_space<hbm>> -> memref<1x125x80xi32, #tpu.memory_space<hbm>>
      %dma_wait3A_47 = tpu.memref_squeeze %dma_wait3A_46 : memref<1x125x80xi32, #tpu.memory_space<hbm>> -> memref<125x80xi32, #tpu.memory_space<hbm>>
      tpu.wait_dma2 semaphore(%run_scoped3A_31 : memref<!tpu.dma_semaphore, #tpu.memory_space<semaphore_mem>>) src(%dma_wait3A_47 : memref<125x80xi32, #tpu.memory_space<hbm>>) dst(%arg7 : memref<125x80xi32, #tpu.memory_space<vmem>>)
      tpu.yield
    }) : () -> ()
    "tpu.region"() ({
      %run_scoped3A_31 = tpu.sem_alloc : memref<!tpu.dma_semaphore, #tpu.memory_space<semaphore_mem>>
      %dma_start3A_32 = arith.constant 0 : i32
      %dma_start3A_33 = arith.constant 0 : i32
      %dma_start3A_34 = tpu.memref_slice %arg4[%add3A, %dma_start3A_32, %dma_start3A_33] : memref<32x125x80xi32, #tpu.memory_space<hbm>> -> memref<1x125x80xi32, #tpu.memory_space<hbm>>
      %dma_start3A_35 = tpu.memref_squeeze %dma_start3A_34 : memref<1x125x80xi32, #tpu.memory_space<hbm>> -> memref<125x80xi32, #tpu.memory_space<hbm>>
      %dma_start3A_36 = arith.constant 0 : i32
      %dma_start3A_37 = arith.constant 0 : i32
      %dma_start3A_38 = tpu.memref_slice %arg4[%add3A, %dma_start3A_36, %dma_start3A_37] : memref<32x125x80xi32, #tpu.memory_space<hbm>> -> memref<1x125x80xi32, #tpu.memory_space<hbm>>
      %dma_start3A_39 = tpu.memref_squeeze %dma_start3A_38 : memref<1x125x80xi32, #tpu.memory_space<hbm>> -> memref<125x80xi32, #tpu.memory_space<hbm>>
      tpu.enqueue_dma source(%dma_start3A_39 : memref<125x80xi32, #tpu.memory_space<hbm>>) target(%arg8 : memref<125x80xi32, #tpu.memory_space<vmem>>) target_semaphore(%run_scoped3A_31 : memref<!tpu.dma_semaphore, #tpu.memory_space<semaphore_mem>>)
      %dma_wait3A_40 = arith.constant 0 : i32
      %dma_wait3A_41 = arith.constant 0 : i32
      %dma_wait3A_42 = tpu.memref_slice %arg4[%add3A, %dma_wait3A_40, %dma_wait3A_41] : memref<32x125x80xi32, #tpu.memory_space<hbm>> -> memref<1x125x80xi32, #tpu.memory_space<hbm>>
      %dma_wait3A_43 = tpu.memref_squeeze %dma_wait3A_42 : memref<1x125x80xi32, #tpu.memory_space<hbm>> -> memref<125x80xi32, #tpu.memory_space<hbm>>
      %dma_wait3A_44 = arith.constant 0 : i32
      %dma_wait3A_45 = arith.constant 0 : i32
      %dma_wait3A_46 = tpu.memref_slice %arg4[%add3A, %dma_wait3A_44, %dma_wait3A_45] : memref<32x125x80xi32, #tpu.memory_space<hbm>> -> memref<1x125x80xi32, #tpu.memory_space<hbm>>
      %dma_wait3A_47 = tpu.memref_squeeze %dma_wait3A_46 : memref<1x125x80xi32, #tpu.memory_space<hbm>> -> memref<125x80xi32, #tpu.memory_space<hbm>>
      tpu.wait_dma2 semaphore(%run_scoped3A_31 : memref<!tpu.dma_semaphore, #tpu.memory_space<semaphore_mem>>) src(%dma_wait3A_47 : memref<125x80xi32, #tpu.memory_space<hbm>>) dst(%arg8 : memref<125x80xi32, #tpu.memory_space<vmem>>)
      tpu.yield
    }) : () -> ()
    %barrier3A = arith.constant 0 : index
    tpu.barrier barrier_id(%barrier3A)
    %dma_start3A = arith.constant 0 : i32
    %dma_start3A_5 = arith.constant 0 : i32
    %dma_start3A_6 = tpu.memref_slice %arg7[%dma_start3A, %dma_start3A_5] : memref<125x80xi32, #tpu.memory_space<vmem>> -> memref<1x80xi32, #tpu.memory_space<vmem>>
    %dma_start3A_7 = tpu.memref_squeeze %dma_start3A_6 : memref<1x80xi32, #tpu.memory_space<vmem>> -> memref<80xi32, #tpu.memory_space<vmem>>
    %dma_start3A_8 = arith.constant 0 : i32
    %dma_start3A_9 = arith.constant 0 : i32
    %dma_start3A_10 = tpu.memref_slice %arg2[%dma_start3A_8, %dma_start3A_9] : memref<10000x48xf32, #tpu.memory_space<hbm>> -> memref<10000x48xf32, #tpu.memory_space<hbm>>
    tpu.enqueue_indirect_dma source(%dma_start3A_10 : memref<10000x48xf32, #tpu.memory_space<hbm>>) target(%arg9 : memref<80x48xf32, #tpu.memory_space<vmem>>) offsets(%dma_start3A_7 : memref<80xi32, #tpu.memory_space<vmem>>) semaphore(%arg12 : memref<!tpu.dma_semaphore, #tpu.memory_space<semaphore_mem>>)
    %scan3A = arith.constant 0 : i32
    %scan3A_11 = arith.constant 62 : i32
    %scan3A_12 = arith.addi %scan3A, %scan3A_11 : i32
    %scan3A_13 = arith.constant 1 : i32
    scf.for %scan3A_31 = %scan3A to %scan3A_12 step %scan3A_13  : i32 {
      %mul3A_32 = arith.constant 2 : i32
      %mul3A_33 = arith.muli %mul3A_32, %scan3A_31 : i32
      %add3A_34 = arith.constant 1 : i32
      %add3A_35 = arith.addi %mul3A_33, %add3A_34 : i32
      %dma_start3A_36 = arith.constant 0 : i32
      %dma_start3A_37 = tpu.memref_slice %arg7[%add3A_35, %dma_start3A_36] : memref<125x80xi32, #tpu.memory_space<vmem>> -> memref<1x80xi32, #tpu.memory_space<vmem>>
      %dma_start3A_38 = tpu.memref_squeeze %dma_start3A_37 : memref<1x80xi32, #tpu.memory_space<vmem>> -> memref<80xi32, #tpu.memory_space<vmem>>
      %dma_start3A_39 = arith.constant 0 : i32
      %dma_start3A_40 = arith.constant 0 : i32
      %dma_start3A_41 = tpu.memref_slice %arg2[%dma_start3A_39, %dma_start3A_40] : memref<10000x48xf32, #tpu.memory_space<hbm>> -> memref<10000x48xf32, #tpu.memory_space<hbm>>
      tpu.enqueue_indirect_dma source(%dma_start3A_41 : memref<10000x48xf32, #tpu.memory_space<hbm>>) target(%arg10 : memref<80x48xf32, #tpu.memory_space<vmem>>) offsets(%dma_start3A_38 : memref<80xi32, #tpu.memory_space<vmem>>) semaphore(%arg13 : memref<!tpu.dma_semaphore, #tpu.memory_space<semaphore_mem>>)
      %dma_wait3A_42 = arith.constant 0 : i32
      %dma_wait3A_43 = arith.constant 0 : i32
      %dma_wait3A_44 = tpu.memref_slice %arg7[%dma_wait3A_42, %dma_wait3A_43] : memref<125x80xi32, #tpu.memory_space<vmem>> -> memref<1x80xi32, #tpu.memory_space<vmem>>
      %dma_wait3A_45 = tpu.memref_squeeze %dma_wait3A_44 : memref<1x80xi32, #tpu.memory_space<vmem>> -> memref<80xi32, #tpu.memory_space<vmem>>
      %dma_wait3A_46 = arith.constant 0 : i32
      %dma_wait3A_47 = arith.constant 0 : i32
      %dma_wait3A_48 = tpu.memref_slice %arg2[%dma_wait3A_46, %dma_wait3A_47] : memref<10000x48xf32, #tpu.memory_space<hbm>> -> memref<10000x48xf32, #tpu.memory_space<hbm>>
      tpu.wait_indirect_dma semaphore(%arg12 : memref<!tpu.dma_semaphore, #tpu.memory_space<semaphore_mem>>) src(%dma_wait3A_48 : memref<10000x48xf32, #tpu.memory_space<hbm>>) dst(%arg9 : memref<80x48xf32, #tpu.memory_space<vmem>>)
      "tpu.region"() ({
        %run_scoped3A_64 = tpu.sem_alloc : memref<!tpu.dma_semaphore, #tpu.memory_space<semaphore_mem>>
        %dma_start3A_65 = arith.constant 0 : i32
        %dma_start3A_66 = tpu.memref_slice %arg8[%mul3A_33, %dma_start3A_65] : memref<125x80xi32, #tpu.memory_space<vmem>> -> memref<1x80xi32, #tpu.memory_space<vmem>>
        %dma_start3A_67 = tpu.memref_squeeze %dma_start3A_66 : memref<1x80xi32, #tpu.memory_space<vmem>> -> memref<80xi32, #tpu.memory_space<vmem>>
        %dma_start3A_68 = arith.constant 0 : i32
        %dma_start3A_69 = arith.constant 0 : i32
        %dma_start3A_70 = tpu.memref_slice %arg11[%dma_start3A_68, %dma_start3A_69] : memref<10016x48xf32, #tpu.memory_space<vmem_shared>> -> memref<10016x48xf32, #tpu.memory_space<vmem_shared>>
        tpu.enqueue_indirect_dma source(%arg9 : memref<80x48xf32, #tpu.memory_space<vmem>>) target(%dma_start3A_70 : memref<10016x48xf32, #tpu.memory_space<vmem_shared>>) offsets(%dma_start3A_67 : memref<80xi32, #tpu.memory_space<vmem>>) semaphore(%run_scoped3A_64 : memref<!tpu.dma_semaphore, #tpu.memory_space<semaphore_mem>>) {add = true}
        %dma_wait3A_71 = arith.constant 0 : i32
        %dma_wait3A_72 = tpu.memref_slice %arg8[%mul3A_33, %dma_wait3A_71] : memref<125x80xi32, #tpu.memory_space<vmem>> -> memref<1x80xi32, #tpu.memory_space<vmem>>
        %dma_wait3A_73 = tpu.memref_squeeze %dma_wait3A_72 : memref<1x80xi32, #tpu.memory_space<vmem>> -> memref<80xi32, #tpu.memory_space<vmem>>
        %dma_wait3A_74 = arith.constant 0 : i32
        %dma_wait3A_75 = arith.constant 0 : i32
        %dma_wait3A_76 = tpu.memref_slice %arg11[%dma_wait3A_74, %dma_wait3A_75] : memref<10016x48xf32, #tpu.memory_space<vmem_shared>> -> memref<10016x48xf32, #tpu.memory_space<vmem_shared>>
        tpu.wait_indirect_dma semaphore(%run_scoped3A_64 : memref<!tpu.dma_semaphore, #tpu.memory_space<semaphore_mem>>) src(%arg9 : memref<80x48xf32, #tpu.memory_space<vmem>>) dst(%dma_wait3A_76 : memref<10016x48xf32, #tpu.memory_space<vmem_shared>>)
        tpu.yield
      }) : () -> ()
      %add3A_49 = arith.constant 2 : i32
      %add3A_50 = arith.addi %mul3A_33, %add3A_49 : i32
      %lt3A = arith.constant 125 : i32
      %lt3A_51 = arith.cmpi slt, %add3A_50, %lt3A : i32
      %convert_element_type3A_52 = arith.extui %lt3A_51 : i1 to i32
      %cond3A_53 = arith.constant 0 : i32
      %cond3A_54 = arith.cmpi ne, %convert_element_type3A_52, %cond3A_53 : i32
      scf.if %cond3A_54 {
        %add3A_64 = arith.constant 2 : i32
        %add3A_65 = arith.addi %mul3A_33, %add3A_64 : i32
        %dma_start3A_66 = arith.constant 0 : i32
        %dma_start3A_67 = tpu.memref_slice %arg7[%add3A_65, %dma_start3A_66] : memref<125x80xi32, #tpu.memory_space<vmem>> -> memref<1x80xi32, #tpu.memory_space<vmem>>
        %dma_start3A_68 = tpu.memref_squeeze %dma_start3A_67 : memref<1x80xi32, #tpu.memory_space<vmem>> -> memref<80xi32, #tpu.memory_space<vmem>>
        %dma_start3A_69 = arith.constant 0 : i32
        %dma_start3A_70 = arith.constant 0 : i32
        %dma_start3A_71 = tpu.memref_slice %arg2[%dma_start3A_69, %dma_start3A_70] : memref<10000x48xf32, #tpu.memory_space<hbm>> -> memref<10000x48xf32, #tpu.memory_space<hbm>>
        tpu.enqueue_indirect_dma source(%dma_start3A_71 : memref<10000x48xf32, #tpu.memory_space<hbm>>) target(%arg9 : memref<80x48xf32, #tpu.memory_space<vmem>>) offsets(%dma_start3A_68 : memref<80xi32, #tpu.memory_space<vmem>>) semaphore(%arg12 : memref<!tpu.dma_semaphore, #tpu.memory_space<semaphore_mem>>)
      } else {
      }
      %dma_wait3A_55 = arith.constant 0 : i32
      %dma_wait3A_56 = arith.constant 0 : i32
      %dma_wait3A_57 = tpu.memref_slice %arg7[%dma_wait3A_55, %dma_wait3A_56] : memref<125x80xi32, #tpu.memory_space<vmem>> -> memref<1x80xi32, #tpu.memory_space<vmem>>
      %dma_wait3A_58 = tpu.memref_squeeze %dma_wait3A_57 : memref<1x80xi32, #tpu.memory_space<vmem>> -> memref<80xi32, #tpu.memory_space<vmem>>
      %dma_wait3A_59 = arith.constant 0 : i32
      %dma_wait3A_60 = arith.constant 0 : i32
      %dma_wait3A_61 = tpu.memref_slice %arg2[%dma_wait3A_59, %dma_wait3A_60] : memref<10000x48xf32, #tpu.memory_space<hbm>> -> memref<10000x48xf32, #tpu.memory_space<hbm>>
      tpu.wait_indirect_dma semaphore(%arg13 : memref<!tpu.dma_semaphore, #tpu.memory_space<semaphore_mem>>) src(%dma_wait3A_61 : memref<10000x48xf32, #tpu.memory_space<hbm>>) dst(%arg10 : memref<80x48xf32, #tpu.memory_space<vmem>>)
      %add3A_62 = arith.constant 1 : i32
      %add3A_63 = arith.addi %mul3A_33, %add3A_62 : i32
      "tpu.region"() ({
        %run_scoped3A_64 = tpu.sem_alloc : memref<!tpu.dma_semaphore, #tpu.memory_space<semaphore_mem>>
        %dma_start3A_65 = arith.constant 0 : i32
        %dma_start3A_66 = tpu.memref_slice %arg8[%add3A_63, %dma_start3A_65] : memref<125x80xi32, #tpu.memory_space<vmem>> -> memref<1x80xi32, #tpu.memory_space<vmem>>
        %dma_start3A_67 = tpu.memref_squeeze %dma_start3A_66 : memref<1x80xi32, #tpu.memory_space<vmem>> -> memref<80xi32, #tpu.memory_space<vmem>>
        %dma_start3A_68 = arith.constant 0 : i32
        %dma_start3A_69 = arith.constant 0 : i32
        %dma_start3A_70 = tpu.memref_slice %arg11[%dma_start3A_68, %dma_start3A_69] : memref<10016x48xf32, #tpu.memory_space<vmem_shared>> -> memref<10016x48xf32, #tpu.memory_space<vmem_shared>>
        tpu.enqueue_indirect_dma source(%arg10 : memref<80x48xf32, #tpu.memory_space<vmem>>) target(%dma_start3A_70 : memref<10016x48xf32, #tpu.memory_space<vmem_shared>>) offsets(%dma_start3A_67 : memref<80xi32, #tpu.memory_space<vmem>>) semaphore(%run_scoped3A_64 : memref<!tpu.dma_semaphore, #tpu.memory_space<semaphore_mem>>) {add = true}
        %dma_wait3A_71 = arith.constant 0 : i32
        %dma_wait3A_72 = tpu.memref_slice %arg8[%add3A_63, %dma_wait3A_71] : memref<125x80xi32, #tpu.memory_space<vmem>> -> memref<1x80xi32, #tpu.memory_space<vmem>>
        %dma_wait3A_73 = tpu.memref_squeeze %dma_wait3A_72 : memref<1x80xi32, #tpu.memory_space<vmem>> -> memref<80xi32, #tpu.memory_space<vmem>>
        %dma_wait3A_74 = arith.constant 0 : i32
        %dma_wait3A_75 = arith.constant 0 : i32
        %dma_wait3A_76 = tpu.memref_slice %arg11[%dma_wait3A_74, %dma_wait3A_75] : memref<10016x48xf32, #tpu.memory_space<vmem_shared>> -> memref<10016x48xf32, #tpu.memory_space<vmem_shared>>
        tpu.wait_indirect_dma semaphore(%run_scoped3A_64 : memref<!tpu.dma_semaphore, #tpu.memory_space<semaphore_mem>>) src(%arg10 : memref<80x48xf32, #tpu.memory_space<vmem>>) dst(%dma_wait3A_76 : memref<10016x48xf32, #tpu.memory_space<vmem_shared>>)
        tpu.yield
      }) : () -> ()
    }
    %scan3A_14 = arith.constant 62 : i32
    %dma_wait3A = arith.constant 0 : i32
    %dma_wait3A_15 = arith.constant 0 : i32
    %dma_wait3A_16 = tpu.memref_slice %arg7[%dma_wait3A, %dma_wait3A_15] : memref<125x80xi32, #tpu.memory_space<vmem>> -> memref<1x80xi32, #tpu.memory_space<vmem>>
    %dma_wait3A_17 = tpu.memref_squeeze %dma_wait3A_16 : memref<1x80xi32, #tpu.memory_space<vmem>> -> memref<80xi32, #tpu.memory_space<vmem>>
    %dma_wait3A_18 = arith.constant 0 : i32
    %dma_wait3A_19 = arith.constant 0 : i32
    %dma_wait3A_20 = tpu.memref_slice %arg2[%dma_wait3A_18, %dma_wait3A_19] : memref<10000x48xf32, #tpu.memory_space<hbm>> -> memref<10000x48xf32, #tpu.memory_space<hbm>>
    tpu.wait_indirect_dma semaphore(%arg12 : memref<!tpu.dma_semaphore, #tpu.memory_space<semaphore_mem>>) src(%dma_wait3A_20 : memref<10000x48xf32, #tpu.memory_space<hbm>>) dst(%arg9 : memref<80x48xf32, #tpu.memory_space<vmem>>)
    %run_scoped3A = arith.constant 124 : i32
    "tpu.region"() ({
      %run_scoped3A_31 = tpu.sem_alloc : memref<!tpu.dma_semaphore, #tpu.memory_space<semaphore_mem>>
      %dma_start3A_32 = arith.constant 0 : i32
      %dma_start3A_33 = tpu.memref_slice %arg8[%run_scoped3A, %dma_start3A_32] : memref<125x80xi32, #tpu.memory_space<vmem>> -> memref<1x80xi32, #tpu.memory_space<vmem>>
      %dma_start3A_34 = tpu.memref_squeeze %dma_start3A_33 : memref<1x80xi32, #tpu.memory_space<vmem>> -> memref<80xi32, #tpu.memory_space<vmem>>
      %dma_start3A_35 = arith.constant 0 : i32
      %dma_start3A_36 = arith.constant 0 : i32
      %dma_start3A_37 = tpu.memref_slice %arg11[%dma_start3A_35, %dma_start3A_36] : memref<10016x48xf32, #tpu.memory_space<vmem_shared>> -> memref<10016x48xf32, #tpu.memory_space<vmem_shared>>
      tpu.enqueue_indirect_dma source(%arg9 : memref<80x48xf32, #tpu.memory_space<vmem>>) target(%dma_start3A_37 : memref<10016x48xf32, #tpu.memory_space<vmem_shared>>) offsets(%dma_start3A_34 : memref<80xi32, #tpu.memory_space<vmem>>) semaphore(%run_scoped3A_31 : memref<!tpu.dma_semaphore, #tpu.memory_space<semaphore_mem>>) {add = true}
      %dma_wait3A_38 = arith.constant 0 : i32
      %dma_wait3A_39 = tpu.memref_slice %arg8[%run_scoped3A, %dma_wait3A_38] : memref<125x80xi32, #tpu.memory_space<vmem>> -> memref<1x80xi32, #tpu.memory_space<vmem>>
      %dma_wait3A_40 = tpu.memref_squeeze %dma_wait3A_39 : memref<1x80xi32, #tpu.memory_space<vmem>> -> memref<80xi32, #tpu.memory_space<vmem>>
      %dma_wait3A_41 = arith.constant 0 : i32
      %dma_wait3A_42 = arith.constant 0 : i32
      %dma_wait3A_43 = tpu.memref_slice %arg11[%dma_wait3A_41, %dma_wait3A_42] : memref<10016x48xf32, #tpu.memory_space<vmem_shared>> -> memref<10016x48xf32, #tpu.memory_space<vmem_shared>>
      tpu.wait_indirect_dma semaphore(%run_scoped3A_31 : memref<!tpu.dma_semaphore, #tpu.memory_space<semaphore_mem>>) src(%arg9 : memref<80x48xf32, #tpu.memory_space<vmem>>) dst(%dma_wait3A_43 : memref<10016x48xf32, #tpu.memory_space<vmem_shared>>)
      tpu.yield
    }) : () -> ()
    %barrier3A_21 = arith.constant 0 : index
    tpu.barrier barrier_id(%barrier3A_21)
    %mul3A_22 = arith.constant 624 : i32
    %mul3A_23 = arith.muli %arg1, %mul3A_22 : i32
    %mul3A_24 = arith.constant 624 : i32
    %mul3A_25 = arith.muli %arg1, %mul3A_24 : i32
    "tpu.region"() ({
      %run_scoped3A_31 = tpu.sem_alloc : memref<!tpu.dma_semaphore, #tpu.memory_space<semaphore_mem>>
      %dma_start3A_32 = arith.constant 0 : i32
      %dma_start3A_33 = tpu.memref_slice %arg6[%arg0, %mul3A_25, %dma_start3A_32] : memref<2x10000x48xf32, #tpu.memory_space<hbm>> -> memref<1x624x48xf32, #tpu.memory_space<hbm>>
      %dma_start3A_34 = tpu.memref_squeeze %dma_start3A_33 : memref<1x624x48xf32, #tpu.memory_space<hbm>> -> memref<624x48xf32, #tpu.memory_space<hbm>>
      %dma_start3A_35 = arith.constant 0 : i32
      %dma_start3A_36 = tpu.memref_slice %arg11[%mul3A_23, %dma_start3A_35] : memref<10016x48xf32, #tpu.memory_space<vmem_shared>> -> memref<624x48xf32, #tpu.memory_space<vmem_shared>>
      tpu.enqueue_dma source(%dma_start3A_36 : memref<624x48xf32, #tpu.memory_space<vmem_shared>>) target(%dma_start3A_34 : memref<624x48xf32, #tpu.memory_space<hbm>>) target_semaphore(%run_scoped3A_31 : memref<!tpu.dma_semaphore, #tpu.memory_space<semaphore_mem>>)
      %dma_wait3A_37 = arith.constant 0 : i32
      %dma_wait3A_38 = tpu.memref_slice %arg6[%arg0, %mul3A_25, %dma_wait3A_37] : memref<2x10000x48xf32, #tpu.memory_space<hbm>> -> memref<1x624x48xf32, #tpu.memory_space<hbm>>
      %dma_wait3A_39 = tpu.memref_squeeze %dma_wait3A_38 : memref<1x624x48xf32, #tpu.memory_space<hbm>> -> memref<624x48xf32, #tpu.memory_space<hbm>>
      %dma_wait3A_40 = arith.constant 0 : i32
      %dma_wait3A_41 = tpu.memref_slice %arg11[%mul3A_23, %dma_wait3A_40] : memref<10016x48xf32, #tpu.memory_space<vmem_shared>> -> memref<624x48xf32, #tpu.memory_space<vmem_shared>>
      tpu.wait_dma2 semaphore(%run_scoped3A_31 : memref<!tpu.dma_semaphore, #tpu.memory_space<semaphore_mem>>) src(%dma_wait3A_41 : memref<624x48xf32, #tpu.memory_space<vmem_shared>>) dst(%dma_wait3A_39 : memref<624x48xf32, #tpu.memory_space<hbm>>)
      tpu.yield
    }) : () -> ()
    %eq3A_26 = arith.constant 0 : i32
    %eq3A_27 = arith.cmpi eq, %arg1, %eq3A_26 : i32
    %convert_element_type3A_28 = arith.extui %eq3A_27 : i1 to i32
    %cond3A_29 = arith.constant 0 : i32
    %cond3A_30 = arith.cmpi ne, %convert_element_type3A_28, %cond3A_29 : i32
    scf.if %cond3A_30 {
      "tpu.region"() ({
        %run_scoped3A_31 = tpu.sem_alloc : memref<!tpu.dma_semaphore, #tpu.memory_space<semaphore_mem>>
        %dma_start3A_32 = arith.constant 9984 : i32
        %dma_start3A_33 = arith.constant 0 : i32
        %dma_start3A_34 = tpu.memref_slice %arg6[%arg0, %dma_start3A_32, %dma_start3A_33] : memref<2x10000x48xf32, #tpu.memory_space<hbm>> -> memref<1x16x48xf32, #tpu.memory_space<hbm>>
        %dma_start3A_35 = tpu.memref_squeeze %dma_start3A_34 : memref<1x16x48xf32, #tpu.memory_space<hbm>> -> memref<16x48xf32, #tpu.memory_space<hbm>>
        %dma_start3A_36 = arith.constant 9984 : i32
        %dma_start3A_37 = arith.constant 0 : i32
        %dma_start3A_38 = tpu.memref_slice %arg11[%dma_start3A_36, %dma_start3A_37] : memref<10016x48xf32, #tpu.memory_space<vmem_shared>> -> memref<16x48xf32, #tpu.memory_space<vmem_shared>>
        tpu.enqueue_dma source(%dma_start3A_38 : memref<16x48xf32, #tpu.memory_space<vmem_shared>>) target(%dma_start3A_35 : memref<16x48xf32, #tpu.memory_space<hbm>>) target_semaphore(%run_scoped3A_31 : memref<!tpu.dma_semaphore, #tpu.memory_space<semaphore_mem>>)
        %dma_wait3A_39 = arith.constant 9984 : i32
        %dma_wait3A_40 = arith.constant 0 : i32
        %dma_wait3A_41 = tpu.memref_slice %arg6[%arg0, %dma_wait3A_39, %dma_wait3A_40] : memref<2x10000x48xf32, #tpu.memory_space<hbm>> -> memref<1x16x48xf32, #tpu.memory_space<hbm>>
        %dma_wait3A_42 = tpu.memref_squeeze %dma_wait3A_41 : memref<1x16x48xf32, #tpu.memory_space<hbm>> -> memref<16x48xf32, #tpu.memory_space<hbm>>
        %dma_wait3A_43 = arith.constant 9984 : i32
        %dma_wait3A_44 = arith.constant 0 : i32
        %dma_wait3A_45 = tpu.memref_slice %arg11[%dma_wait3A_43, %dma_wait3A_44] : memref<10016x48xf32, #tpu.memory_space<vmem_shared>> -> memref<16x48xf32, #tpu.memory_space<vmem_shared>>
        tpu.wait_dma2 semaphore(%run_scoped3A_31 : memref<!tpu.dma_semaphore, #tpu.memory_space<semaphore_mem>>) src(%dma_wait3A_45 : memref<16x48xf32, #tpu.memory_space<vmem_shared>>) dst(%dma_wait3A_42 : memref<16x48xf32, #tpu.memory_space<hbm>>)
        tpu.yield
      }) : () -> ()
    } else {
    }
    return
  }
}

module attributes {stable_mosaic.version = 14 : i64} {
  func.func @_t1_body(%arg0: i32, %arg1: memref<1000x128xf32, #tpu.memory_space<vmem>>, %arg2: memref<128x128xf32, #tpu.memory_space<vmem>>, %arg3: memref<2x1000x16xf32, #tpu.memory_space<vmem>>, %arg4: memref<1000x128xf32, #tpu.memory_space<vmem>>) attributes {dimension_semantics = [#tpu.dimension_semantics<arbitrary>], iteration_bounds = array<i64: 10>, scalar_prefetch = 0 : i64, scratch_operands = 0 : i64, tpu.core_type = #tpu.core_type<tc>, window_params = [{transform_indices = @transform_0, window_bounds = array<i64: 1000, 128>}, {pipeline_mode = #tpu.pipeline_mode<synchronous>, transform_indices = @transform_1, window_bounds = array<i64: 128, 128>}, {transform_indices = @transform_2, window_bounds = array<i64: 2, 1000, 16>}, {transform_indices = @transform_3, window_bounds = array<i64: 1000, 128>}]} {
    %get3A = arith.constant 0 : index
    %get3A_0 = arith.constant 0 : index
    %get3A_1 = vector.load %arg1[%get3A, %get3A_0] : memref<1000x128xf32, #tpu.memory_space<vmem>>, vector<1000x128xf32>
    %get3A_2 = arith.constant 0 : index
    %get3A_3 = arith.constant 0 : index
    %get3A_4 = vector.load %arg2[%get3A_2, %get3A_3] : memref<128x128xf32, #tpu.memory_space<vmem>>, vector<128x128xf32>
    %dot_general3A = arith.constant dense<0.000000e+00> : vector<1000x128xf32>
    %dot_general3A_5 = tpu.matmul %get3A_1, %get3A_4, %dot_general3A {dimension_numbers = #tpu.dot_dimension_numbers<[1], [0], [0], [1], [0, 0, 1, 1], [], []>, transpose_lhs_hint = false} : vector<1000x128xf32>, vector<128x128xf32>, vector<1000x128xf32> -> vector<1000x128xf32>
    %get3A_6 = arith.constant 0 : index
    %get3A_7 = arith.constant 0 : index
    %get3A_8 = arith.constant 0 : index
    %get3A_9 = vector.load %arg3[%get3A_6, %get3A_7, %get3A_8] : memref<2x1000x16xf32, #tpu.memory_space<vmem>>, vector<1x1000x1xf32>
    %get3A_10 = vector.shape_cast %get3A_9 : vector<1x1000x1xf32> to vector<1000x1xf32>
    %get3A_11 = arith.constant 1 : index
    %get3A_12 = arith.constant 0 : index
    %get3A_13 = arith.constant 0 : index
    %get3A_14 = vector.load %arg3[%get3A_11, %get3A_12, %get3A_13] : memref<2x1000x16xf32, #tpu.memory_space<vmem>>, vector<1x1000x1xf32>
    %get3A_15 = vector.shape_cast %get3A_14 : vector<1x1000x1xf32> to vector<1000x1xf32>
    %add3A = arith.addf %get3A_10, %get3A_15 : vector<1000x1xf32>
    %add3A_16 = arith.constant 1.000000e+00 : f32
    %add3A_17 = vector.broadcast %add3A_16 : f32 to vector<1000x1xf32>
    %add3A_18 = arith.addf %add3A, %add3A_17 : vector<1000x1xf32>
    %rsqrt3A = math.rsqrt %add3A_18 : vector<1000x1xf32>
    %mul3A = vector.broadcast %rsqrt3A : vector<1000x1xf32> to vector<1000x128xf32>
    %mul3A_19 = arith.mulf %mul3A, %dot_general3A_5 : vector<1000x128xf32>
    %swap3A = arith.constant 0 : index
    %swap3A_20 = arith.constant 0 : index
    %swap3A_21 = vector.load %arg4[%swap3A, %swap3A_20] : memref<1000x128xf32, #tpu.memory_space<vmem>>, vector<1000x128xf32>
    tpu.vector_store %arg4[%swap3A, %swap3A_20], %mul3A_19 {strides = array<i32>} : memref<1000x128xf32, #tpu.memory_space<vmem>>, vector<1000x128xf32>,
    return
  }
  func.func @transform_0(%arg0: i32) -> (i32, i32) {
    %c0_i32 = arith.constant 0 : i32
    %c0_i32_0 = arith.constant 0 : i32
    return %arg0, %c0_i32 : i32, i32
  }
  func.func @transform_1(%arg0: i32) -> (i32, i32) {
    %c0_i32 = arith.constant 0 : i32
    %c0_i32_0 = arith.constant 0 : i32
    %c0_i32_1 = arith.constant 0 : i32
    return %c0_i32, %c0_i32_0 : i32, i32
  }
  func.func @transform_2(%arg0: i32) -> (i32, i32, i32) {
    %c0_i32 = arith.constant 0 : i32
    %c0_i32_0 = arith.constant 0 : i32
    %c0_i32_1 = arith.constant 0 : i32
    return %c0_i32, %arg0, %c0_i32_0 : i32, i32, i32
  }
  func.func @transform_3(%arg0: i32) -> (i32, i32) {
    %c0_i32 = arith.constant 0 : i32
    %c0_i32_0 = arith.constant 0 : i32
    return %arg0, %c0_i32 : i32, i32
  }
}

module attributes {stable_mosaic.version = 14 : i64} {
  func.func @_t2_body(%arg0: i32, %arg1: memref<1000x128xf32, #tpu.memory_space<vmem>>, %arg2: memref<2x1000x128xf32, #tpu.memory_space<vmem>>, %arg3: memref<2x1000x16xf32, #tpu.memory_space<vmem>>, %arg4: memref<128x48xf32, #tpu.memory_space<vmem>>, %arg5: memref<1x128xf32, #tpu.memory_space<vmem>>, %arg6: memref<1000x48xf32, #tpu.memory_space<vmem>>) attributes {dimension_semantics = [#tpu.dimension_semantics<arbitrary>], iteration_bounds = array<i64: 10>, scalar_prefetch = 0 : i64, scratch_operands = 0 : i64, tpu.core_type = #tpu.core_type<tc>, window_params = [{transform_indices = @transform_0, window_bounds = array<i64: 1000, 128>}, {transform_indices = @transform_1, window_bounds = array<i64: 2, 1000, 128>}, {transform_indices = @transform_2, window_bounds = array<i64: 2, 1000, 16>}, {pipeline_mode = #tpu.pipeline_mode<synchronous>, transform_indices = @transform_3, window_bounds = array<i64: 128, 48>}, {pipeline_mode = #tpu.pipeline_mode<synchronous>, transform_indices = @transform_4, window_bounds = array<i64: 1, 128>}, {transform_indices = @transform_5, window_bounds = array<i64: 1000, 48>}]} {
    %get3A = arith.constant 0 : index
    %get3A_0 = arith.constant 0 : index
    %get3A_1 = arith.constant 0 : index
    %get3A_2 = vector.load %arg3[%get3A, %get3A_0, %get3A_1] : memref<2x1000x16xf32, #tpu.memory_space<vmem>>, vector<1x1000x1xf32>
    %get3A_3 = vector.shape_cast %get3A_2 : vector<1x1000x1xf32> to vector<1000x1xf32>
    %get3A_4 = arith.constant 1 : index
    %get3A_5 = arith.constant 0 : index
    %get3A_6 = arith.constant 0 : index
    %get3A_7 = vector.load %arg3[%get3A_4, %get3A_5, %get3A_6] : memref<2x1000x16xf32, #tpu.memory_space<vmem>>, vector<1x1000x1xf32>
    %get3A_8 = vector.shape_cast %get3A_7 : vector<1x1000x1xf32> to vector<1000x1xf32>
    %add3A = arith.addf %get3A_3, %get3A_8 : vector<1000x1xf32>
    %add3A_9 = arith.constant 1.000000e+00 : f32
    %add3A_10 = vector.broadcast %add3A_9 : f32 to vector<1000x1xf32>
    %add3A_11 = arith.addf %add3A, %add3A_10 : vector<1000x1xf32>
    %rsqrt3A = math.rsqrt %add3A_11 : vector<1000x1xf32>
    %get3A_12 = arith.constant 0 : index
    %get3A_13 = arith.constant 0 : index
    %get3A_14 = arith.constant 0 : index
    %get3A_15 = vector.load %arg2[%get3A_12, %get3A_13, %get3A_14] : memref<2x1000x128xf32, #tpu.memory_space<vmem>>, vector<1x1000x128xf32>
    %get3A_16 = vector.shape_cast %get3A_15 : vector<1x1000x128xf32> to vector<1000x128xf32>
    %get3A_17 = arith.constant 1 : index
    %get3A_18 = arith.constant 0 : index
    %get3A_19 = arith.constant 0 : index
    %get3A_20 = vector.load %arg2[%get3A_17, %get3A_18, %get3A_19] : memref<2x1000x128xf32, #tpu.memory_space<vmem>>, vector<1x1000x128xf32>
    %get3A_21 = vector.shape_cast %get3A_20 : vector<1x1000x128xf32> to vector<1000x128xf32>
    %add3A_22 = arith.addf %get3A_16, %get3A_21 : vector<1000x128xf32>
    %get3A_23 = arith.constant 0 : index
    %get3A_24 = arith.constant 0 : index
    %get3A_25 = vector.load %arg1[%get3A_23, %get3A_24] : memref<1000x128xf32, #tpu.memory_space<vmem>>, vector<1000x128xf32>
    %add3A_26 = arith.addf %add3A_22, %get3A_25 : vector<1000x128xf32>
    %mul3A = vector.broadcast %rsqrt3A : vector<1000x1xf32> to vector<1000x128xf32>
    %mul3A_27 = arith.mulf %mul3A, %add3A_26 : vector<1000x128xf32>
    %get3A_28 = arith.constant 0 : index
    %get3A_29 = arith.constant 0 : index
    %get3A_30 = vector.load %arg5[%get3A_28, %get3A_29] : memref<1x128xf32, #tpu.memory_space<vmem>>, vector<1x128xf32>
    %add3A_31 = vector.broadcast %get3A_30 : vector<1x128xf32> to vector<1000x128xf32>
    %add3A_32 = arith.addf %mul3A_27, %add3A_31 : vector<1000x128xf32>
    %max3A = arith.constant 0.000000e+00 : f32
    %max3A_33 = vector.broadcast %max3A : f32 to vector<1000x128xf32>
    %max3A_34 = arith.maximumf %add3A_32, %max3A_33 : vector<1000x128xf32>
    %get3A_35 = arith.constant 0 : index
    %get3A_36 = arith.constant 0 : index
    %get3A_37 = vector.load %arg4[%get3A_35, %get3A_36] : memref<128x48xf32, #tpu.memory_space<vmem>>, vector<128x48xf32>
    %dot_general3A = arith.constant dense<0.000000e+00> : vector<1000x48xf32>
    %dot_general3A_38 = tpu.matmul %max3A_34, %get3A_37, %dot_general3A {dimension_numbers = #tpu.dot_dimension_numbers<[1], [0], [0], [1], [0, 0, 1, 1], [], []>, transpose_lhs_hint = false} : vector<1000x128xf32>, vector<128x48xf32>, vector<1000x48xf32> -> vector<1000x48xf32>
    %mul3A_39 = vector.broadcast %rsqrt3A : vector<1000x1xf32> to vector<1000x48xf32>
    %mul3A_40 = arith.mulf %mul3A_39, %dot_general3A_38 : vector<1000x48xf32>
    %swap3A = arith.constant 0 : index
    %swap3A_41 = arith.constant 0 : index
    %swap3A_42 = vector.load %arg6[%swap3A, %swap3A_41] : memref<1000x48xf32, #tpu.memory_space<vmem>>, vector<1000x48xf32>
    tpu.vector_store %arg6[%swap3A, %swap3A_41], %mul3A_40 {strides = array<i32>} : memref<1000x48xf32, #tpu.memory_space<vmem>>, vector<1000x48xf32>,
    return
  }
  func.func @transform_0(%arg0: i32) -> (i32, i32) {
    %c0_i32 = arith.constant 0 : i32
    %c0_i32_0 = arith.constant 0 : i32
    return %arg0, %c0_i32 : i32, i32
  }
  func.func @transform_1(%arg0: i32) -> (i32, i32, i32) {
    %c0_i32 = arith.constant 0 : i32
    %c0_i32_0 = arith.constant 0 : i32
    %c0_i32_1 = arith.constant 0 : i32
    return %c0_i32, %arg0, %c0_i32_0 : i32, i32, i32
  }
  func.func @transform_2(%arg0: i32) -> (i32, i32, i32) {
    %c0_i32 = arith.constant 0 : i32
    %c0_i32_0 = arith.constant 0 : i32
    %c0_i32_1 = arith.constant 0 : i32
    return %c0_i32, %arg0, %c0_i32_0 : i32, i32, i32
  }
  func.func @transform_3(%arg0: i32) -> (i32, i32) {
    %c0_i32 = arith.constant 0 : i32
    %c0_i32_0 = arith.constant 0 : i32
    %c0_i32_1 = arith.constant 0 : i32
    return %c0_i32, %c0_i32_0 : i32, i32
  }
  func.func @transform_4(%arg0: i32) -> (i32, i32) {
    %c0_i32 = arith.constant 0 : i32
    %c0_i32_0 = arith.constant 0 : i32
    %c0_i32_1 = arith.constant 0 : i32
    return %c0_i32, %c0_i32_0 : i32, i32
  }
  func.func @transform_5(%arg0: i32) -> (i32, i32) {
    %c0_i32 = arith.constant 0 : i32
    %c0_i32_0 = arith.constant 0 : i32
    return %arg0, %c0_i32 : i32, i32
  }
}

module attributes {stable_mosaic.version = 14 : i64} {
  func.func @_t3_body(%arg0: i32, %arg1: memref<1000x48xf32, #tpu.memory_space<vmem>>, %arg2: memref<2x1000x48xf32, #tpu.memory_space<vmem>>, %arg3: memref<2x1000x16xf32, #tpu.memory_space<vmem>>, %arg4: memref<1x48xf32, #tpu.memory_space<vmem>>, %arg5: memref<1000x48xf32, #tpu.memory_space<vmem>>) attributes {dimension_semantics = [#tpu.dimension_semantics<arbitrary>], iteration_bounds = array<i64: 10>, scalar_prefetch = 0 : i64, scratch_operands = 0 : i64, tpu.core_type = #tpu.core_type<tc>, window_params = [{transform_indices = @transform_0, window_bounds = array<i64: 1000, 48>}, {transform_indices = @transform_1, window_bounds = array<i64: 2, 1000, 48>}, {transform_indices = @transform_2, window_bounds = array<i64: 2, 1000, 16>}, {pipeline_mode = #tpu.pipeline_mode<synchronous>, transform_indices = @transform_3, window_bounds = array<i64: 1, 48>}, {transform_indices = @transform_4, window_bounds = array<i64: 1000, 48>}]} {
    %get3A = arith.constant 0 : index
    %get3A_0 = arith.constant 0 : index
    %get3A_1 = arith.constant 0 : index
    %get3A_2 = vector.load %arg3[%get3A, %get3A_0, %get3A_1] : memref<2x1000x16xf32, #tpu.memory_space<vmem>>, vector<1x1000x1xf32>
    %get3A_3 = vector.shape_cast %get3A_2 : vector<1x1000x1xf32> to vector<1000x1xf32>
    %get3A_4 = arith.constant 1 : index
    %get3A_5 = arith.constant 0 : index
    %get3A_6 = arith.constant 0 : index
    %get3A_7 = vector.load %arg3[%get3A_4, %get3A_5, %get3A_6] : memref<2x1000x16xf32, #tpu.memory_space<vmem>>, vector<1x1000x1xf32>
    %get3A_8 = vector.shape_cast %get3A_7 : vector<1x1000x1xf32> to vector<1000x1xf32>
    %add3A = arith.addf %get3A_3, %get3A_8 : vector<1000x1xf32>
    %add3A_9 = arith.constant 1.000000e+00 : f32
    %add3A_10 = vector.broadcast %add3A_9 : f32 to vector<1000x1xf32>
    %add3A_11 = arith.addf %add3A, %add3A_10 : vector<1000x1xf32>
    %rsqrt3A = math.rsqrt %add3A_11 : vector<1000x1xf32>
    %get3A_12 = arith.constant 0 : index
    %get3A_13 = arith.constant 0 : index
    %get3A_14 = arith.constant 0 : index
    %get3A_15 = vector.load %arg2[%get3A_12, %get3A_13, %get3A_14] : memref<2x1000x48xf32, #tpu.memory_space<vmem>>, vector<1x1000x48xf32>
    %get3A_16 = vector.shape_cast %get3A_15 : vector<1x1000x48xf32> to vector<1000x48xf32>
    %get3A_17 = arith.constant 1 : index
    %get3A_18 = arith.constant 0 : index
    %get3A_19 = arith.constant 0 : index
    %get3A_20 = vector.load %arg2[%get3A_17, %get3A_18, %get3A_19] : memref<2x1000x48xf32, #tpu.memory_space<vmem>>, vector<1x1000x48xf32>
    %get3A_21 = vector.shape_cast %get3A_20 : vector<1x1000x48xf32> to vector<1000x48xf32>
    %add3A_22 = arith.addf %get3A_16, %get3A_21 : vector<1000x48xf32>
    %get3A_23 = arith.constant 0 : index
    %get3A_24 = arith.constant 0 : index
    %get3A_25 = vector.load %arg1[%get3A_23, %get3A_24] : memref<1000x48xf32, #tpu.memory_space<vmem>>, vector<1000x48xf32>
    %add3A_26 = arith.addf %add3A_22, %get3A_25 : vector<1000x48xf32>
    %mul3A = vector.broadcast %rsqrt3A : vector<1000x1xf32> to vector<1000x48xf32>
    %mul3A_27 = arith.mulf %mul3A, %add3A_26 : vector<1000x48xf32>
    %get3A_28 = arith.constant 0 : index
    %get3A_29 = arith.constant 0 : index
    %get3A_30 = vector.load %arg4[%get3A_28, %get3A_29] : memref<1x48xf32, #tpu.memory_space<vmem>>, vector<1x48xf32>
    %add3A_31 = vector.broadcast %get3A_30 : vector<1x48xf32> to vector<1000x48xf32>
    %add3A_32 = arith.addf %mul3A_27, %add3A_31 : vector<1000x48xf32>
    %iota3A = tpu.iota {dimensions = array<i32: 1>} : vector<1000x48xi32>
    %ge3A = arith.constant 40 : i32
    %ge3A_33 = vector.broadcast %ge3A : i32 to vector<1000x48xi32>
    %ge3A_34 = arith.cmpi sge, %iota3A, %ge3A_33 : vector<1000x48xi32>
    %jit3A = arith.constant -1.000000e+30 : f32
    %broadcast_in_dim3A = vector.broadcast %jit3A : f32 to vector<1000x48xf32>
    %select_n3A = arith.select %ge3A_34, %broadcast_in_dim3A, %add3A_32 : vector<1000x48xi1>, vector<1000x48xf32>
    %reduce_max3A = arith.constant dense<0xFF800000> : vector<1000xf32>
    %reduce_max3A_35 = vector.multi_reduction <maximumf>, %select_n3A, %reduce_max3A [1] : vector<1000x48xf32> to vector<1000xf32>
    %broadcast_in_dim3A_36 = vector.shape_cast %reduce_max3A_35 : vector<1000xf32> to vector<1000x1xf32>
    %sub3A = vector.broadcast %broadcast_in_dim3A_36 : vector<1000x1xf32> to vector<1000x48xf32>
    %sub3A_37 = arith.subf %select_n3A, %sub3A : vector<1000x48xf32>
    %exp3A = math.exp %sub3A_37 : vector<1000x48xf32>
    %reduce_sum3A = arith.constant dense<0.000000e+00> : vector<1000xf32>
    %reduce_sum3A_38 = vector.multi_reduction <add>, %exp3A, %reduce_sum3A [1] : vector<1000x48xf32> to vector<1000xf32>
    %broadcast_in_dim3A_39 = vector.shape_cast %reduce_sum3A_38 : vector<1000xf32> to vector<1000x1xf32>
    %div3A = vector.broadcast %broadcast_in_dim3A_39 : vector<1000x1xf32> to vector<1000x48xf32>
    %div3A_40 = arith.divf %exp3A, %div3A : vector<1000x48xf32>
    %mul3A_41 = vector.broadcast %rsqrt3A : vector<1000x1xf32> to vector<1000x48xf32>
    %mul3A_42 = arith.mulf %mul3A_41, %div3A_40 : vector<1000x48xf32>
    %swap3A = arith.constant 0 : index
    %swap3A_43 = arith.constant 0 : index
    %swap3A_44 = vector.load %arg5[%swap3A, %swap3A_43] : memref<1000x48xf32, #tpu.memory_space<vmem>>, vector<1000x48xf32>
    tpu.vector_store %arg5[%swap3A, %swap3A_43], %mul3A_42 {strides = array<i32>} : memref<1000x48xf32, #tpu.memory_space<vmem>>, vector<1000x48xf32>,
    return
  }
  func.func @transform_0(%arg0: i32) -> (i32, i32) {
    %c0_i32 = arith.constant 0 : i32
    %c0_i32_0 = arith.constant 0 : i32
    return %arg0, %c0_i32 : i32, i32
  }
  func.func @transform_1(%arg0: i32) -> (i32, i32, i32) {
    %c0_i32 = arith.constant 0 : i32
    %c0_i32_0 = arith.constant 0 : i32
    %c0_i32_1 = arith.constant 0 : i32
    return %c0_i32, %arg0, %c0_i32_0 : i32, i32, i32
  }
  func.func @transform_2(%arg0: i32) -> (i32, i32, i32) {
    %c0_i32 = arith.constant 0 : i32
    %c0_i32_0 = arith.constant 0 : i32
    %c0_i32_1 = arith.constant 0 : i32
    return %c0_i32, %arg0, %c0_i32_0 : i32, i32, i32
  }
  func.func @transform_3(%arg0: i32) -> (i32, i32) {
    %c0_i32 = arith.constant 0 : i32
    %c0_i32_0 = arith.constant 0 : i32
    %c0_i32_1 = arith.constant 0 : i32
    return %c0_i32, %c0_i32_0 : i32, i32
  }
  func.func @transform_4(%arg0: i32) -> (i32, i32) {
    %c0_i32 = arith.constant 0 : i32
    %c0_i32_0 = arith.constant 0 : i32
    return %arg0, %c0_i32 : i32, i32
  }
}

module attributes {stable_mosaic.version = 14 : i64} {
  func.func @_t4_body(%arg0: i32, %arg1: memref<1000x48xf32, #tpu.memory_space<vmem>>, %arg2: memref<2x1000x48xf32, #tpu.memory_space<vmem>>, %arg3: memref<2x1000x16xf32, #tpu.memory_space<vmem>>, %arg4: memref<48x128xf32, #tpu.memory_space<vmem>>, %arg5: memref<1x128xf32, #tpu.memory_space<vmem>>, %arg6: memref<128x48xf32, #tpu.memory_space<vmem>>, %arg7: memref<1000x48xf32, #tpu.memory_space<vmem>>) attributes {dimension_semantics = [#tpu.dimension_semantics<arbitrary>], iteration_bounds = array<i64: 10>, scalar_prefetch = 0 : i64, scratch_operands = 0 : i64, tpu.core_type = #tpu.core_type<tc>, window_params = [{transform_indices = @transform_0, window_bounds = array<i64: 1000, 48>}, {transform_indices = @transform_1, window_bounds = array<i64: 2, 1000, 48>}, {transform_indices = @transform_2, window_bounds = array<i64: 2, 1000, 16>}, {pipeline_mode = #tpu.pipeline_mode<synchronous>, transform_indices = @transform_3, window_bounds = array<i64: 48, 128>}, {pipeline_mode = #tpu.pipeline_mode<synchronous>, transform_indices = @transform_4, window_bounds = array<i64: 1, 128>}, {pipeline_mode = #tpu.pipeline_mode<synchronous>, transform_indices = @transform_5, window_bounds = array<i64: 128, 48>}, {transform_indices = @transform_6, window_bounds = array<i64: 1000, 48>}]} {
    %get3A = arith.constant 0 : index
    %get3A_0 = arith.constant 0 : index
    %get3A_1 = arith.constant 0 : index
    %get3A_2 = vector.load %arg3[%get3A, %get3A_0, %get3A_1] : memref<2x1000x16xf32, #tpu.memory_space<vmem>>, vector<1x1000x1xf32>
    %get3A_3 = vector.shape_cast %get3A_2 : vector<1x1000x1xf32> to vector<1000x1xf32>
    %get3A_4 = arith.constant 1 : index
    %get3A_5 = arith.constant 0 : index
    %get3A_6 = arith.constant 0 : index
    %get3A_7 = vector.load %arg3[%get3A_4, %get3A_5, %get3A_6] : memref<2x1000x16xf32, #tpu.memory_space<vmem>>, vector<1x1000x1xf32>
    %get3A_8 = vector.shape_cast %get3A_7 : vector<1x1000x1xf32> to vector<1000x1xf32>
    %add3A = arith.addf %get3A_3, %get3A_8 : vector<1000x1xf32>
    %add3A_9 = arith.constant 1.000000e+00 : f32
    %add3A_10 = vector.broadcast %add3A_9 : f32 to vector<1000x1xf32>
    %add3A_11 = arith.addf %add3A, %add3A_10 : vector<1000x1xf32>
    %rsqrt3A = math.rsqrt %add3A_11 : vector<1000x1xf32>
    %get3A_12 = arith.constant 0 : index
    %get3A_13 = arith.constant 0 : index
    %get3A_14 = arith.constant 0 : index
    %get3A_15 = vector.load %arg2[%get3A_12, %get3A_13, %get3A_14] : memref<2x1000x48xf32, #tpu.memory_space<vmem>>, vector<1x1000x48xf32>
    %get3A_16 = vector.shape_cast %get3A_15 : vector<1x1000x48xf32> to vector<1000x48xf32>
    %get3A_17 = arith.constant 1 : index
    %get3A_18 = arith.constant 0 : index
    %get3A_19 = arith.constant 0 : index
    %get3A_20 = vector.load %arg2[%get3A_17, %get3A_18, %get3A_19] : memref<2x1000x48xf32, #tpu.memory_space<vmem>>, vector<1x1000x48xf32>
    %get3A_21 = vector.shape_cast %get3A_20 : vector<1x1000x48xf32> to vector<1000x48xf32>
    %add3A_22 = arith.addf %get3A_16, %get3A_21 : vector<1000x48xf32>
    %get3A_23 = arith.constant 0 : index
    %get3A_24 = arith.constant 0 : index
    %get3A_25 = vector.load %arg1[%get3A_23, %get3A_24] : memref<1000x48xf32, #tpu.memory_space<vmem>>, vector<1000x48xf32>
    %add3A_26 = arith.addf %add3A_22, %get3A_25 : vector<1000x48xf32>
    %mul3A = vector.broadcast %rsqrt3A : vector<1000x1xf32> to vector<1000x48xf32>
    %mul3A_27 = arith.mulf %mul3A, %add3A_26 : vector<1000x48xf32>
    %get3A_28 = arith.constant 0 : index
    %get3A_29 = arith.constant 0 : index
    %get3A_30 = vector.load %arg4[%get3A_28, %get3A_29] : memref<48x128xf32, #tpu.memory_space<vmem>>, vector<48x128xf32>
    %dot_general3A = arith.constant dense<0.000000e+00> : vector<1000x128xf32>
    %dot_general3A_31 = tpu.matmul %mul3A_27, %get3A_30, %dot_general3A {dimension_numbers = #tpu.dot_dimension_numbers<[1], [0], [0], [1], [0, 0, 1, 1], [], []>, transpose_lhs_hint = false} : vector<1000x48xf32>, vector<48x128xf32>, vector<1000x128xf32> -> vector<1000x128xf32>
    %get3A_32 = arith.constant 0 : index
    %get3A_33 = arith.constant 0 : index
    %get3A_34 = vector.load %arg5[%get3A_32, %get3A_33] : memref<1x128xf32, #tpu.memory_space<vmem>>, vector<1x128xf32>
    %add3A_35 = vector.broadcast %get3A_34 : vector<1x128xf32> to vector<1000x128xf32>
    %add3A_36 = arith.addf %dot_general3A_31, %add3A_35 : vector<1000x128xf32>
    %max3A = arith.constant 0.000000e+00 : f32
    %max3A_37 = vector.broadcast %max3A : f32 to vector<1000x128xf32>
    %max3A_38 = arith.maximumf %add3A_36, %max3A_37 : vector<1000x128xf32>
    %get3A_39 = arith.constant 0 : index
    %get3A_40 = arith.constant 0 : index
    %get3A_41 = vector.load %arg6[%get3A_39, %get3A_40] : memref<128x48xf32, #tpu.memory_space<vmem>>, vector<128x48xf32>
    %dot_general3A_42 = arith.constant dense<0.000000e+00> : vector<1000x48xf32>
    %dot_general3A_43 = tpu.matmul %max3A_38, %get3A_41, %dot_general3A_42 {dimension_numbers = #tpu.dot_dimension_numbers<[1], [0], [0], [1], [0, 0, 1, 1], [], []>, transpose_lhs_hint = false} : vector<1000x128xf32>, vector<128x48xf32>, vector<1000x48xf32> -> vector<1000x48xf32>
    %mul3A_44 = vector.broadcast %rsqrt3A : vector<1000x1xf32> to vector<1000x48xf32>
    %mul3A_45 = arith.mulf %mul3A_44, %dot_general3A_43 : vector<1000x48xf32>
    %swap3A = arith.constant 0 : index
    %swap3A_46 = arith.constant 0 : index
    %swap3A_47 = vector.load %arg7[%swap3A, %swap3A_46] : memref<1000x48xf32, #tpu.memory_space<vmem>>, vector<1000x48xf32>
    tpu.vector_store %arg7[%swap3A, %swap3A_46], %mul3A_45 {strides = array<i32>} : memref<1000x48xf32, #tpu.memory_space<vmem>>, vector<1000x48xf32>,
    return
  }
  func.func @transform_0(%arg0: i32) -> (i32, i32) {
    %c0_i32 = arith.constant 0 : i32
    %c0_i32_0 = arith.constant 0 : i32
    return %arg0, %c0_i32 : i32, i32
  }
  func.func @transform_1(%arg0: i32) -> (i32, i32, i32) {
    %c0_i32 = arith.constant 0 : i32
    %c0_i32_0 = arith.constant 0 : i32
    %c0_i32_1 = arith.constant 0 : i32
    return %c0_i32, %arg0, %c0_i32_0 : i32, i32, i32
  }
  func.func @transform_2(%arg0: i32) -> (i32, i32, i32) {
    %c0_i32 = arith.constant 0 : i32
    %c0_i32_0 = arith.constant 0 : i32
    %c0_i32_1 = arith.constant 0 : i32
    return %c0_i32, %arg0, %c0_i32_0 : i32, i32, i32
  }
  func.func @transform_3(%arg0: i32) -> (i32, i32) {
    %c0_i32 = arith.constant 0 : i32
    %c0_i32_0 = arith.constant 0 : i32
    %c0_i32_1 = arith.constant 0 : i32
    return %c0_i32, %c0_i32_0 : i32, i32
  }
  func.func @transform_4(%arg0: i32) -> (i32, i32) {
    %c0_i32 = arith.constant 0 : i32
    %c0_i32_0 = arith.constant 0 : i32
    %c0_i32_1 = arith.constant 0 : i32
    return %c0_i32, %c0_i32_0 : i32, i32
  }
  func.func @transform_5(%arg0: i32) -> (i32, i32) {
    %c0_i32 = arith.constant 0 : i32
    %c0_i32_0 = arith.constant 0 : i32
    %c0_i32_1 = arith.constant 0 : i32
    return %c0_i32, %c0_i32_0 : i32, i32
  }
  func.func @transform_6(%arg0: i32) -> (i32, i32) {
    %c0_i32 = arith.constant 0 : i32
    %c0_i32_0 = arith.constant 0 : i32
    return %arg0, %c0_i32 : i32, i32
  }
}

module attributes {stable_mosaic.version = 14 : i64} {
  func.func @_t5_body(%arg0: i32, %arg1: memref<1000x48xf32, #tpu.memory_space<vmem>>, %arg2: memref<2x1000x48xf32, #tpu.memory_space<vmem>>, %arg3: memref<2x1000x16xf32, #tpu.memory_space<vmem>>, %arg4: memref<1x40xf32, #tpu.memory_space<vmem>>, %arg5: memref<1000x40xf32, #tpu.memory_space<vmem>>) attributes {dimension_semantics = [#tpu.dimension_semantics<arbitrary>], iteration_bounds = array<i64: 10>, scalar_prefetch = 0 : i64, scratch_operands = 0 : i64, tpu.core_type = #tpu.core_type<tc>, window_params = [{transform_indices = @transform_0, window_bounds = array<i64: 1000, 48>}, {transform_indices = @transform_1, window_bounds = array<i64: 2, 1000, 48>}, {transform_indices = @transform_2, window_bounds = array<i64: 2, 1000, 16>}, {pipeline_mode = #tpu.pipeline_mode<synchronous>, transform_indices = @transform_3, window_bounds = array<i64: 1, 40>}, {transform_indices = @transform_4, window_bounds = array<i64: 1000, 40>}]} {
    %get3A = arith.constant 0 : index
    %get3A_0 = arith.constant 0 : index
    %get3A_1 = arith.constant 0 : index
    %get3A_2 = vector.load %arg3[%get3A, %get3A_0, %get3A_1] : memref<2x1000x16xf32, #tpu.memory_space<vmem>>, vector<1x1000x1xf32>
    %get3A_3 = vector.shape_cast %get3A_2 : vector<1x1000x1xf32> to vector<1000x1xf32>
    %get3A_4 = arith.constant 1 : index
    %get3A_5 = arith.constant 0 : index
    %get3A_6 = arith.constant 0 : index
    %get3A_7 = vector.load %arg3[%get3A_4, %get3A_5, %get3A_6] : memref<2x1000x16xf32, #tpu.memory_space<vmem>>, vector<1x1000x1xf32>
    %get3A_8 = vector.shape_cast %get3A_7 : vector<1x1000x1xf32> to vector<1000x1xf32>
    %add3A = arith.addf %get3A_3, %get3A_8 : vector<1000x1xf32>
    %add3A_9 = arith.constant 1.000000e+00 : f32
    %add3A_10 = vector.broadcast %add3A_9 : f32 to vector<1000x1xf32>
    %add3A_11 = arith.addf %add3A, %add3A_10 : vector<1000x1xf32>
    %rsqrt3A = math.rsqrt %add3A_11 : vector<1000x1xf32>
    %get3A_12 = arith.constant 0 : index
    %get3A_13 = arith.constant 0 : index
    %get3A_14 = arith.constant 0 : index
    %get3A_15 = vector.load %arg2[%get3A_12, %get3A_13, %get3A_14] : memref<2x1000x48xf32, #tpu.memory_space<vmem>>, vector<1x1000x48xf32>
    %get3A_16 = vector.shape_cast %get3A_15 : vector<1x1000x48xf32> to vector<1000x48xf32>
    %get3A_17 = arith.constant 1 : index
    %get3A_18 = arith.constant 0 : index
    %get3A_19 = arith.constant 0 : index
    %get3A_20 = vector.load %arg2[%get3A_17, %get3A_18, %get3A_19] : memref<2x1000x48xf32, #tpu.memory_space<vmem>>, vector<1x1000x48xf32>
    %get3A_21 = vector.shape_cast %get3A_20 : vector<1x1000x48xf32> to vector<1000x48xf32>
    %add3A_22 = arith.addf %get3A_16, %get3A_21 : vector<1000x48xf32>
    %get3A_23 = arith.constant 0 : index
    %get3A_24 = arith.constant 0 : index
    %get3A_25 = vector.load %arg1[%get3A_23, %get3A_24] : memref<1000x48xf32, #tpu.memory_space<vmem>>, vector<1000x48xf32>
    %add3A_26 = arith.addf %add3A_22, %get3A_25 : vector<1000x48xf32>
    %mul3A = vector.broadcast %rsqrt3A : vector<1000x1xf32> to vector<1000x48xf32>
    %mul3A_27 = arith.mulf %mul3A, %add3A_26 : vector<1000x48xf32>
    %slice3A = vector.extract_strided_slice %mul3A_27 {offsets = [0, 0], sizes = [1000, 40], strides = [1, 1]} : vector<1000x48xf32> to vector<1000x40xf32>
    %get3A_28 = arith.constant 0 : index
    %get3A_29 = arith.constant 0 : index
    %get3A_30 = vector.load %arg4[%get3A_28, %get3A_29] : memref<1x40xf32, #tpu.memory_space<vmem>>, vector<1x40xf32>
    %add3A_31 = vector.broadcast %get3A_30 : vector<1x40xf32> to vector<1000x40xf32>
    %add3A_32 = arith.addf %slice3A, %add3A_31 : vector<1000x40xf32>
    %swap3A = arith.constant 0 : index
    %swap3A_33 = arith.constant 0 : index
    %swap3A_34 = vector.load %arg5[%swap3A, %swap3A_33] : memref<1000x40xf32, #tpu.memory_space<vmem>>, vector<1000x40xf32>
    tpu.vector_store %arg5[%swap3A, %swap3A_33], %add3A_32 {strides = array<i32>} : memref<1000x40xf32, #tpu.memory_space<vmem>>, vector<1000x40xf32>,
    return
  }
  func.func @transform_0(%arg0: i32) -> (i32, i32) {
    %c0_i32 = arith.constant 0 : i32
    %c0_i32_0 = arith.constant 0 : i32
    return %arg0, %c0_i32 : i32, i32
  }
  func.func @transform_1(%arg0: i32) -> (i32, i32, i32) {
    %c0_i32 = arith.constant 0 : i32
    %c0_i32_0 = arith.constant 0 : i32
    %c0_i32_1 = arith.constant 0 : i32
    return %c0_i32, %arg0, %c0_i32_0 : i32, i32, i32
  }
  func.func @transform_2(%arg0: i32) -> (i32, i32, i32) {
    %c0_i32 = arith.constant 0 : i32
    %c0_i32_0 = arith.constant 0 : i32
    %c0_i32_1 = arith.constant 0 : i32
    return %c0_i32, %arg0, %c0_i32_0 : i32, i32, i32
  }
  func.func @transform_3(%arg0: i32) -> (i32, i32) {
    %c0_i32 = arith.constant 0 : i32
    %c0_i32_0 = arith.constant 0 : i32
    %c0_i32_1 = arith.constant 0 : i32
    return %c0_i32, %c0_i32_0 : i32, i32
  }
  func.func @transform_4(%arg0: i32) -> (i32, i32) {
    %c0_i32 = arith.constant 0 : i32
    %c0_i32_0 = arith.constant 0 : i32
    return %arg0, %c0_i32 : i32, i32
  }
}

</mosaic_0001>

<sc_bundles>
// kernel: kernel.12.cloned.1.call-start
scs
__scs_entry_jumppad:
0x0: {  	(pc) =	sbr.rel $0x88, $3  }
0x1: {  	(tag) =	ssettag $0x0;
	lr =	simm.s32 $0x1  }
0x2: {  	[smem:$0x3F97] =	sst lr;
	_ =	strace $0xD0000000  }
0x3: {  	_ = 	snop  }
0x4: {  	_ = 	snop  }
0x5: {  	_ = 	snop  }
0x6: {  	_ = 	snop  }
0x7: {  	_ = 	snop  }
__scs_overlays_trampoline_lowered:
0x8: {  	[smem:$0x3FA6] =	sst s0  }
0x9: {  	[smem:$0x3FA7] =	sst s1  }
0xa: {  	[smem:$0x3FA8] =	sst s2  }
0xb: {  	[smem:$0x3FA9] =	sst s3  }
0xc: {  	[smem:$0x3FAA] =	sst s4  }
0xd: {  	[smem:$0x3FAB] =	sst s5  }
0xe: {  	[smem:$0x3FAC] =	sst s6  }
0xf: {  	[smem:$0x3FAD] =	sst s7  }
0x10: {  	[smem:$0x3FAE] =	sst s8  }
0x11: {  	[smem:$0x3FAF] =	sst s9;
	s0 =	simm.s32 @!p0 $0x0  }
0x12: {  	s1 =	sld [smem:$0x3F95];
	s0 =	simm.s32 @p0 $0x1  }
0x13: {  	[smem:$0x3FB0] =	sst s0;
	s0 =	simm.s32 @!p1 $0x0  }
0x14: {  	s2 =	sld [smem:$0x3F94];
	s0 =	simm.s32 @p1 $0x1  }
0x15: {  	[smem:$0x3FB1] =	sst s0;
	s0 =	simm.s32 @!p2 $0x0  }
0x16: {  	s3 =	sld [smem:$0x3FDB];
	s0 =	simm.s32 @p2 $0x1  }
0x17: {  	s4 =	simm.s32 $0x1BF5;
	[smem:$0x3FB3] =	sst s0  }
0x18: {  	s0 =	sld [smem:$0x3F96];
	_ =	swait.ge [sflag:s4], $0x0  }
0x19: {  	s7 =	sld [smem:$0x3F97]  }
0x1a: {  	s8 =	sadd.s32 $0xFFFFE003, lr  }
0x1b: {  	s9 =	sadd.s32 $0xFFFFFEF7, lr;
	s5 =	simm.s32 $0xFFFFFFFF;
	p2 =	slt.u32 s8, $0xFFFFF086  }
0x1c: {  	p1 =	slt.u32 s9, $0xF7A;
	s5 =	simm.s32 @!p2 $0x0  }
0x1d: {  	s5 =	simm.s32 @p1 $0x1;
	p0 =	seq.s32 s7, s2  }
0x1e: {  	s7 =	smul.u32 @!p0 $0xF7A, s2;
	p2 =	seq.s32 @!p0 s5, $0x0  }
0x1f: {  	s9 =	smul.u32 $0xF7A, s1;
	s8 =	simm.s32 @!p0 $0x1BF5;
	p2 =	por !p2, p0  }
0x20: {  	[sflag:s8] =	ssyncset.s32 @!p0 $0xFFFFF086;
	s6 =	sadd.s32 @!p0 s3, s7;
	s7 =	simm.s32 @!p0 $0x108  }
0x21: {  	s3 =	sadd.s32 s3, s9;
	s6 =	sadd.s32 @!p0 $0x88, s6;
	s7 =	simm.s32 @p2 $0x1082  }
0x22: {  	[simem:s7], [sflag:s8] =	dma.local @!p0 [hbm:s6], $0xF7A  }
0x23: {  	s9 =	sor.u32 $0xD0000000, s2;
	s6 =	simm.s32 $0x108;
	_ =	swait.ge @!p0 [sflag:s8], $0x0  }
0x24: {  	s3 =	sadd.s32 $0x88, s3;
	s6 =	simm.s32 @!p1 $0x1082;
	[sflag:s4] =	ssyncset.s32 $0xFFFFF086  }
0x25: {  	[simem:s6], [sflag:s4] =	dma.local [hbm:s3], $0xF7A  }
0x26: {  	[smem:$0x3F97] =	sst s1;
	(tag) =	ssettag s2;
	_ =	strace s9  }
0x27: {  	s1 =	sld [smem:$0x3FA7]  }
0x28: {  	s2 =	sld [smem:$0x3FA8]  }
0x29: {  	s4 =	sld [smem:$0x3FAA]  }
0x2a: {  	p0 =	seq.s32 s5, $0x0;
	s5 =	sld [smem:$0x3FAB]  }
0x2b: {  	s6 =	sld [smem:$0x3FAC]  }
0x2c: {  	s7 =	sld [smem:$0x3FAD]  }
0x2d: {  	s3 =	simm.s32 $0x108;
	s8 =	sld [smem:$0x3FAE]  }
0x2e: {  	s3 =	simm.s32 @!p0 $0x1082;
	s9 =	sld [smem:$0x3FAF]  }
0x2f: {  	lr =	sadd.s32 s0, s3;
	s0 =	sld [smem:$0x3FA6]  }
0x30: {  	s3 =	sld [smem:$0x3FA9]  }
0x31: {  	[smem:$0x3FB2] =	sst s10  }
0x32: {  	s10 =	sld [smem:$0x3FB0];
	_ =	sdelay $0x3  }
0x33: {  	p0 =	seq.s32 s10, $0x1;
	s10 =	sld [smem:$0x3FB2];
	_ =	sdelay $0x3  }
0x34: {  	[smem:$0x3FB2] =	sst s10  }
0x35: {  	s10 =	sld [smem:$0x3FB1];
	_ =	sdelay $0x3  }
0x36: {  	p1 =	seq.s32 s10, $0x1;
	s10 =	sld [smem:$0x3FB2];
	_ =	sdelay $0x3  }
0x37: {  	[smem:$0x3FB2] =	sst s10  }
0x38: {  	s10 =	sld [smem:$0x3FB3]  }
0x39: {  	_ = 	snop;
	(pc) =	sbr.ind lr, $3  }
0x3a: {  	_ = 	snop  }
0x3b: {  	_ = 	snop  }
0x3c: {  	p2 =	seq.s32 s10, $0x1;
	s10 =	sld [smem:$0x3FB2]  }
0x3d: {  	_ =	shalt  }
0x3e: {  	_ =	shalt  }
0x3f: {  	_ =	shalt  }
0x40: {  	_ =	shalt  }
0x41: {  	_ =	shalt  }
0x42: {  	_ =	shalt  }
0x43: {  	_ =	shalt  }
0x44: {  	_ =	shalt  }
0x45: {  	_ =	shalt  }
0x46: {  	_ =	shalt  }
0x47: {  	_ =	shalt  }
0x48: {  	_ =	shalt  }
0x49: {  	_ =	shalt  }
0x4a: {  	_ =	shalt  }
0x4b: {  	_ =	shalt  }
0x4c: {  	_ =	shalt  }
0x4d: {  	_ =	shalt  }
0x4e: {  	_ =	shalt  }
0x4f: {  	_ =	shalt  }
0x50: {  	_ =	shalt  }
0x51: {  	_ =	shalt  }
0x52: {  	_ =	shalt  }
0x53: {  	_ =	shalt  }
0x54: {  	_ =	shalt  }
0x55: {  	_ =	shalt  }
0x56: {  	_ =	shalt  }
0x57: {  	_ =	shalt  }
0x58: {  	_ =	shalt  }
0x59: {  	_ =	shalt  }
0x5a: {  	_ =	shalt  }
0x5b: {  	_ =	shalt  }
0x5c: {  	_ =	shalt  }
0x5d: {  	_ =	shalt  }
0x5e: {  	_ =	shalt  }
0x5f: {  	_ =	shalt  }
0x60: {  	_ =	shalt  }
0x61: {  	_ =	shalt  }
0x62: {  	_ =	shalt  }
0x63: {  	_ =	shalt  }
0x64: {  	_ =	shalt  }
0x65: {  	_ =	shalt  }
0x66: {  	_ =	shalt  }
0x67: {  	_ =	shalt  }
0x68: {  	_ =	shalt  }
0x69: {  	_ =	shalt  }
0x6a: {  	_ =	shalt  }
0x6b: {  	_ =	shalt  }
0x6c: {  	_ =	shalt  }
0x6d: {  	_ =	shalt  }
0x6e: {  	_ =	shalt  }
0x6f: {  	_ =	shalt  }
0x70: {  	_ =	shalt  }
0x71: {  	_ =	shalt  }
0x72: {  	_ =	shalt  }
0x73: {  	_ =	shalt  }
0x74: {  	_ =	shalt  }
0x75: {  	_ =	shalt  }
0x76: {  	_ =	shalt  }
0x77: {  	_ =	shalt  }
0x78: {  	_ =	shalt  }
0x79: {  	_ =	shalt  }
0x7a: {  	_ =	shalt  }
0x7b: {  	_ =	shalt  }
0x7c: {  	_ =	shalt  }
0x7d: {  	_ =	shalt  }
0x7e: {  	_ =	shalt  }
0x7f: {  	_ =	shalt  }
0x80: {  	_ =	shalt  }
0x81: {  	_ =	shalt  }
0x82: {  	_ =	shalt  }
0x83: {  	_ =	shalt  }
0x84: {  	_ =	shalt  }
0x85: {  	_ =	shalt  }
0x86: {  	_ =	shalt  }
0x87: {  	_ =	shalt  }
.Lfunc_end0:
.L_simem_size_0:
called_computation_lowered:
.L_overlay_start_0:
0x88: {  	s2 =	sld [smem:$0x3FD9]  }
0x89: {  	s3 =	sld [smem:$0x3FFE];
	_ =	sdelay $0x1  }
0x8a: {  	s1 =	srdreg.scid  }
0x8b: {  	s0 =	sand.u32 $0x1, s1  }
0x8c: {  	s16 =	sshll.u32 s0, $0xA;
	s2 =	sadd.s32 s3, s2  }
0x8d: {  	s2 =	sadd.s32 s2, s16  }
0x8e: {  	[smem:$0x3FBE] =	sst s2  }
0x8f: {  	_ = 	snop  }
0x90: {  	(tm) =	ssettm $0x1  }
0x91: {  	s17 =	sld [smem:$0x3FFB];
	_ =	sdelay $0x3  }
0x92: {  	_ =	strace s17  }
0x93: {  	s2 =	sld [smem:$0x3FFC];
	_ =	sdelay $0x3  }
0x94: {  	_ =	strace s2  }
0x95: {  	s2 =	sld [smem:$0x3FFD];
	_ =	sdelay $0x3  }
0x96: {  	_ =	strace s2  }
0x97: {  	_ =	strace $0x8FFFFFFF  }
0x98: {  	s18 =	sld [smem:$0x3FDB];
	_ =	sdelay $0x1  }
0x99: {  	s19 =	simm.s32 $_scs_section_size  }
0x9a: {  	s4 =	simm.s32 $_size__tile_overlayer_lowered;
	s5 =	simm.s32 $_tile_overlayer_lowered  }
0x9b: {  	s22 =	simm.s32 $0x1BFF;
	s21 =	sshll.u32 s5, $0x1;
	s2 =	sadd.s32 s19, s18  }
0x9c: {  	s6 =	simm.s32 $0x0;
	s20 =	sshll.u32 s4, $0x1;
	s4 =	sadd.s32 s21, s2  }
0x9d: {  	[timem:s6], [sflag:s22] =	dma.local [hbm:s4], s20  }
0x9e: {  	_ =	swait.ge [sflag:s22], s20  }
0x9f: {  	s3 =	ssub.s32 $0x0, s20;
	[sflag:s22] =	ssyncset.done $0x0  }
0xa0: {  	[sflag:s22] =	ssyncadd.s32 s3;
	_ =	sdelay $0x1  }
0xa1: {  	s23 =	simm.s32 $0x1B8B  }
0xa2: {  	_ =	swait.ge [sflag:s23], $0x1  }
0xa3: {  	[sflag:s23] =	ssyncset.done $0x0  }
0xa4: {  	s25 =	simm.s32 $0x1B8E;
	s24 =	sld [smem:$0x3FFE];
	[sflag:s23] =	ssyncadd.s32 $0xFFFFFFFF  }
0xa5: {  	s26 =	simm.s32 $execute0_lowered;
	[smem:$0x3FD2] =	sst s25  }
0xa6: {  	s4 =	sshll.u32 s26, $0x1;
	_ =	strace $0x80000046;
	[dreg:$0x1] =	wrdreg $0xFFFFFFFF  }
0xa7: {  	s28 =	simm.s32 $_size_execute0_lowered;
	s2 =	sadd.s32 s2, s4;
	[dreg:$0x0] =	wrdreg $0x0  }
0xa8: {  	s4 =	sshll.u32 s28, $0x1;
	[dreg:$0x2] =	wrdreg s2  }
0xa9: {  	[dreg:$0x3] =	wrdreg s4  }
0xaa: {  	[dreg:$0x4] =	wrdreg $0xC0  }
0xab: {  	_ =	task [dreg:s6], $0x5FFFF  }
0xac: {  	[dreg:$0x1] =	wrdreg $0xFFFFFFFF  }
0xad: {  	[dreg:$0x0] =	wrdreg $0x60  }
0xae: {  	[dreg:$0x2] =	wrdreg s24  }
0xaf: {  	[dreg:$0x3] =	wrdreg $0x2C100  }
0xb0: {  	[dreg:$0x4] =	wrdreg $0x9  }
0xb1: {  	_ =	task.clear_ibuf [dreg:s6], $0x5FFFF;
	_ =	strace $0x90000046  }
0xb2: {  	s29 =	simm.s32 $0x9;
	_ =	strace $0x80000048  }
0xb3: {  	_ =	swait.ge [sflag:s29], $0x1  }
0xb4: {  	[sflag:s29] =	ssyncadd.s32 $0xFFFFFFFF  }
0xb5: {  	_ =	strace $0x90000048  }
0xb6: {  	_ =	sfence  }
0xb7: {  	s30 =	sld [smem:$0x0];
	_ =	sdelay $0x2  }
0xb8: {  	s31 =	sshll.u32 s1, $0xD;
	s1 =	sshrl.u32 s1, $0x2  }
0xb9: {  	s3 =	sand.u32 $0x4000, s31;
	s1 =	sadd.s32 s1, s30  }
0xba: {  	s0 =	sor.u32 s3, s0;
	s1 =	sshll.u32 s1, $0x11  }
0xbb: {  	s0 =	sor.u32 s1, s0  }
0xbc: {  	s0 =	sadd.s32 $0x8F2B, s0  }
0xbd: {  	[sflag:s0] =	ssyncadd.remote.s32 $0x1  }
0xbe: {  	_ =	sfence.sel $0xFFFF  }
0xbf: {  	[dreg:$0x0] =	wrdreg $0xFFFFFFFF;
	(pc) =	sbr.abs _section_cstart, $3  }
0xc0: {  	[dreg:$0x1] =	wrdreg $0xFFFFFFFF  }
0xc1: {  	_ =	task.clear_ibuf [dreg:s6], $0x2FFFF;
	_ =	strace $0x9FFFFFFF  }
0xc2: {  	(tm) =	ssettm $0x7FFFFFFF  }
0xc3: {  	_ =	shalt  }
tec
execute0_lowered:
.L_overlay_start_1:
0x0: {  	(tag) =	ssettag $0x1  }
0x1: {  	s0 =	srdreg.scid;
	s5 =	rddreg [dreg:$0x0]  }
0x2: {  	s10 =	stileid.u32;
	s1 =	rddreg [dreg:$0x1];
	s2 =	simm.s32 $0x0  }
0x3: {  	s15 =	simm.s32 $0x1;
	s6 =	sand.u32 $0x1, s0;
	s0 =	rddreg [dreg:$0x2]  }
0x4: {  	s16 =	simm.s32 $0x0;
	s26 =	sshll.u32 s10, $0x1;
	[smem:$0x7FF] =	sst s2  }
0x5: {  	s4 =	sadd.s32 $0xCA00, s5;
	s9 =	smul.u32 $0x2700, s10;
	s11 =	sadd.s32 $0xD200, s5  }
0x6: {  	s29 =	sshll.u32 s10, $0x6;
	s14 =	sadd.s32 $0x27000, s1;
	p0 =	sne.s32 s10, $0x0  }
0x7: {  	s3 =	sor.u32 s6, s26;
	s8 =	ssub.s32 $0x2, s6;
	s6 =	smul.u32 $0x27100, s6  }
0x8: {  	_ =	strace $0x80000047;
	s3 =	smul.u32 $0x4E2, s3;
	s28 =	sshrl.u32 s8, $0x1  }
0x9: {  	s13 =	sadd.s32 s9, s1;
	s12 =	ssub.s32 s8, s28;
	s30 =	sadd.s32 s9, s6  }
0xa: {  	s6 =	sshrl.u32 s6, $0x3;
	s10 =	sshrl.u32 s13, $0x3;
	s13 =	simm.s32 $0x2710  }
0xb: {  	s7 =	sadd.s32 s3, s5;
	s3 =	sadd.s32 $0xD000, s5;
	s5 =	sor.u32 $0x1C02, s29  }
0xc: {  	s8 =	sshrl.u32 s30, $0x3;
	s31 =	sadd.s32 s11, s6;
	s9 =	smax.u32 s12, $0x1  }
0xd: {  	s12 =	sshrl.u32 @!p0 s14, $0x3;
	s14 =	simm.s32 $0x50;
	s6 =	sadd.s32 $0x2C00, s7  }
0xe: {  	s7 =	sadd.s32 s11, s8;
	s8 =	sadd.s32 $0x4E00, s31;
	s11 =	simm.s32 $0x2  }
.LBB2_1:
0xf: {  	[spmem:s10], [sflag:s5] =	dma.local [hbm:s4], $0x4E0  }
0x10: {  	_ =	swait.ge [sflag:s11], $0x4E0  }
0x11: {  	[sflag:s11] =	ssyncset.done $0x0  }
0x12: {  	s17 =	simm.s32 @!p0 $0x2;
	[sflag:s11] =	ssyncadd.s32 $0xFFFFFB20  }
0x13: {  	[spmem:s12], [sflag:s5] =	dma.local @!p0 [hbm:s4], $0x40  }
0x14: {  	_ =	swait.ge @!p0 [sflag:s17], $0x40  }
0x15: {  	[sflag:s17] =	ssyncset.done @!p0 $0x0  }
0x16: {  	[sflag:s17] =	ssyncadd.s32 @!p0 $0xFFFFFFC0  }
0x17: {  	[tilespmem:s13], [sflag:$0x2] =	stream.linear.gather [hbm4b:s3+s2], $0x500, $0x38;
	[tilespmem:$0x5330] =	vst v63  }
0x18: {  	_ =	swait.ge [sflag:s11], $0x500  }
0x19: {  	[sflag:s11] =	ssyncset.done $0x0  }
0x1a: {  	[sflag:s11] =	ssyncadd.s32 $0xFFFFFB00  }
0x1b: {  	[tilespmem:s2], [sflag:$0x2] =	stream.linear.gather [hbm4b:s6+s2], $0x2710, $0x38;
	[tilespmem:$0x5330] =	vst v63  }
0x1c: {  	_ =	swait.ge [sflag:s11], $0x2710  }
0x1d: {  	[sflag:s11] =	ssyncset.done $0x0  }
0x1e: {  	[sflag:s11] =	ssyncadd.s32 $0xFFFFD8F0  }
0x1f: {  	s17 =	simm.s32 $0x0;
	[bflag:$0x0] =	sbarrier.arrive $0xFFFF  }
.LBB2_2:
0x20: {  	p1 =	sne.s32 s17, $0x9B00  }
.Ltmp0:
0x21: {  	_ = 	snop;
	(pc) =	sbr.rel @p1 .LBB2_2-.Ltmp0, $3  }
0x22: {  	_ =	sdelay $0x1  }
0x23: {  	s18 =	sshra.s32 s17, $0x2;
	s17 =	sadd.s32 $0x140, s17  }
0x24: {  	[spmem:s1] =	stream.indirect.scatter.add.f32 [tilespmem:s13], [sflag:$0x1], $0x10, s18, s14, $0xb8;
	[tilespmem:$0x5330] =	vst v63  }
0x25: {  	_ =	swait.ge [sflag:s15], $0x500  }
0x26: {  	s17 =	simm.s32 $0x7C;
	[sflag:s15] =	ssyncset.done $0x0  }
.LBB2_4:
0x27: {  	p1 =	sne.s32 s17, $0x1;
	s17 =	sadd.s32 $0xFFFFFFFF, s17;
	[sflag:s15] =	ssyncadd.s32 $0xFFFFFB00  }
.Ltmp1:
0x28: {  	(pc) =	sbr.rel @p1 .LBB2_4-.Ltmp1, $3  }
0x29: {  	_ =	sdelay $0x1  }
0x2a: {  	_ =	swait.ge [sflag:s15], $0x500  }
0x2b: {  	[sflag:s15] =	ssyncset.done $0x0  }
0x2c: {  	[sflag:s15] =	ssyncadd.s32 $0xFFFFFB00  }
0x2d: {  	[bflag:$0x0] =	sbarrier.arrive $0xFFFF  }
0x2e: {  	[hbm:s7], [sflag:s5] =	dma.local [spmem:s10], $0x4E0  }
0x2f: {  	s16 =	sadd.s32 $0x1, s16;
	_ =	swait.ge [sflag:s11], $0x4E0  }
0x30: {  	p1 =	sne.s32 s16, s9;
	[sflag:s11] =	ssyncset.done $0x0  }
.Ltmp2:
0x31: {  	s17 =	simm.s32 @!p0 $0x2;
	[sflag:s11] =	ssyncadd.s32 $0xFFFFFB20;
	(pc) =	sbr.rel @p1 .LBB2_1-.Ltmp2, $4  }
0x32: {  	[hbm:s8], [sflag:s5] =	dma.local @!p0 [spmem:s12], $0x20  }
0x33: {  	_ =	swait.ge @!p0 [sflag:s17], $0x20  }
0x34: {  	[sflag:s17] =	ssyncset.done @!p0 $0x0  }
0x35: {  	[sflag:s17] =	ssyncadd.s32 @!p0 $0xFFFFFFE0  }
0x36: {  	_ =	sfence.sel $0x180000  }
0x37: {  	[bflag:$0x0] =	sbarrier.arrive $0xFFFF  }
0x38: {  	_ =	strace $0x90000047  }
0x39: {  	s0 =	sadd.s32 @!p0 $0x100000, s0;
	[bflag:$0x2] =	sbarrier.arrive $0xFFFF  }
0x3a: {  	[sflag:s0] =	ssyncadd.tile.s32 @!p0 $0x1;
	_ =	shalt  }
.Lfunc_end2:
_tile_overlayer_lowered:
.L_overlay_start_2:
0x3b: {  	(tag) =	ssettag $0x2  }
0x3c: {  	s0 =	rddreg [dreg:$0x0];
	s2 =	stileid.u32  }
0x3d: {  	s1 =	rddreg [dreg:$0x1];
	p0 =	sne.s32 s2, $0x0  }
0x3e: {  	s3 =	rddreg [dreg:$0x2];
	[bflag:$0x3] =	sbarrier.arrive $0xFFFF;
	s2 =	simm.s32 @!p0 $0x1C02  }
0x3f: {  	[timem:s3], [sflag:s2] =	dma.local @!p0 [hbm:s0], s1  }
0x40: {  	s0 =	simm.s32 @!p0 $0x2  }
0x41: {  	_ =	swait.ge @!p0 [sflag:s0], s1  }
0x42: {  	s1 =	ssub.s32 @!p0 $0x0, s1;
	[sflag:s0] =	ssyncset.done @!p0 $0x0  }
0x43: {  	[sflag:s0] =	ssyncadd.s32 @!p0 s1  }
0x44: {  	[bflag:$0x3] =	sbarrier.arrive $0xFFFF  }
0x45: {  	_ =	shalt  }

// kernel: kernel.15.cloned.1.call-start
scs
__scs_entry_jumppad:
0x0: {  	(pc) =	sbr.rel $0x88, $3  }
0x1: {  	(tag) =	ssettag $0x0;
	lr =	simm.s32 $0x1  }
0x2: {  	[smem:$0x3F97] =	sst lr;
	_ =	strace $0xD0000000  }
0x3: {  	_ = 	snop  }
0x4: {  	_ = 	snop  }
0x5: {  	_ = 	snop  }
0x6: {  	_ = 	snop  }
0x7: {  	_ = 	snop  }
__scs_overlays_trampoline_lowered:
0x8: {  	[smem:$0x3FA6] =	sst s0  }
0x9: {  	[smem:$0x3FA7] =	sst s1  }
0xa: {  	[smem:$0x3FA8] =	sst s2  }
0xb: {  	[smem:$0x3FA9] =	sst s3  }
0xc: {  	[smem:$0x3FAA] =	sst s4  }
0xd: {  	[smem:$0x3FAB] =	sst s5  }
0xe: {  	[smem:$0x3FAC] =	sst s6  }
0xf: {  	[smem:$0x3FAD] =	sst s7  }
0x10: {  	[smem:$0x3FAE] =	sst s8  }
0x11: {  	[smem:$0x3FAF] =	sst s9;
	s0 =	simm.s32 @!p0 $0x0  }
0x12: {  	s1 =	sld [smem:$0x3F95];
	s0 =	simm.s32 @p0 $0x1  }
0x13: {  	[smem:$0x3FB0] =	sst s0;
	s0 =	simm.s32 @!p1 $0x0  }
0x14: {  	s2 =	sld [smem:$0x3F94];
	s0 =	simm.s32 @p1 $0x1  }
0x15: {  	[smem:$0x3FB1] =	sst s0;
	s0 =	simm.s32 @!p2 $0x0  }
0x16: {  	s3 =	sld [smem:$0x3FDB];
	s0 =	simm.s32 @p2 $0x1  }
0x17: {  	s4 =	simm.s32 $0x1BF5;
	[smem:$0x3FB3] =	sst s0  }
0x18: {  	s0 =	sld [smem:$0x3F96];
	_ =	swait.ge [sflag:s4], $0x0  }
0x19: {  	s7 =	sld [smem:$0x3F97]  }
0x1a: {  	s8 =	sadd.s32 $0xFFFFE003, lr  }
0x1b: {  	s9 =	sadd.s32 $0xFFFFFEF7, lr;
	s5 =	simm.s32 $0xFFFFFFFF;
	p2 =	slt.u32 s8, $0xFFFFF086  }
0x1c: {  	p1 =	slt.u32 s9, $0xF7A;
	s5 =	simm.s32 @!p2 $0x0  }
0x1d: {  	s5 =	simm.s32 @p1 $0x1;
	p0 =	seq.s32 s7, s2  }
0x1e: {  	s7 =	smul.u32 @!p0 $0xF7A, s2;
	p2 =	seq.s32 @!p0 s5, $0x0  }
0x1f: {  	s9 =	smul.u32 $0xF7A, s1;
	s8 =	simm.s32 @!p0 $0x1BF5;
	p2 =	por !p2, p0  }
0x20: {  	[sflag:s8] =	ssyncset.s32 @!p0 $0xFFFFF086;
	s6 =	sadd.s32 @!p0 s3, s7;
	s7 =	simm.s32 @!p0 $0x108  }
0x21: {  	s3 =	sadd.s32 s3, s9;
	s6 =	sadd.s32 @!p0 $0x88, s6;
	s7 =	simm.s32 @p2 $0x1082  }
0x22: {  	[simem:s7], [sflag:s8] =	dma.local @!p0 [hbm:s6], $0xF7A  }
0x23: {  	s9 =	sor.u32 $0xD0000000, s2;
	s6 =	simm.s32 $0x108;
	_ =	swait.ge @!p0 [sflag:s8], $0x0  }
0x24: {  	s3 =	sadd.s32 $0x88, s3;
	s6 =	simm.s32 @!p1 $0x1082;
	[sflag:s4] =	ssyncset.s32 $0xFFFFF086  }
0x25: {  	[simem:s6], [sflag:s4] =	dma.local [hbm:s3], $0xF7A  }
0x26: {  	[smem:$0x3F97] =	sst s1;
	(tag) =	ssettag s2;
	_ =	strace s9  }
0x27: {  	s1 =	sld [smem:$0x3FA7]  }
0x28: {  	s2 =	sld [smem:$0x3FA8]  }
0x29: {  	s4 =	sld [smem:$0x3FAA]  }
0x2a: {  	p0 =	seq.s32 s5, $0x0;
	s5 =	sld [smem:$0x3FAB]  }
0x2b: {  	s6 =	sld [smem:$0x3FAC]  }
0x2c: {  	s7 =	sld [smem:$0x3FAD]  }
0x2d: {  	s3 =	simm.s32 $0x108;
	s8 =	sld [smem:$0x3FAE]  }
0x2e: {  	s3 =	simm.s32 @!p0 $0x1082;
	s9 =	sld [smem:$0x3FAF]  }
0x2f: {  	lr =	sadd.s32 s0, s3;
	s0 =	sld [smem:$0x3FA6]  }
0x30: {  	s3 =	sld [smem:$0x3FA9]  }
0x31: {  	[smem:$0x3FB2] =	sst s10  }
0x32: {  	s10 =	sld [smem:$0x3FB0];
	_ =	sdelay $0x3  }
0x33: {  	p0 =	seq.s32 s10, $0x1;
	s10 =	sld [smem:$0x3FB2];
	_ =	sdelay $0x3  }
0x34: {  	[smem:$0x3FB2] =	sst s10  }
0x35: {  	s10 =	sld [smem:$0x3FB1];
	_ =	sdelay $0x3  }
0x36: {  	p1 =	seq.s32 s10, $0x1;
	s10 =	sld [smem:$0x3FB2];
	_ =	sdelay $0x3  }
0x37: {  	[smem:$0x3FB2] =	sst s10  }
0x38: {  	s10 =	sld [smem:$0x3FB3]  }
0x39: {  	_ = 	snop;
	(pc) =	sbr.ind lr, $3  }
0x3a: {  	_ = 	snop  }
0x3b: {  	_ = 	snop  }
0x3c: {  	p2 =	seq.s32 s10, $0x1;
	s10 =	sld [smem:$0x3FB2]  }
0x3d: {  	_ =	shalt  }
0x3e: {  	_ =	shalt  }
0x3f: {  	_ =	shalt  }
0x40: {  	_ =	shalt  }
0x41: {  	_ =	shalt  }
0x42: {  	_ =	shalt  }
0x43: {  	_ =	shalt  }
0x44: {  	_ =	shalt  }
0x45: {  	_ =	shalt  }
0x46: {  	_ =	shalt  }
0x47: {  	_ =	shalt  }
0x48: {  	_ =	shalt  }
0x49: {  	_ =	shalt  }
0x4a: {  	_ =	shalt  }
0x4b: {  	_ =	shalt  }
0x4c: {  	_ =	shalt  }
0x4d: {  	_ =	shalt  }
0x4e: {  	_ =	shalt  }
0x4f: {  	_ =	shalt  }
0x50: {  	_ =	shalt  }
0x51: {  	_ =	shalt  }
0x52: {  	_ =	shalt  }
0x53: {  	_ =	shalt  }
0x54: {  	_ =	shalt  }
0x55: {  	_ =	shalt  }
0x56: {  	_ =	shalt  }
0x57: {  	_ =	shalt  }
0x58: {  	_ =	shalt  }
0x59: {  	_ =	shalt  }
0x5a: {  	_ =	shalt  }
0x5b: {  	_ =	shalt  }
0x5c: {  	_ =	shalt  }
0x5d: {  	_ =	shalt  }
0x5e: {  	_ =	shalt  }
0x5f: {  	_ =	shalt  }
0x60: {  	_ =	shalt  }
0x61: {  	_ =	shalt  }
0x62: {  	_ =	shalt  }
0x63: {  	_ =	shalt  }
0x64: {  	_ =	shalt  }
0x65: {  	_ =	shalt  }
0x66: {  	_ =	shalt  }
0x67: {  	_ =	shalt  }
0x68: {  	_ =	shalt  }
0x69: {  	_ =	shalt  }
0x6a: {  	_ =	shalt  }
0x6b: {  	_ =	shalt  }
0x6c: {  	_ =	shalt  }
0x6d: {  	_ =	shalt  }
0x6e: {  	_ =	shalt  }
0x6f: {  	_ =	shalt  }
0x70: {  	_ =	shalt  }
0x71: {  	_ =	shalt  }
0x72: {  	_ =	shalt  }
0x73: {  	_ =	shalt  }
0x74: {  	_ =	shalt  }
0x75: {  	_ =	shalt  }
0x76: {  	_ =	shalt  }
0x77: {  	_ =	shalt  }
0x78: {  	_ =	shalt  }
0x79: {  	_ =	shalt  }
0x7a: {  	_ =	shalt  }
0x7b: {  	_ =	shalt  }
0x7c: {  	_ =	shalt  }
0x7d: {  	_ =	shalt  }
0x7e: {  	_ =	shalt  }
0x7f: {  	_ =	shalt  }
0x80: {  	_ =	shalt  }
0x81: {  	_ =	shalt  }
0x82: {  	_ =	shalt  }
0x83: {  	_ =	shalt  }
0x84: {  	_ =	shalt  }
0x85: {  	_ =	shalt  }
0x86: {  	_ =	shalt  }
0x87: {  	_ =	shalt  }
.Lfunc_end0:
.L_simem_size_0:
called_computation.1_lowered:
.L_overlay_start_0:
0x88: {  	s2 =	sld [smem:$0x3FD9]  }
0x89: {  	s3 =	sld [smem:$0x3FFE];
	_ =	sdelay $0x1  }
0x8a: {  	s1 =	srdreg.scid  }
0x8b: {  	s0 =	sand.u32 $0x1, s1  }
0x8c: {  	s17 =	sshll.u32 s0, $0xA;
	s2 =	sadd.s32 s3, s2  }
0x8d: {  	s2 =	sadd.s32 s2, s17  }
0x8e: {  	[smem:$0x3FBE] =	sst s2  }
0x8f: {  	_ = 	snop  }
0x90: {  	s2 =	sld [smem:$0x3FD0];
	(tm) =	ssettm $0x1  }
0x91: {  	s18 =	sld [smem:$0x3FFB];
	_ =	sdelay $0x3  }
0x92: {  	_ =	strace s18  }
0x93: {  	s3 =	sld [smem:$0x3FFC];
	_ =	sdelay $0x3  }
0x94: {  	_ =	strace s3  }
0x95: {  	s3 =	sld [smem:$0x3FFD];
	_ =	sdelay $0x3  }
0x96: {  	_ =	strace s3  }
0x97: {  	_ =	strace $0x8FFFFFFF  }
0x98: {  	s19 =	sld [smem:$0x3FDB];
	_ =	sdelay $0x1  }
0x99: {  	s4 =	simm.s32 $_scs_section_size  }
0x9a: {  	s5 =	simm.s32 $_size__tile_overlayer_lowered;
	s6 =	simm.s32 $_tile_overlayer_lowered  }
0x9b: {  	s22 =	simm.s32 $0x1BFF;
	s21 =	sshll.u32 s6, $0x1;
	s3 =	sadd.s32 s4, s19  }
0x9c: {  	s7 =	simm.s32 $0x0;
	s20 =	sshll.u32 s5, $0x1;
	s5 =	sadd.s32 s21, s3  }
0x9d: {  	[timem:s7], [sflag:s22] =	dma.local [hbm:s5], s20  }
0x9e: {  	_ =	swait.ge [sflag:s22], s20  }
0x9f: {  	s4 =	ssub.s32 $0x0, s20;
	[sflag:s22] =	ssyncset.done $0x0  }
0xa0: {  	[sflag:s22] =	ssyncadd.s32 s4;
	_ =	sdelay $0x1  }
0xa1: {  	s23 =	simm.s32 $0x1B8B  }
0xa2: {  	_ =	swait.ge [sflag:s23], $0x1  }
0xa3: {  	[sflag:s23] =	ssyncset.done $0x0  }
0xa4: {  	s25 =	simm.s32 $0x1B8E;
	s24 =	sld [smem:$0x3FFE];
	[sflag:s23] =	ssyncadd.s32 $0xFFFFFFFF  }
0xa5: {  	s26 =	simm.s32 $execute0_lowered;
	[smem:$0x3FD2] =	sst s25  }
0xa6: {  	s5 =	sshll.u32 s26, $0x1;
	_ =	strace $0x80000049;
	[dreg:$0x1] =	wrdreg $0xFFFFFFFF  }
0xa7: {  	s28 =	simm.s32 $_size_execute0_lowered;
	s3 =	sadd.s32 s3, s5;
	[dreg:$0x0] =	wrdreg $0x0  }
0xa8: {  	s5 =	sshll.u32 s28, $0x1;
	[dreg:$0x2] =	wrdreg s3  }
0xa9: {  	[dreg:$0x3] =	wrdreg s5  }
0xaa: {  	[dreg:$0x4] =	wrdreg $0xC0  }
0xab: {  	_ =	task [dreg:s7], $0x5FFFF  }
0xac: {  	[dreg:$0x1] =	wrdreg $0xFFFFFFFF  }
0xad: {  	[dreg:$0x0] =	wrdreg $0x60  }
0xae: {  	[dreg:$0x2] =	wrdreg s24  }
0xaf: {  	[dreg:$0x3] =	wrdreg s2  }
0xb0: {  	[dreg:$0x4] =	wrdreg $0x9E200  }
0xb1: {  	[dreg:$0x5] =	wrdreg $0x9  }
0xb2: {  	_ =	task.clear_ibuf [dreg:s7], $0x6FFFF;
	_ =	strace $0x90000049  }
0xb3: {  	s29 =	simm.s32 $0x9;
	_ =	strace $0x8000004B  }
0xb4: {  	_ =	swait.ge [sflag:s29], $0x1  }
0xb5: {  	[sflag:s29] =	ssyncadd.s32 $0xFFFFFFFF  }
0xb6: {  	_ =	strace $0x9000004B  }
0xb7: {  	_ =	sfence  }
0xb8: {  	s30 =	sld [smem:$0x0];
	_ =	sdelay $0x2  }
0xb9: {  	s31 =	sshll.u32 s1, $0xD;
	s1 =	sshrl.u32 s1, $0x2  }
0xba: {  	s3 =	sand.u32 $0x4000, s31;
	s1 =	sadd.s32 s1, s30  }
0xbb: {  	s0 =	sor.u32 s3, s0;
	s1 =	sshll.u32 s1, $0x11  }
0xbc: {  	s0 =	sor.u32 s1, s0  }
0xbd: {  	s0 =	sadd.s32 $0x8F2B, s0  }
0xbe: {  	[sflag:s0] =	ssyncadd.remote.s32 $0x1  }
0xbf: {  	_ =	sfence.sel $0xFFFF  }
0xc0: {  	[dreg:$0x0] =	wrdreg $0xFFFFFFFF;
	(pc) =	sbr.abs _section_cstart, $3  }
0xc1: {  	[dreg:$0x1] =	wrdreg $0xFFFFFFFF  }
0xc2: {  	_ =	task.clear_ibuf [dreg:s7], $0x2FFFF;
	_ =	strace $0x9FFFFFFF  }
0xc3: {  	(tm) =	ssettm $0x7FFFFFFF  }
tec
execute0_lowered:
.L_overlay_start_1:
0x0: {  	(tag) =	ssettag $0x1  }
0x1: {  	s5 =	rddreg [dreg:$0x0]  }
0x2: {  	s6 =	rddreg [dreg:$0x1];
	s0 =	srdreg.scid  }
0x3: {  	s11 =	stileid.u32;
	s1 =	rddreg [dreg:$0x2]  }
0x4: {  	s2 =	simm.s32 $0x0;
	s16 =	simm.s32 $0x4E20;
	s17 =	simm.s32 $0x7620  }
0x5: {  	s18 =	simm.s32 $0x1;
	s19 =	simm.s32 $0x2;
	s20 =	simm.s32 $0x4DD0  }
0x6: {  	s21 =	simm.s32 $0x0;
	s7 =	sand.u32 $0x1, s0;
	s0 =	rddreg [dreg:$0x3]  }
0x7: {  	s3 =	sshll.u32 s11, $0x1;
	[smem:$0x7FF] =	sst s2;
	s4 =	sadd.s32 $0x81E00, s5  }
0x8: {  	s12 =	sadd.s32 $0x84600, s5;
	s13 =	smul.u32 $0x13800, s11;
	s28 =	sshll.u32 s11, $0x6  }
0x9: {  	s15 =	sadd.s32 $0x138000, s1;
	p0 =	sne.s32 s11, $0x0;
	s3 =	sor.u32 s7, s3  }
0xa: {  	_ =	strace $0x8000004A;
	s10 =	ssub.s32 $0x2, s7;
	s7 =	smul.u32 $0x138800, s7  }
0xb: {  	s8 =	smul.u32 $0x4E2, s3;
	s3 =	sadd.s32 $0x5AC00, s5;
	s26 =	sshrl.u32 s10, $0x1  }
0xc: {  	s14 =	sadd.s32 s13, s1;
	s10 =	ssub.s32 s10, s26;
	s29 =	sadd.s32 s13, s7  }
0xd: {  	s30 =	sshrl.u32 s7, $0x3;
	s11 =	sshrl.u32 s14, $0x3;
	s13 =	sshrl.u32 @!p0 s15, $0x3  }
0xe: {  	s14 =	simm.s32 $0x2710;
	s15 =	simm.s32 $0x50;
	s9 =	sadd.s32 s8, s5  }
0xf: {  	s5 =	sor.u32 $0x1C03, s28;
	s6 =	sadd.s32 s6, s8;
	s8 =	sshrl.u32 s29, $0x3  }
0x10: {  	s31 =	sadd.s32 s12, s30;
	s10 =	smax.u32 s10, $0x1;
	s7 =	sadd.s32 $0x2C00, s9  }
0x11: {  	s8 =	sadd.s32 s12, s8;
	s9 =	sadd.s32 $0x27000, s31;
	s12 =	simm.s32 $0x3  }
.LBB2_1:
0x12: {  	[spmem:s11], [sflag:s5] =	dma.local [hbm:s4], $0x2700  }
0x13: {  	_ =	swait.ge [sflag:s12], $0x2700  }
0x14: {  	[sflag:s12] =	ssyncset.done $0x0  }
0x15: {  	s22 =	simm.s32 @!p0 $0x3;
	[sflag:s12] =	ssyncadd.s32 $0xFFFFD900  }
0x16: {  	[spmem:s13], [sflag:s5] =	dma.local @!p0 [hbm:s4], $0x200  }
0x17: {  	_ =	swait.ge @!p0 [sflag:s22], $0x200  }
0x18: {  	[sflag:s22] =	ssyncset.done @!p0 $0x0  }
0x19: {  	[sflag:s22] =	ssyncadd.s32 @!p0 $0xFFFFFE00  }
0x1a: {  	[tilespmem:s2], [sflag:$0x3] =	stream.linear.gather [hbm4b:s6+s2], $0x2710, $0x38;
	[tilespmem:$0x1D720] =	vst v63  }
0x1b: {  	_ =	swait.ge [sflag:s12], $0x2710  }
0x1c: {  	[sflag:s12] =	ssyncset.done $0x0  }
0x1d: {  	[sflag:s12] =	ssyncadd.s32 $0xFFFFD8F0  }
0x1e: {  	[tilespmem:s14], [sflag:$0x3] =	stream.linear.gather [hbm4b:s7+s2], $0x2710, $0x38;
	[tilespmem:$0x1D720] =	vst v63  }
0x1f: {  	_ =	swait.ge [sflag:s12], $0x2710  }
0x20: {  	[sflag:s12] =	ssyncset.done $0x0  }
0x21: {  	[sflag:s12] =	ssyncadd.s32 $0xFFFFD8F0  }
0x22: {  	[bflag:$0x0] =	sbarrier.arrive $0xFFFF  }
0x23: {  	[tilespmem:s16], [sflag:$0x1] =	stream.indirect.gather [hbm4b:s3+s15], $0x80, s2, s15, $0xb8;
	[tilespmem:$0x1D720] =	vst v63  }
0x24: {  	s28 =	simm.s32 $0x50  }
0x25: {  	[tilespmem:s17], [sflag:$0x2] =	stream.indirect.gather [hbm4b:s3+s15], $0x80, s28, s15, $0xb8;
	[tilespmem:$0x1D720] =	vst v63  }
0x26: {  	_ =	swait.ge [sflag:s18], $0x2800  }
0x27: {  	[sflag:s18] =	ssyncset.done $0x0  }
0x28: {  	s29 =	simm.s32 $0x2710;
	[sflag:s18] =	ssyncadd.s32 $0xFFFFD800  }
0x29: {  	[spmem:s1] =	stream.indirect.scatter.add.f32 [tilespmem:s16], [sflag:$0x3], $0x80, s29, s15, $0xb8;
	[tilespmem:$0x1D720] =	vst v63  }
0x2a: {  	_ =	swait.ge [sflag:s12], $0x2800  }
0x2b: {  	[sflag:s12] =	ssyncset.done $0x0  }
0x2c: {  	s30 =	simm.s32 $0xA0;
	[sflag:s12] =	ssyncadd.s32 $0xFFFFD800  }
0x2d: {  	[tilespmem:s16], [sflag:$0x1] =	stream.indirect.gather [hbm4b:s3+s15], $0x80, s30, s15, $0xb8;
	[tilespmem:$0x1D720] =	vst v63  }
0x2e: {  	_ =	swait.ge [sflag:s19], $0x2800  }
0x2f: {  	[sflag:s19] =	ssyncset.done $0x0  }
0x30: {  	s31 =	simm.s32 $0x2760;
	[sflag:s19] =	ssyncadd.s32 $0xFFFFD800  }
0x31: {  	[spmem:s1] =	stream.indirect.scatter.add.f32 [tilespmem:s17], [sflag:$0x3], $0x80, s31, s15, $0xb8;
	[tilespmem:$0x1D720] =	vst v63  }
0x32: {  	_ =	swait.ge [sflag:s12], $0x2800  }
0x33: {  	s23 =	simm.s32 $0x500;
	s22 =	simm.s32 $0xA0;
	[sflag:s12] =	ssyncset.done $0x0  }
.LBB2_2:
0x34: {  	s24 =	sadd.s32 $0x50, s22  }
0x35: {  	[sflag:s12] =	ssyncadd.s32 $0xFFFFD800;
	s25 =	smov.u32 s23;
	s26 =	sadd.s32 $0x280, s23  }
0x36: {  	[tilespmem:s17], [sflag:$0x2] =	stream.indirect.gather [hbm4b:s3+s15], $0x80, s24, s15, $0xb8;
	[tilespmem:$0x1D720] =	vst v63  }
0x37: {  	p1 =	sne.s32 s23, $0x9880;
	_ =	swait.ge [sflag:s18], $0x2800  }
0x38: {  	[sflag:s18] =	ssyncset.done $0x0  }
0x39: {  	s23 =	sadd.s32 $0x2710, s22;
	[sflag:s18] =	ssyncadd.s32 $0xFFFFD800  }
0x3a: {  	[spmem:s1] =	stream.indirect.scatter.add.f32 [tilespmem:s16], [sflag:$0x3], $0x80, s23, s15, $0xb8;
	[tilespmem:$0x1D720] =	vst v63  }
0x3b: {  	_ =	swait.ge [sflag:s12], $0x2800  }
0x3c: {  	[sflag:s12] =	ssyncset.done $0x0  }
0x3d: {  	s23 =	sadd.s32 $0xA0, s22;
	[sflag:s12] =	ssyncadd.s32 $0xFFFFD800  }
0x3e: {  	[tilespmem:s16], [sflag:$0x1] =	stream.indirect.gather [hbm4b:s3+s15], $0x80, s23, s15, $0xb8;
	[tilespmem:$0x1D720] =	vst v63  }
0x3f: {  	_ =	swait.ge [sflag:s19], $0x2800  }
.Ltmp0:
0x40: {  	[sflag:s19] =	ssyncset.done $0x0;
	(pc) =	sbr.rel @p1 .LBB2_2-.Ltmp0, $4  }
0x41: {  	s22 =	sadd.s32 $0x2760, s22;
	[sflag:s19] =	ssyncadd.s32 $0xFFFFD800  }
0x42: {  	[spmem:s1] =	stream.indirect.scatter.add.f32 [tilespmem:s17], [sflag:$0x3], $0x80, s22, s15, $0xb8;
	[tilespmem:$0x1D720] =	vst v63  }
0x43: {  	_ =	swait.ge [sflag:s12], $0x2800  }
0x44: {  	s23 =	smov.u32 s26;
	s22 =	sshra.s32 s25, $0x2;
	[sflag:s12] =	ssyncset.done $0x0  }
0x45: {  	s23 =	sadd.s32 $0x50, s22;
	[sflag:s12] =	ssyncadd.s32 $0xFFFFD800  }
0x46: {  	[tilespmem:s17], [sflag:$0x2] =	stream.indirect.gather [hbm4b:s3+s15], $0x80, s23, s15, $0xb8;
	[tilespmem:$0x1D720] =	vst v63  }
0x47: {  	_ =	swait.ge [sflag:s18], $0x2800  }
0x48: {  	[sflag:s18] =	ssyncset.done $0x0  }
0x49: {  	s29 =	sadd.s32 $0x2710, s22;
	[sflag:s18] =	ssyncadd.s32 $0xFFFFD800  }
0x4a: {  	[spmem:s1] =	stream.indirect.scatter.add.f32 [tilespmem:s16], [sflag:$0x3], $0x80, s29, s15, $0xb8;
	[tilespmem:$0x1D720] =	vst v63  }
0x4b: {  	_ =	swait.ge [sflag:s12], $0x2800  }
0x4c: {  	[sflag:s12] =	ssyncset.done $0x0  }
0x4d: {  	s30 =	sadd.s32 $0xA0, s22;
	[sflag:s12] =	ssyncadd.s32 $0xFFFFD800  }
0x4e: {  	[tilespmem:s16], [sflag:$0x1] =	stream.indirect.gather [hbm4b:s3+s15], $0x80, s30, s15, $0xb8;
	[tilespmem:$0x1D720] =	vst v63  }
0x4f: {  	_ =	swait.ge [sflag:s19], $0x2800  }
0x50: {  	[sflag:s19] =	ssyncset.done $0x0  }
0x51: {  	s31 =	sadd.s32 $0x2760, s22;
	[sflag:s19] =	ssyncadd.s32 $0xFFFFD800  }
0x52: {  	[spmem:s1] =	stream.indirect.scatter.add.f32 [tilespmem:s17], [sflag:$0x3], $0x80, s31, s15, $0xb8;
	[tilespmem:$0x1D720] =	vst v63  }
0x53: {  	_ =	swait.ge [sflag:s12], $0x2800  }
0x54: {  	[sflag:s12] =	ssyncset.done $0x0  }
0x55: {  	[sflag:s12] =	ssyncadd.s32 $0xFFFFD800  }
0x56: {  	_ =	swait.ge [sflag:s18], $0x2800  }
0x57: {  	[sflag:s18] =	ssyncset.done $0x0  }
0x58: {  	[sflag:s18] =	ssyncadd.s32 $0xFFFFD800  }
0x59: {  	[spmem:s1] =	stream.indirect.scatter.add.f32 [tilespmem:s16], [sflag:$0x3], $0x80, s20, s15, $0xb8;
	[tilespmem:$0x1D720] =	vst v63  }
0x5a: {  	_ =	swait.ge [sflag:s12], $0x2800  }
0x5b: {  	[sflag:s12] =	ssyncset.done $0x0  }
0x5c: {  	[sflag:s12] =	ssyncadd.s32 $0xFFFFD800  }
0x5d: {  	[bflag:$0x0] =	sbarrier.arrive $0xFFFF  }
0x5e: {  	[hbm:s8], [sflag:s5] =	dma.local [spmem:s11], $0x2700  }
0x5f: {  	s21 =	sadd.s32 $0x1, s21;
	_ =	swait.ge [sflag:s12], $0x2700  }
0x60: {  	p1 =	sne.s32 s21, s10;
	[sflag:s12] =	ssyncset.done $0x0  }
.Ltmp1:
0x61: {  	s22 =	simm.s32 @!p0 $0x3;
	[sflag:s12] =	ssyncadd.s32 $0xFFFFD900;
	(pc) =	sbr.rel @p1 .LBB2_1-.Ltmp1, $4  }
0x62: {  	[hbm:s9], [sflag:s5] =	dma.local @!p0 [spmem:s13], $0x100  }
0x63: {  	_ =	swait.ge @!p0 [sflag:s22], $0x100  }
0x64: {  	[sflag:s22] =	ssyncset.done @!p0 $0x0  }
0x65: {  	[sflag:s22] =	ssyncadd.s32 @!p0 $0xFFFFFF00  }
0x66: {  	_ =	sfence.sel $0x180000  }
0x67: {  	[bflag:$0x0] =	sbarrier.arrive $0xFFFF  }
0x68: {  	_ =	strace $0x9000004A  }
0x69: {  	s0 =	sadd.s32 @!p0 $0x100000, s0;
	[bflag:$0x2] =	sbarrier.arrive $0xFFFF  }
0x6a: {  	[sflag:s0] =	ssyncadd.tile.s32 @!p0 $0x1;
	_ =	shalt  }
.Lfunc_end2:
_tile_overlayer_lowered:
.L_overlay_start_2:
0x6b: {  	(tag) =	ssettag $0x2  }
0x6c: {  	s0 =	rddreg [dreg:$0x0];
	s2 =	stileid.u32  }
0x6d: {  	s1 =	rddreg [dreg:$0x1];
	p0 =	sne.s32 s2, $0x0  }
0x6e: {  	s3 =	rddreg [dreg:$0x2];
	[bflag:$0x3] =	sbarrier.arrive $0xFFFF;
	s2 =	simm.s32 @!p0 $0x1C03  }
0x6f: {  	[timem:s3], [sflag:s2] =	dma.local @!p0 [hbm:s0], s1  }
0x70: {  	s0 =	simm.s32 @!p0 $0x3  }
0x71: {  	_ =	swait.ge @!p0 [sflag:s0], s1  }
0x72: {  	s1 =	ssub.s32 @!p0 $0x0, s1;
	[sflag:s0] =	ssyncset.done @!p0 $0x0  }
0x73: {  	[sflag:s0] =	ssyncadd.s32 @!p0 s1  }
0x74: {  	[bflag:$0x3] =	sbarrier.arrive $0xFFFF  }
0x75: {  	_ =	shalt  }

// kernel: kernel.18.cloned.1.call-start
scs
__scs_entry_jumppad:
0x0: {  	(pc) =	sbr.rel $0x88, $3  }
0x1: {  	(tag) =	ssettag $0x0;
	lr =	simm.s32 $0x1  }
0x2: {  	[smem:$0x3F97] =	sst lr;
	_ =	strace $0xD0000000  }
0x3: {  	_ = 	snop  }
0x4: {  	_ = 	snop  }
0x5: {  	_ = 	snop  }
0x6: {  	_ = 	snop  }
0x7: {  	_ = 	snop  }
__scs_overlays_trampoline_lowered:
0x8: {  	[smem:$0x3FA6] =	sst s0  }
0x9: {  	[smem:$0x3FA7] =	sst s1  }
0xa: {  	[smem:$0x3FA8] =	sst s2  }
0xb: {  	[smem:$0x3FA9] =	sst s3  }
0xc: {  	[smem:$0x3FAA] =	sst s4  }
0xd: {  	[smem:$0x3FAB] =	sst s5  }
0xe: {  	[smem:$0x3FAC] =	sst s6  }
0xf: {  	[smem:$0x3FAD] =	sst s7  }
0x10: {  	[smem:$0x3FAE] =	sst s8  }
0x11: {  	[smem:$0x3FAF] =	sst s9;
	s0 =	simm.s32 @!p0 $0x0  }
0x12: {  	s1 =	sld [smem:$0x3F95];
	s0 =	simm.s32 @p0 $0x1  }
0x13: {  	[smem:$0x3FB0] =	sst s0;
	s0 =	simm.s32 @!p1 $0x0  }
0x14: {  	s2 =	sld [smem:$0x3F94];
	s0 =	simm.s32 @p1 $0x1  }
0x15: {  	[smem:$0x3FB1] =	sst s0;
	s0 =	simm.s32 @!p2 $0x0  }
0x16: {  	s3 =	sld [smem:$0x3FDB];
	s0 =	simm.s32 @p2 $0x1  }
0x17: {  	s4 =	simm.s32 $0x1BF5;
	[smem:$0x3FB3] =	sst s0  }
0x18: {  	s0 =	sld [smem:$0x3F96];
	_ =	swait.ge [sflag:s4], $0x0  }
0x19: {  	s7 =	sld [smem:$0x3F97]  }
0x1a: {  	s8 =	sadd.s32 $0xFFFFE003, lr  }
0x1b: {  	s9 =	sadd.s32 $0xFFFFFEF7, lr;
	s5 =	simm.s32 $0xFFFFFFFF;
	p2 =	slt.u32 s8, $0xFFFFF086  }
0x1c: {  	p1 =	slt.u32 s9, $0xF7A;
	s5 =	simm.s32 @!p2 $0x0  }
0x1d: {  	s5 =	simm.s32 @p1 $0x1;
	p0 =	seq.s32 s7, s2  }
0x1e: {  	s7 =	smul.u32 @!p0 $0xF7A, s2;
	p2 =	seq.s32 @!p0 s5, $0x0  }
0x1f: {  	s9 =	smul.u32 $0xF7A, s1;
	s8 =	simm.s32 @!p0 $0x1BF5;
	p2 =	por !p2, p0  }
0x20: {  	[sflag:s8] =	ssyncset.s32 @!p0 $0xFFFFF086;
	s6 =	sadd.s32 @!p0 s3, s7;
	s7 =	simm.s32 @!p0 $0x108  }
0x21: {  	s3 =	sadd.s32 s3, s9;
	s6 =	sadd.s32 @!p0 $0x88, s6;
	s7 =	simm.s32 @p2 $0x1082  }
0x22: {  	[simem:s7], [sflag:s8] =	dma.local @!p0 [hbm:s6], $0xF7A  }
0x23: {  	s9 =	sor.u32 $0xD0000000, s2;
	s6 =	simm.s32 $0x108;
	_ =	swait.ge @!p0 [sflag:s8], $0x0  }
0x24: {  	s3 =	sadd.s32 $0x88, s3;
	s6 =	simm.s32 @!p1 $0x1082;
	[sflag:s4] =	ssyncset.s32 $0xFFFFF086  }
0x25: {  	[simem:s6], [sflag:s4] =	dma.local [hbm:s3], $0xF7A  }
0x26: {  	[smem:$0x3F97] =	sst s1;
	(tag) =	ssettag s2;
	_ =	strace s9  }
0x27: {  	s1 =	sld [smem:$0x3FA7]  }
0x28: {  	s2 =	sld [smem:$0x3FA8]  }
0x29: {  	s4 =	sld [smem:$0x3FAA]  }
0x2a: {  	p0 =	seq.s32 s5, $0x0;
	s5 =	sld [smem:$0x3FAB]  }
0x2b: {  	s6 =	sld [smem:$0x3FAC]  }
0x2c: {  	s7 =	sld [smem:$0x3FAD]  }
0x2d: {  	s3 =	simm.s32 $0x108;
	s8 =	sld [smem:$0x3FAE]  }
0x2e: {  	s3 =	simm.s32 @!p0 $0x1082;
	s9 =	sld [smem:$0x3FAF]  }
0x2f: {  	lr =	sadd.s32 s0, s3;
	s0 =	sld [smem:$0x3FA6]  }
0x30: {  	s3 =	sld [smem:$0x3FA9]  }
0x31: {  	[smem:$0x3FB2] =	sst s10  }
0x32: {  	s10 =	sld [smem:$0x3FB0];
	_ =	sdelay $0x3  }
0x33: {  	p0 =	seq.s32 s10, $0x1;
	s10 =	sld [smem:$0x3FB2];
	_ =	sdelay $0x3  }
0x34: {  	[smem:$0x3FB2] =	sst s10  }
0x35: {  	s10 =	sld [smem:$0x3FB1];
	_ =	sdelay $0x3  }
0x36: {  	p1 =	seq.s32 s10, $0x1;
	s10 =	sld [smem:$0x3FB2];
	_ =	sdelay $0x3  }
0x37: {  	[smem:$0x3FB2] =	sst s10  }
0x38: {  	s10 =	sld [smem:$0x3FB3]  }
0x39: {  	_ = 	snop;
	(pc) =	sbr.ind lr, $3  }
0x3a: {  	_ = 	snop  }
0x3b: {  	_ = 	snop  }
0x3c: {  	p2 =	seq.s32 s10, $0x1;
	s10 =	sld [smem:$0x3FB2]  }
0x3d: {  	_ =	shalt  }
0x3e: {  	_ =	shalt  }
0x3f: {  	_ =	shalt  }
0x40: {  	_ =	shalt  }
0x41: {  	_ =	shalt  }
0x42: {  	_ =	shalt  }
0x43: {  	_ =	shalt  }
0x44: {  	_ =	shalt  }
0x45: {  	_ =	shalt  }
0x46: {  	_ =	shalt  }
0x47: {  	_ =	shalt  }
0x48: {  	_ =	shalt  }
0x49: {  	_ =	shalt  }
0x4a: {  	_ =	shalt  }
0x4b: {  	_ =	shalt  }
0x4c: {  	_ =	shalt  }
0x4d: {  	_ =	shalt  }
0x4e: {  	_ =	shalt  }
0x4f: {  	_ =	shalt  }
0x50: {  	_ =	shalt  }
0x51: {  	_ =	shalt  }
0x52: {  	_ =	shalt  }
0x53: {  	_ =	shalt  }
0x54: {  	_ =	shalt  }
0x55: {  	_ =	shalt  }
0x56: {  	_ =	shalt  }
0x57: {  	_ =	shalt  }
0x58: {  	_ =	shalt  }
0x59: {  	_ =	shalt  }
0x5a: {  	_ =	shalt  }
0x5b: {  	_ =	shalt  }
0x5c: {  	_ =	shalt  }
0x5d: {  	_ =	shalt  }
0x5e: {  	_ =	shalt  }
0x5f: {  	_ =	shalt  }
0x60: {  	_ =	shalt  }
0x61: {  	_ =	shalt  }
0x62: {  	_ =	shalt  }
0x63: {  	_ =	shalt  }
0x64: {  	_ =	shalt  }
0x65: {  	_ =	shalt  }
0x66: {  	_ =	shalt  }
0x67: {  	_ =	shalt  }
0x68: {  	_ =	shalt  }
0x69: {  	_ =	shalt  }
0x6a: {  	_ =	shalt  }
0x6b: {  	_ =	shalt  }
0x6c: {  	_ =	shalt  }
0x6d: {  	_ =	shalt  }
0x6e: {  	_ =	shalt  }
0x6f: {  	_ =	shalt  }
0x70: {  	_ =	shalt  }
0x71: {  	_ =	shalt  }
0x72: {  	_ =	shalt  }
0x73: {  	_ =	shalt  }
0x74: {  	_ =	shalt  }
0x75: {  	_ =	shalt  }
0x76: {  	_ =	shalt  }
0x77: {  	_ =	shalt  }
0x78: {  	_ =	shalt  }
0x79: {  	_ =	shalt  }
0x7a: {  	_ =	shalt  }
0x7b: {  	_ =	shalt  }
0x7c: {  	_ =	shalt  }
0x7d: {  	_ =	shalt  }
0x7e: {  	_ =	shalt  }
0x7f: {  	_ =	shalt  }
0x80: {  	_ =	shalt  }
0x81: {  	_ =	shalt  }
0x82: {  	_ =	shalt  }
0x83: {  	_ =	shalt  }
0x84: {  	_ =	shalt  }
0x85: {  	_ =	shalt  }
0x86: {  	_ =	shalt  }
0x87: {  	_ =	shalt  }
.Lfunc_end0:
.L_simem_size_0:
called_computation.2_lowered:
.L_overlay_start_0:
0x88: {  	s2 =	sld [smem:$0x3FD9]  }
0x89: {  	s3 =	sld [smem:$0x3FFE];
	_ =	sdelay $0x1  }
0x8a: {  	s1 =	srdreg.scid  }
0x8b: {  	s0 =	sand.u32 $0x1, s1  }
0x8c: {  	s17 =	sshll.u32 s0, $0xA;
	s2 =	sadd.s32 s3, s2  }
0x8d: {  	s2 =	sadd.s32 s2, s17  }
0x8e: {  	[smem:$0x3FBE] =	sst s2  }
0x8f: {  	_ = 	snop  }
0x90: {  	s2 =	sld [smem:$0x3FD0];
	(tm) =	ssettm $0x1  }
0x91: {  	s18 =	sld [smem:$0x3FFB];
	_ =	sdelay $0x3  }
0x92: {  	_ =	strace s18  }
0x93: {  	s3 =	sld [smem:$0x3FFC];
	_ =	sdelay $0x3  }
0x94: {  	_ =	strace s3  }
0x95: {  	s3 =	sld [smem:$0x3FFD];
	_ =	sdelay $0x3  }
0x96: {  	_ =	strace s3  }
0x97: {  	_ =	strace $0x8FFFFFFF  }
0x98: {  	s19 =	sld [smem:$0x3FDB];
	_ =	sdelay $0x1  }
0x99: {  	s4 =	simm.s32 $_scs_section_size  }
0x9a: {  	s5 =	simm.s32 $_size__tile_overlayer_lowered;
	s6 =	simm.s32 $_tile_overlayer_lowered  }
0x9b: {  	s22 =	simm.s32 $0x1BFF;
	s21 =	sshll.u32 s6, $0x1;
	s3 =	sadd.s32 s4, s19  }
0x9c: {  	s7 =	simm.s32 $0x0;
	s20 =	sshll.u32 s5, $0x1;
	s5 =	sadd.s32 s21, s3  }
0x9d: {  	[timem:s7], [sflag:s22] =	dma.local [hbm:s5], s20  }
0x9e: {  	_ =	swait.ge [sflag:s22], s20  }
0x9f: {  	s4 =	ssub.s32 $0x0, s20;
	[sflag:s22] =	ssyncset.done $0x0  }
0xa0: {  	[sflag:s22] =	ssyncadd.s32 s4;
	_ =	sdelay $0x1  }
0xa1: {  	s23 =	simm.s32 $0x1B8B  }
0xa2: {  	_ =	swait.ge [sflag:s23], $0x1  }
0xa3: {  	[sflag:s23] =	ssyncset.done $0x0  }
0xa4: {  	s25 =	simm.s32 $0x1B8E;
	s24 =	sld [smem:$0x3FFE];
	[sflag:s23] =	ssyncadd.s32 $0xFFFFFFFF  }
0xa5: {  	s26 =	simm.s32 $execute0_lowered;
	[smem:$0x3FD2] =	sst s25  }
0xa6: {  	s5 =	sshll.u32 s26, $0x1;
	_ =	strace $0x8000004C;
	[dreg:$0x1] =	wrdreg $0xFFFFFFFF  }
0xa7: {  	s28 =	simm.s32 $_size_execute0_lowered;
	s3 =	sadd.s32 s3, s5;
	[dreg:$0x0] =	wrdreg $0x0  }
0xa8: {  	s5 =	sshll.u32 s28, $0x1;
	[dreg:$0x2] =	wrdreg s3  }
0xa9: {  	[dreg:$0x3] =	wrdreg s5  }
0xaa: {  	[dreg:$0x4] =	wrdreg $0xC0  }
0xab: {  	_ =	task [dreg:s7], $0x5FFFF  }
0xac: {  	[dreg:$0x1] =	wrdreg $0xFFFFFFFF  }
0xad: {  	[dreg:$0x0] =	wrdreg $0x60  }
0xae: {  	[dreg:$0x2] =	wrdreg s24  }
0xaf: {  	[dreg:$0x3] =	wrdreg s2  }
0xb0: {  	[dreg:$0x4] =	wrdreg $0x6C200  }
0xb1: {  	[dreg:$0x5] =	wrdreg $0x9  }
0xb2: {  	_ =	task.clear_ibuf [dreg:s7], $0x6FFFF;
	_ =	strace $0x9000004C  }
0xb3: {  	s29 =	simm.s32 $0x9;
	_ =	strace $0x8000004E  }
0xb4: {  	_ =	swait.ge [sflag:s29], $0x1  }
0xb5: {  	[sflag:s29] =	ssyncadd.s32 $0xFFFFFFFF  }
0xb6: {  	_ =	strace $0x9000004E  }
0xb7: {  	_ =	sfence  }
0xb8: {  	s30 =	sld [smem:$0x0];
	_ =	sdelay $0x2  }
0xb9: {  	s31 =	sshll.u32 s1, $0xD;
	s1 =	sshrl.u32 s1, $0x2  }
0xba: {  	s3 =	sand.u32 $0x4000, s31;
	s1 =	sadd.s32 s1, s30  }
0xbb: {  	s0 =	sor.u32 s3, s0;
	s1 =	sshll.u32 s1, $0x11  }
0xbc: {  	s0 =	sor.u32 s1, s0  }
0xbd: {  	s0 =	sadd.s32 $0x8F2B, s0  }
0xbe: {  	[sflag:s0] =	ssyncadd.remote.s32 $0x1  }
0xbf: {  	_ =	sfence.sel $0xFFFF  }
0xc0: {  	[dreg:$0x0] =	wrdreg $0xFFFFFFFF;
	(pc) =	sbr.abs _section_cstart, $3  }
0xc1: {  	[dreg:$0x1] =	wrdreg $0xFFFFFFFF  }
0xc2: {  	_ =	task.clear_ibuf [dreg:s7], $0x2FFFF;
	_ =	strace $0x9FFFFFFF  }
0xc3: {  	(tm) =	ssettm $0x7FFFFFFF  }
tec
execute0_lowered:
.L_overlay_start_1:
0x0: {  	(tag) =	ssettag $0x1  }
0x1: {  	s5 =	rddreg [dreg:$0x0]  }
0x2: {  	s6 =	rddreg [dreg:$0x1];
	s0 =	srdreg.scid  }
0x3: {  	s11 =	stileid.u32;
	s1 =	rddreg [dreg:$0x2]  }
0x4: {  	s2 =	simm.s32 $0x0;
	s16 =	simm.s32 $0x4E20;
	s17 =	simm.s32 $0x5D20  }
0x5: {  	s18 =	simm.s32 $0x1;
	s19 =	simm.s32 $0x2;
	s20 =	simm.s32 $0x4DD0  }
0x6: {  	s21 =	simm.s32 $0x0;
	s7 =	sand.u32 $0x1, s0;
	s0 =	rddreg [dreg:$0x3]  }
0x7: {  	s3 =	sshll.u32 s11, $0x1;
	[smem:$0x7FF] =	sst s2;
	s4 =	sadd.s32 $0x69800, s5  }
0x8: {  	s12 =	sadd.s32 $0x6A800, s5;
	s13 =	smul.u32 $0x7500, s11;
	s28 =	sshll.u32 s11, $0x6  }
0x9: {  	s15 =	sadd.s32 $0x75000, s1;
	p0 =	sne.s32 s11, $0x0;
	s3 =	sor.u32 s7, s3  }
0xa: {  	_ =	strace $0x8000004D;
	s10 =	ssub.s32 $0x2, s7;
	s7 =	smul.u32 $0x75300, s7  }
0xb: {  	s8 =	smul.u32 $0x4E2, s3;
	s3 =	sadd.s32 $0x5AC00, s5;
	s26 =	sshrl.u32 s10, $0x1  }
0xc: {  	s14 =	sadd.s32 s13, s1;
	s10 =	ssub.s32 s10, s26;
	s29 =	sadd.s32 s13, s7  }
0xd: {  	s30 =	sshrl.u32 s7, $0x3;
	s11 =	sshrl.u32 s14, $0x3;
	s13 =	sshrl.u32 @!p0 s15, $0x3  }
0xe: {  	s14 =	simm.s32 $0x2710;
	s15 =	simm.s32 $0x50;
	s9 =	sadd.s32 s8, s5  }
0xf: {  	s5 =	sor.u32 $0x1C03, s28;
	s6 =	sadd.s32 s6, s8;
	s8 =	sshrl.u32 s29, $0x3  }
0x10: {  	s31 =	sadd.s32 s12, s30;
	s10 =	smax.u32 s10, $0x1;
	s7 =	sadd.s32 $0x2C00, s9  }
0x11: {  	s8 =	sadd.s32 s12, s8;
	s9 =	sadd.s32 $0xEA00, s31;
	s12 =	simm.s32 $0x3  }
.LBB2_1:
0x12: {  	[spmem:s11], [sflag:s5] =	dma.local [hbm:s4], $0xEA0  }
0x13: {  	_ =	swait.ge [sflag:s12], $0xEA0  }
0x14: {  	[sflag:s12] =	ssyncset.done $0x0  }
0x15: {  	s22 =	simm.s32 @!p0 $0x3;
	[sflag:s12] =	ssyncadd.s32 $0xFFFFF160  }
0x16: {  	[spmem:s13], [sflag:s5] =	dma.local @!p0 [hbm:s4], $0xC0  }
0x17: {  	_ =	swait.ge @!p0 [sflag:s22], $0xC0  }
0x18: {  	[sflag:s22] =	ssyncset.done @!p0 $0x0  }
0x19: {  	[sflag:s22] =	ssyncadd.s32 @!p0 $0xFFFFFF40  }
0x1a: {  	[tilespmem:s2], [sflag:$0x3] =	stream.linear.gather [hbm4b:s6+s2], $0x2710, $0x38;
	[tilespmem:$0xE180] =	vst v63  }
0x1b: {  	_ =	swait.ge [sflag:s12], $0x2710  }
0x1c: {  	[sflag:s12] =	ssyncset.done $0x0  }
0x1d: {  	[sflag:s12] =	ssyncadd.s32 $0xFFFFD8F0  }
0x1e: {  	[tilespmem:s14], [sflag:$0x3] =	stream.linear.gather [hbm4b:s7+s2], $0x2710, $0x38;
	[tilespmem:$0xE180] =	vst v63  }
0x1f: {  	_ =	swait.ge [sflag:s12], $0x2710  }
0x20: {  	[sflag:s12] =	ssyncset.done $0x0  }
0x21: {  	[sflag:s12] =	ssyncadd.s32 $0xFFFFD8F0  }
0x22: {  	[bflag:$0x0] =	sbarrier.arrive $0xFFFF  }
0x23: {  	[tilespmem:s16], [sflag:$0x1] =	stream.indirect.gather [hbm4b:s3+s15], $0x30, s2, s15, $0xb8;
	[tilespmem:$0xE180] =	vst v63  }
0x24: {  	s28 =	simm.s32 $0x50  }
0x25: {  	[tilespmem:s17], [sflag:$0x2] =	stream.indirect.gather [hbm4b:s3+s15], $0x30, s28, s15, $0xb8;
	[tilespmem:$0xE180] =	vst v63  }
0x26: {  	_ =	swait.ge [sflag:s18], $0xF00  }
0x27: {  	[sflag:s18] =	ssyncset.done $0x0  }
0x28: {  	s29 =	simm.s32 $0x2710;
	[sflag:s18] =	ssyncadd.s32 $0xFFFFF100  }
0x29: {  	[spmem:s1] =	stream.indirect.scatter.add.f32 [tilespmem:s16], [sflag:$0x3], $0x30, s29, s15, $0xb8;
	[tilespmem:$0xE180] =	vst v63  }
0x2a: {  	_ =	swait.ge [sflag:s12], $0xF00  }
0x2b: {  	[sflag:s12] =	ssyncset.done $0x0  }
0x2c: {  	s30 =	simm.s32 $0xA0;
	[sflag:s12] =	ssyncadd.s32 $0xFFFFF100  }
0x2d: {  	[tilespmem:s16], [sflag:$0x1] =	stream.indirect.gather [hbm4b:s3+s15], $0x30, s30, s15, $0xb8;
	[tilespmem:$0xE180] =	vst v63  }
0x2e: {  	_ =	swait.ge [sflag:s19], $0xF00  }
0x2f: {  	[sflag:s19] =	ssyncset.done $0x0  }
0x30: {  	s31 =	simm.s32 $0x2760;
	[sflag:s19] =	ssyncadd.s32 $0xFFFFF100  }
0x31: {  	[spmem:s1] =	stream.indirect.scatter.add.f32 [tilespmem:s17], [sflag:$0x3], $0x30, s31, s15, $0xb8;
	[tilespmem:$0xE180] =	vst v63  }
0x32: {  	_ =	swait.ge [sflag:s12], $0xF00  }
0x33: {  	s23 =	simm.s32 $0x500;
	s22 =	simm.s32 $0xA0;
	[sflag:s12] =	ssyncset.done $0x0  }
.LBB2_2:
0x34: {  	s24 =	sadd.s32 $0x50, s22  }
0x35: {  	[sflag:s12] =	ssyncadd.s32 $0xFFFFF100;
	s25 =	smov.u32 s23;
	s26 =	sadd.s32 $0x280, s23  }
0x36: {  	[tilespmem:s17], [sflag:$0x2] =	stream.indirect.gather [hbm4b:s3+s15], $0x30, s24, s15, $0xb8;
	[tilespmem:$0xE180] =	vst v63  }
0x37: {  	p1 =	sne.s32 s23, $0x9880;
	_ =	swait.ge [sflag:s18], $0xF00  }
0x38: {  	[sflag:s18] =	ssyncset.done $0x0  }
0x39: {  	s23 =	sadd.s32 $0x2710, s22;
	[sflag:s18] =	ssyncadd.s32 $0xFFFFF100  }
0x3a: {  	[spmem:s1] =	stream.indirect.scatter.add.f32 [tilespmem:s16], [sflag:$0x3], $0x30, s23, s15, $0xb8;
	[tilespmem:$0xE180] =	vst v63  }
0x3b: {  	_ =	swait.ge [sflag:s12], $0xF00  }
0x3c: {  	[sflag:s12] =	ssyncset.done $0x0  }
0x3d: {  	s23 =	sadd.s32 $0xA0, s22;
	[sflag:s12] =	ssyncadd.s32 $0xFFFFF100  }
0x3e: {  	[tilespmem:s16], [sflag:$0x1] =	stream.indirect.gather [hbm4b:s3+s15], $0x30, s23, s15, $0xb8;
	[tilespmem:$0xE180] =	vst v63  }
0x3f: {  	_ =	swait.ge [sflag:s19], $0xF00  }
.Ltmp0:
0x40: {  	[sflag:s19] =	ssyncset.done $0x0;
	(pc) =	sbr.rel @p1 .LBB2_2-.Ltmp0, $4  }
0x41: {  	s22 =	sadd.s32 $0x2760, s22;
	[sflag:s19] =	ssyncadd.s32 $0xFFFFF100  }
0x42: {  	[spmem:s1] =	stream.indirect.scatter.add.f32 [tilespmem:s17], [sflag:$0x3], $0x30, s22, s15, $0xb8;
	[tilespmem:$0xE180] =	vst v63  }
0x43: {  	_ =	swait.ge [sflag:s12], $0xF00  }
0x44: {  	s23 =	smov.u32 s26;
	s22 =	sshra.s32 s25, $0x2;
	[sflag:s12] =	ssyncset.done $0x0  }
0x45: {  	s23 =	sadd.s32 $0x50, s22;
	[sflag:s12] =	ssyncadd.s32 $0xFFFFF100  }
0x46: {  	[tilespmem:s17], [sflag:$0x2] =	stream.indirect.gather [hbm4b:s3+s15], $0x30, s23, s15, $0xb8;
	[tilespmem:$0xE180] =	vst v63  }
0x47: {  	_ =	swait.ge [sflag:s18], $0xF00  }
0x48: {  	[sflag:s18] =	ssyncset.done $0x0  }
0x49: {  	s29 =	sadd.s32 $0x2710, s22;
	[sflag:s18] =	ssyncadd.s32 $0xFFFFF100  }
0x4a: {  	[spmem:s1] =	stream.indirect.scatter.add.f32 [tilespmem:s16], [sflag:$0x3], $0x30, s29, s15, $0xb8;
	[tilespmem:$0xE180] =	vst v63  }
0x4b: {  	_ =	swait.ge [sflag:s12], $0xF00  }
0x4c: {  	[sflag:s12] =	ssyncset.done $0x0  }
0x4d: {  	s30 =	sadd.s32 $0xA0, s22;
	[sflag:s12] =	ssyncadd.s32 $0xFFFFF100  }
0x4e: {  	[tilespmem:s16], [sflag:$0x1] =	stream.indirect.gather [hbm4b:s3+s15], $0x30, s30, s15, $0xb8;
	[tilespmem:$0xE180] =	vst v63  }
0x4f: {  	_ =	swait.ge [sflag:s19], $0xF00  }
0x50: {  	[sflag:s19] =	ssyncset.done $0x0  }
0x51: {  	s31 =	sadd.s32 $0x2760, s22;
	[sflag:s19] =	ssyncadd.s32 $0xFFFFF100  }
0x52: {  	[spmem:s1] =	stream.indirect.scatter.add.f32 [tilespmem:s17], [sflag:$0x3], $0x30, s31, s15, $0xb8;
	[tilespmem:$0xE180] =	vst v63  }
0x53: {  	_ =	swait.ge [sflag:s12], $0xF00  }
0x54: {  	[sflag:s12] =	ssyncset.done $0x0  }
0x55: {  	[sflag:s12] =	ssyncadd.s32 $0xFFFFF100  }
0x56: {  	_ =	swait.ge [sflag:s18], $0xF00  }
0x57: {  	[sflag:s18] =	ssyncset.done $0x0  }
0x58: {  	[sflag:s18] =	ssyncadd.s32 $0xFFFFF100  }
0x59: {  	[spmem:s1] =	stream.indirect.scatter.add.f32 [tilespmem:s16], [sflag:$0x3], $0x30, s20, s15, $0xb8;
	[tilespmem:$0xE180] =	vst v63  }
0x5a: {  	_ =	swait.ge [sflag:s12], $0xF00  }
0x5b: {  	[sflag:s12] =	ssyncset.done $0x0  }
0x5c: {  	[sflag:s12] =	ssyncadd.s32 $0xFFFFF100  }
0x5d: {  	[bflag:$0x0] =	sbarrier.arrive $0xFFFF  }
0x5e: {  	[hbm:s8], [sflag:s5] =	dma.local [spmem:s11], $0xEA0  }
0x5f: {  	s21 =	sadd.s32 $0x1, s21;
	_ =	swait.ge [sflag:s12], $0xEA0  }
0x60: {  	p1 =	sne.s32 s21, s10;
	[sflag:s12] =	ssyncset.done $0x0  }
.Ltmp1:
0x61: {  	s22 =	simm.s32 @!p0 $0x3;
	[sflag:s12] =	ssyncadd.s32 $0xFFFFF160;
	(pc) =	sbr.rel @p1 .LBB2_1-.Ltmp1, $4  }
0x62: {  	[hbm:s9], [sflag:s5] =	dma.local @!p0 [spmem:s13], $0x60  }
0x63: {  	_ =	swait.ge @!p0 [sflag:s22], $0x60  }
0x64: {  	[sflag:s22] =	ssyncset.done @!p0 $0x0  }
0x65: {  	[sflag:s22] =	ssyncadd.s32 @!p0 $0xFFFFFFA0  }
0x66: {  	_ =	sfence.sel $0x180000  }
0x67: {  	[bflag:$0x0] =	sbarrier.arrive $0xFFFF  }
0x68: {  	_ =	strace $0x9000004D  }
0x69: {  	s0 =	sadd.s32 @!p0 $0x100000, s0;
	[bflag:$0x2] =	sbarrier.arrive $0xFFFF  }
0x6a: {  	[sflag:s0] =	ssyncadd.tile.s32 @!p0 $0x1;
	_ =	shalt  }
.Lfunc_end2:
_tile_overlayer_lowered:
.L_overlay_start_2:
0x6b: {  	(tag) =	ssettag $0x2  }
0x6c: {  	s0 =	rddreg [dreg:$0x0];
	s2 =	stileid.u32  }
0x6d: {  	s1 =	rddreg [dreg:$0x1];
	p0 =	sne.s32 s2, $0x0  }
0x6e: {  	s3 =	rddreg [dreg:$0x2];
	[bflag:$0x3] =	sbarrier.arrive $0xFFFF;
	s2 =	simm.s32 @!p0 $0x1C03  }
0x6f: {  	[timem:s3], [sflag:s2] =	dma.local @!p0 [hbm:s0], s1  }
0x70: {  	s0 =	simm.s32 @!p0 $0x3  }
0x71: {  	_ =	swait.ge @!p0 [sflag:s0], s1  }
0x72: {  	s1 =	ssub.s32 @!p0 $0x0, s1;
	[sflag:s0] =	ssyncset.done @!p0 $0x0  }
0x73: {  	[sflag:s0] =	ssyncadd.s32 @!p0 s1  }
0x74: {  	[bflag:$0x3] =	sbarrier.arrive $0xFFFF  }
0x75: {  	_ =	shalt  }

// kernel: kernel.21.cloned.1.call-start
scs
__scs_entry_jumppad:
0x0: {  	(pc) =	sbr.rel $0x88, $3  }
0x1: {  	(tag) =	ssettag $0x0;
	lr =	simm.s32 $0x1  }
0x2: {  	[smem:$0x3F97] =	sst lr;
	_ =	strace $0xD0000000  }
0x3: {  	_ = 	snop  }
0x4: {  	_ = 	snop  }
0x5: {  	_ = 	snop  }
0x6: {  	_ = 	snop  }
0x7: {  	_ = 	snop  }
__scs_overlays_trampoline_lowered:
0x8: {  	[smem:$0x3FA6] =	sst s0  }
0x9: {  	[smem:$0x3FA7] =	sst s1  }
0xa: {  	[smem:$0x3FA8] =	sst s2  }
0xb: {  	[smem:$0x3FA9] =	sst s3  }
0xc: {  	[smem:$0x3FAA] =	sst s4  }
0xd: {  	[smem:$0x3FAB] =	sst s5  }
0xe: {  	[smem:$0x3FAC] =	sst s6  }
0xf: {  	[smem:$0x3FAD] =	sst s7  }
0x10: {  	[smem:$0x3FAE] =	sst s8  }
0x11: {  	[smem:$0x3FAF] =	sst s9;
	s0 =	simm.s32 @!p0 $0x0  }
0x12: {  	s1 =	sld [smem:$0x3F95];
	s0 =	simm.s32 @p0 $0x1  }
0x13: {  	[smem:$0x3FB0] =	sst s0;
	s0 =	simm.s32 @!p1 $0x0  }
0x14: {  	s2 =	sld [smem:$0x3F94];
	s0 =	simm.s32 @p1 $0x1  }
0x15: {  	[smem:$0x3FB1] =	sst s0;
	s0 =	simm.s32 @!p2 $0x0  }
0x16: {  	s3 =	sld [smem:$0x3FDB];
	s0 =	simm.s32 @p2 $0x1  }
0x17: {  	s4 =	simm.s32 $0x1BF5;
	[smem:$0x3FB3] =	sst s0  }
0x18: {  	s0 =	sld [smem:$0x3F96];
	_ =	swait.ge [sflag:s4], $0x0  }
0x19: {  	s7 =	sld [smem:$0x3F97]  }
0x1a: {  	s8 =	sadd.s32 $0xFFFFE003, lr  }
0x1b: {  	s9 =	sadd.s32 $0xFFFFFEF7, lr;
	s5 =	simm.s32 $0xFFFFFFFF;
	p2 =	slt.u32 s8, $0xFFFFF086  }
0x1c: {  	p1 =	slt.u32 s9, $0xF7A;
	s5 =	simm.s32 @!p2 $0x0  }
0x1d: {  	s5 =	simm.s32 @p1 $0x1;
	p0 =	seq.s32 s7, s2  }
0x1e: {  	s7 =	smul.u32 @!p0 $0xF7A, s2;
	p2 =	seq.s32 @!p0 s5, $0x0  }
0x1f: {  	s9 =	smul.u32 $0xF7A, s1;
	s8 =	simm.s32 @!p0 $0x1BF5;
	p2 =	por !p2, p0  }
0x20: {  	[sflag:s8] =	ssyncset.s32 @!p0 $0xFFFFF086;
	s6 =	sadd.s32 @!p0 s3, s7;
	s7 =	simm.s32 @!p0 $0x108  }
0x21: {  	s3 =	sadd.s32 s3, s9;
	s6 =	sadd.s32 @!p0 $0x88, s6;
	s7 =	simm.s32 @p2 $0x1082  }
0x22: {  	[simem:s7], [sflag:s8] =	dma.local @!p0 [hbm:s6], $0xF7A  }
0x23: {  	s9 =	sor.u32 $0xD0000000, s2;
	s6 =	simm.s32 $0x108;
	_ =	swait.ge @!p0 [sflag:s8], $0x0  }
0x24: {  	s3 =	sadd.s32 $0x88, s3;
	s6 =	simm.s32 @!p1 $0x1082;
	[sflag:s4] =	ssyncset.s32 $0xFFFFF086  }
0x25: {  	[simem:s6], [sflag:s4] =	dma.local [hbm:s3], $0xF7A  }
0x26: {  	[smem:$0x3F97] =	sst s1;
	(tag) =	ssettag s2;
	_ =	strace s9  }
0x27: {  	s1 =	sld [smem:$0x3FA7]  }
0x28: {  	s2 =	sld [smem:$0x3FA8]  }
0x29: {  	s4 =	sld [smem:$0x3FAA]  }
0x2a: {  	p0 =	seq.s32 s5, $0x0;
	s5 =	sld [smem:$0x3FAB]  }
0x2b: {  	s6 =	sld [smem:$0x3FAC]  }
0x2c: {  	s7 =	sld [smem:$0x3FAD]  }
0x2d: {  	s3 =	simm.s32 $0x108;
	s8 =	sld [smem:$0x3FAE]  }
0x2e: {  	s3 =	simm.s32 @!p0 $0x1082;
	s9 =	sld [smem:$0x3FAF]  }
0x2f: {  	lr =	sadd.s32 s0, s3;
	s0 =	sld [smem:$0x3FA6]  }
0x30: {  	s3 =	sld [smem:$0x3FA9]  }
0x31: {  	[smem:$0x3FB2] =	sst s10  }
0x32: {  	s10 =	sld [smem:$0x3FB0];
	_ =	sdelay $0x3  }
0x33: {  	p0 =	seq.s32 s10, $0x1;
	s10 =	sld [smem:$0x3FB2];
	_ =	sdelay $0x3  }
0x34: {  	[smem:$0x3FB2] =	sst s10  }
0x35: {  	s10 =	sld [smem:$0x3FB1];
	_ =	sdelay $0x3  }
0x36: {  	p1 =	seq.s32 s10, $0x1;
	s10 =	sld [smem:$0x3FB2];
	_ =	sdelay $0x3  }
0x37: {  	[smem:$0x3FB2] =	sst s10  }
0x38: {  	s10 =	sld [smem:$0x3FB3]  }
0x39: {  	_ = 	snop;
	(pc) =	sbr.ind lr, $3  }
0x3a: {  	_ = 	snop  }
0x3b: {  	_ = 	snop  }
0x3c: {  	p2 =	seq.s32 s10, $0x1;
	s10 =	sld [smem:$0x3FB2]  }
0x3d: {  	_ =	shalt  }
0x3e: {  	_ =	shalt  }
0x3f: {  	_ =	shalt  }
0x40: {  	_ =	shalt  }
0x41: {  	_ =	shalt  }
0x42: {  	_ =	shalt  }
0x43: {  	_ =	shalt  }
0x44: {  	_ =	shalt  }
0x45: {  	_ =	shalt  }
0x46: {  	_ =	shalt  }
0x47: {  	_ =	shalt  }
0x48: {  	_ =	shalt  }
0x49: {  	_ =	shalt  }
0x4a: {  	_ =	shalt  }
0x4b: {  	_ =	shalt  }
0x4c: {  	_ =	shalt  }
0x4d: {  	_ =	shalt  }
0x4e: {  	_ =	shalt  }
0x4f: {  	_ =	shalt  }
0x50: {  	_ =	shalt  }
0x51: {  	_ =	shalt  }
0x52: {  	_ =	shalt  }
0x53: {  	_ =	shalt  }
0x54: {  	_ =	shalt  }
0x55: {  	_ =	shalt  }
0x56: {  	_ =	shalt  }
0x57: {  	_ =	shalt  }
0x58: {  	_ =	shalt  }
0x59: {  	_ =	shalt  }
0x5a: {  	_ =	shalt  }
0x5b: {  	_ =	shalt  }
0x5c: {  	_ =	shalt  }
0x5d: {  	_ =	shalt  }
0x5e: {  	_ =	shalt  }
0x5f: {  	_ =	shalt  }
0x60: {  	_ =	shalt  }
0x61: {  	_ =	shalt  }
0x62: {  	_ =	shalt  }
0x63: {  	_ =	shalt  }
0x64: {  	_ =	shalt  }
0x65: {  	_ =	shalt  }
0x66: {  	_ =	shalt  }
0x67: {  	_ =	shalt  }
0x68: {  	_ =	shalt  }
0x69: {  	_ =	shalt  }
0x6a: {  	_ =	shalt  }
0x6b: {  	_ =	shalt  }
0x6c: {  	_ =	shalt  }
0x6d: {  	_ =	shalt  }
0x6e: {  	_ =	shalt  }
0x6f: {  	_ =	shalt  }
0x70: {  	_ =	shalt  }
0x71: {  	_ =	shalt  }
0x72: {  	_ =	shalt  }
0x73: {  	_ =	shalt  }
0x74: {  	_ =	shalt  }
0x75: {  	_ =	shalt  }
0x76: {  	_ =	shalt  }
0x77: {  	_ =	shalt  }
0x78: {  	_ =	shalt  }
0x79: {  	_ =	shalt  }
0x7a: {  	_ =	shalt  }
0x7b: {  	_ =	shalt  }
0x7c: {  	_ =	shalt  }
0x7d: {  	_ =	shalt  }
0x7e: {  	_ =	shalt  }
0x7f: {  	_ =	shalt  }
0x80: {  	_ =	shalt  }
0x81: {  	_ =	shalt  }
0x82: {  	_ =	shalt  }
0x83: {  	_ =	shalt  }
0x84: {  	_ =	shalt  }
0x85: {  	_ =	shalt  }
0x86: {  	_ =	shalt  }
0x87: {  	_ =	shalt  }
.Lfunc_end0:
.L_simem_size_0:
called_computation.3_lowered:
.L_overlay_start_0:
0x88: {  	s2 =	sld [smem:$0x3FD9]  }
0x89: {  	s3 =	sld [smem:$0x3FFE];
	_ =	sdelay $0x1  }
0x8a: {  	s1 =	srdreg.scid  }
0x8b: {  	s0 =	sand.u32 $0x1, s1  }
0x8c: {  	s17 =	sshll.u32 s0, $0xA;
	s2 =	sadd.s32 s3, s2  }
0x8d: {  	s2 =	sadd.s32 s2, s17  }
0x8e: {  	[smem:$0x3FBE] =	sst s2  }
0x8f: {  	_ = 	snop  }
0x90: {  	s2 =	sld [smem:$0x3FD0];
	(tm) =	ssettm $0x1  }
0x91: {  	s18 =	sld [smem:$0x3FFB];
	_ =	sdelay $0x3  }
0x92: {  	_ =	strace s18  }
0x93: {  	s3 =	sld [smem:$0x3FFC];
	_ =	sdelay $0x3  }
0x94: {  	_ =	strace s3  }
0x95: {  	s3 =	sld [smem:$0x3FFD];
	_ =	sdelay $0x3  }
0x96: {  	_ =	strace s3  }
0x97: {  	_ =	strace $0x8FFFFFFF  }
0x98: {  	s19 =	sld [smem:$0x3FDB];
	_ =	sdelay $0x1  }
0x99: {  	s4 =	simm.s32 $_scs_section_size  }
0x9a: {  	s5 =	simm.s32 $_size__tile_overlayer_lowered;
	s6 =	simm.s32 $_tile_overlayer_lowered  }
0x9b: {  	s22 =	simm.s32 $0x1BFF;
	s21 =	sshll.u32 s6, $0x1;
	s3 =	sadd.s32 s4, s19  }
0x9c: {  	s7 =	simm.s32 $0x0;
	s20 =	sshll.u32 s5, $0x1;
	s5 =	sadd.s32 s21, s3  }
0x9d: {  	[timem:s7], [sflag:s22] =	dma.local [hbm:s5], s20  }
0x9e: {  	_ =	swait.ge [sflag:s22], s20  }
0x9f: {  	s4 =	ssub.s32 $0x0, s20;
	[sflag:s22] =	ssyncset.done $0x0  }
0xa0: {  	[sflag:s22] =	ssyncadd.s32 s4;
	_ =	sdelay $0x1  }
0xa1: {  	s23 =	simm.s32 $0x1B8B  }
0xa2: {  	_ =	swait.ge [sflag:s23], $0x1  }
0xa3: {  	[sflag:s23] =	ssyncset.done $0x0  }
0xa4: {  	s25 =	simm.s32 $0x1B8E;
	s24 =	sld [smem:$0x3FFE];
	[sflag:s23] =	ssyncadd.s32 $0xFFFFFFFF  }
0xa5: {  	s26 =	simm.s32 $execute0_lowered;
	[smem:$0x3FD2] =	sst s25  }
0xa6: {  	s5 =	sshll.u32 s26, $0x1;
	_ =	strace $0x8000004F;
	[dreg:$0x1] =	wrdreg $0xFFFFFFFF  }
0xa7: {  	s28 =	simm.s32 $_size_execute0_lowered;
	s3 =	sadd.s32 s3, s5;
	[dreg:$0x0] =	wrdreg $0x0  }
0xa8: {  	s5 =	sshll.u32 s28, $0x1;
	[dreg:$0x2] =	wrdreg s3  }
0xa9: {  	[dreg:$0x3] =	wrdreg s5  }
0xaa: {  	[dreg:$0x4] =	wrdreg $0xC0  }
0xab: {  	_ =	task [dreg:s7], $0x5FFFF  }
0xac: {  	[dreg:$0x1] =	wrdreg $0xFFFFFFFF  }
0xad: {  	[dreg:$0x0] =	wrdreg $0x60  }
0xae: {  	[dreg:$0x2] =	wrdreg s24  }
0xaf: {  	[dreg:$0x3] =	wrdreg s2  }
0xb0: {  	[dreg:$0x4] =	wrdreg $0x6C200  }
0xb1: {  	[dreg:$0x5] =	wrdreg $0x9  }
0xb2: {  	_ =	task.clear_ibuf [dreg:s7], $0x6FFFF;
	_ =	strace $0x9000004F  }
0xb3: {  	s29 =	simm.s32 $0x9;
	_ =	strace $0x80000051  }
0xb4: {  	_ =	swait.ge [sflag:s29], $0x1  }
0xb5: {  	[sflag:s29] =	ssyncadd.s32 $0xFFFFFFFF  }
0xb6: {  	_ =	strace $0x90000051  }
0xb7: {  	_ =	sfence  }
0xb8: {  	s30 =	sld [smem:$0x0];
	_ =	sdelay $0x2  }
0xb9: {  	s31 =	sshll.u32 s1, $0xD;
	s1 =	sshrl.u32 s1, $0x2  }
0xba: {  	s3 =	sand.u32 $0x4000, s31;
	s1 =	sadd.s32 s1, s30  }
0xbb: {  	s0 =	sor.u32 s3, s0;
	s1 =	sshll.u32 s1, $0x11  }
0xbc: {  	s0 =	sor.u32 s1, s0  }
0xbd: {  	s0 =	sadd.s32 $0x8F2B, s0  }
0xbe: {  	[sflag:s0] =	ssyncadd.remote.s32 $0x1  }
0xbf: {  	_ =	sfence.sel $0xFFFF  }
0xc0: {  	[dreg:$0x0] =	wrdreg $0xFFFFFFFF;
	(pc) =	sbr.abs _section_cstart, $3  }
0xc1: {  	[dreg:$0x1] =	wrdreg $0xFFFFFFFF  }
0xc2: {  	_ =	task.clear_ibuf [dreg:s7], $0x2FFFF;
	_ =	strace $0x9FFFFFFF  }
0xc3: {  	(tm) =	ssettm $0x7FFFFFFF  }
tec
execute0_lowered:
.L_overlay_start_1:
0x0: {  	(tag) =	ssettag $0x1  }
0x1: {  	s5 =	rddreg [dreg:$0x0]  }
0x2: {  	s6 =	rddreg [dreg:$0x1];
	s0 =	srdreg.scid  }
0x3: {  	s11 =	stileid.u32;
	s1 =	rddreg [dreg:$0x2]  }
0x4: {  	s2 =	simm.s32 $0x0;
	s16 =	simm.s32 $0x4E20;
	s17 =	simm.s32 $0x5D20  }
0x5: {  	s18 =	simm.s32 $0x1;
	s19 =	simm.s32 $0x2;
	s20 =	simm.s32 $0x4DD0  }
0x6: {  	s21 =	simm.s32 $0x0;
	s7 =	sand.u32 $0x1, s0;
	s0 =	rddreg [dreg:$0x3]  }
0x7: {  	s3 =	sshll.u32 s11, $0x1;
	[smem:$0x7FF] =	sst s2;
	s4 =	sadd.s32 $0x69800, s5  }
0x8: {  	s12 =	sadd.s32 $0x6A800, s5;
	s13 =	smul.u32 $0x7500, s11;
	s28 =	sshll.u32 s11, $0x6  }
0x9: {  	s15 =	sadd.s32 $0x75000, s1;
	p0 =	sne.s32 s11, $0x0;
	s3 =	sor.u32 s7, s3  }
0xa: {  	_ =	strace $0x80000050;
	s10 =	ssub.s32 $0x2, s7;
	s7 =	smul.u32 $0x75300, s7  }
0xb: {  	s8 =	smul.u32 $0x4E2, s3;
	s3 =	sadd.s32 $0x5AC00, s5;
	s26 =	sshrl.u32 s10, $0x1  }
0xc: {  	s14 =	sadd.s32 s13, s1;
	s10 =	ssub.s32 s10, s26;
	s29 =	sadd.s32 s13, s7  }
0xd: {  	s30 =	sshrl.u32 s7, $0x3;
	s11 =	sshrl.u32 s14, $0x3;
	s13 =	sshrl.u32 @!p0 s15, $0x3  }
0xe: {  	s14 =	simm.s32 $0x2710;
	s15 =	simm.s32 $0x50;
	s9 =	sadd.s32 s8, s5  }
0xf: {  	s5 =	sor.u32 $0x1C03, s28;
	s6 =	sadd.s32 s6, s8;
	s8 =	sshrl.u32 s29, $0x3  }
0x10: {  	s31 =	sadd.s32 s12, s30;
	s10 =	smax.u32 s10, $0x1;
	s7 =	sadd.s32 $0x2C00, s9  }
0x11: {  	s8 =	sadd.s32 s12, s8;
	s9 =	sadd.s32 $0xEA00, s31;
	s12 =	simm.s32 $0x3  }
.LBB2_1:
0x12: {  	[spmem:s11], [sflag:s5] =	dma.local [hbm:s4], $0xEA0  }
0x13: {  	_ =	swait.ge [sflag:s12], $0xEA0  }
0x14: {  	[sflag:s12] =	ssyncset.done $0x0  }
0x15: {  	s22 =	simm.s32 @!p0 $0x3;
	[sflag:s12] =	ssyncadd.s32 $0xFFFFF160  }
0x16: {  	[spmem:s13], [sflag:s5] =	dma.local @!p0 [hbm:s4], $0xC0  }
0x17: {  	_ =	swait.ge @!p0 [sflag:s22], $0xC0  }
0x18: {  	[sflag:s22] =	ssyncset.done @!p0 $0x0  }
0x19: {  	[sflag:s22] =	ssyncadd.s32 @!p0 $0xFFFFFF40  }
0x1a: {  	[tilespmem:s2], [sflag:$0x3] =	stream.linear.gather [hbm4b:s6+s2], $0x2710, $0x38;
	[tilespmem:$0xE180] =	vst v63  }
0x1b: {  	_ =	swait.ge [sflag:s12], $0x2710  }
0x1c: {  	[sflag:s12] =	ssyncset.done $0x0  }
0x1d: {  	[sflag:s12] =	ssyncadd.s32 $0xFFFFD8F0  }
0x1e: {  	[tilespmem:s14], [sflag:$0x3] =	stream.linear.gather [hbm4b:s7+s2], $0x2710, $0x38;
	[tilespmem:$0xE180] =	vst v63  }
0x1f: {  	_ =	swait.ge [sflag:s12], $0x2710  }
0x20: {  	[sflag:s12] =	ssyncset.done $0x0  }
0x21: {  	[sflag:s12] =	ssyncadd.s32 $0xFFFFD8F0  }
0x22: {  	[bflag:$0x0] =	sbarrier.arrive $0xFFFF  }
0x23: {  	[tilespmem:s16], [sflag:$0x1] =	stream.indirect.gather [hbm4b:s3+s15], $0x30, s2, s15, $0xb8;
	[tilespmem:$0xE180] =	vst v63  }
0x24: {  	s28 =	simm.s32 $0x50  }
0x25: {  	[tilespmem:s17], [sflag:$0x2] =	stream.indirect.gather [hbm4b:s3+s15], $0x30, s28, s15, $0xb8;
	[tilespmem:$0xE180] =	vst v63  }
0x26: {  	_ =	swait.ge [sflag:s18], $0xF00  }
0x27: {  	[sflag:s18] =	ssyncset.done $0x0  }
0x28: {  	s29 =	simm.s32 $0x2710;
	[sflag:s18] =	ssyncadd.s32 $0xFFFFF100  }
0x29: {  	[spmem:s1] =	stream.indirect.scatter.add.f32 [tilespmem:s16], [sflag:$0x3], $0x30, s29, s15, $0xb8;
	[tilespmem:$0xE180] =	vst v63  }
0x2a: {  	_ =	swait.ge [sflag:s12], $0xF00  }
0x2b: {  	[sflag:s12] =	ssyncset.done $0x0  }
0x2c: {  	s30 =	simm.s32 $0xA0;
	[sflag:s12] =	ssyncadd.s32 $0xFFFFF100  }
0x2d: {  	[tilespmem:s16], [sflag:$0x1] =	stream.indirect.gather [hbm4b:s3+s15], $0x30, s30, s15, $0xb8;
	[tilespmem:$0xE180] =	vst v63  }
0x2e: {  	_ =	swait.ge [sflag:s19], $0xF00  }
0x2f: {  	[sflag:s19] =	ssyncset.done $0x0  }
0x30: {  	s31 =	simm.s32 $0x2760;
	[sflag:s19] =	ssyncadd.s32 $0xFFFFF100  }
0x31: {  	[spmem:s1] =	stream.indirect.scatter.add.f32 [tilespmem:s17], [sflag:$0x3], $0x30, s31, s15, $0xb8;
	[tilespmem:$0xE180] =	vst v63  }
0x32: {  	_ =	swait.ge [sflag:s12], $0xF00  }
0x33: {  	s23 =	simm.s32 $0x500;
	s22 =	simm.s32 $0xA0;
	[sflag:s12] =	ssyncset.done $0x0  }
.LBB2_2:
0x34: {  	s24 =	sadd.s32 $0x50, s22  }
0x35: {  	[sflag:s12] =	ssyncadd.s32 $0xFFFFF100;
	s25 =	smov.u32 s23;
	s26 =	sadd.s32 $0x280, s23  }
0x36: {  	[tilespmem:s17], [sflag:$0x2] =	stream.indirect.gather [hbm4b:s3+s15], $0x30, s24, s15, $0xb8;
	[tilespmem:$0xE180] =	vst v63  }
0x37: {  	p1 =	sne.s32 s23, $0x9880;
	_ =	swait.ge [sflag:s18], $0xF00  }
0x38: {  	[sflag:s18] =	ssyncset.done $0x0  }
0x39: {  	s23 =	sadd.s32 $0x2710, s22;
	[sflag:s18] =	ssyncadd.s32 $0xFFFFF100  }
0x3a: {  	[spmem:s1] =	stream.indirect.scatter.add.f32 [tilespmem:s16], [sflag:$0x3], $0x30, s23, s15, $0xb8;
	[tilespmem:$0xE180] =	vst v63  }
0x3b: {  	_ =	swait.ge [sflag:s12], $0xF00  }
0x3c: {  	[sflag:s12] =	ssyncset.done $0x0  }
0x3d: {  	s23 =	sadd.s32 $0xA0, s22;
	[sflag:s12] =	ssyncadd.s32 $0xFFFFF100  }
0x3e: {  	[tilespmem:s16], [sflag:$0x1] =	stream.indirect.gather [hbm4b:s3+s15], $0x30, s23, s15, $0xb8;
	[tilespmem:$0xE180] =	vst v63  }
0x3f: {  	_ =	swait.ge [sflag:s19], $0xF00  }
.Ltmp0:
0x40: {  	[sflag:s19] =	ssyncset.done $0x0;
	(pc) =	sbr.rel @p1 .LBB2_2-.Ltmp0, $4  }
0x41: {  	s22 =	sadd.s32 $0x2760, s22;
	[sflag:s19] =	ssyncadd.s32 $0xFFFFF100  }
0x42: {  	[spmem:s1] =	stream.indirect.scatter.add.f32 [tilespmem:s17], [sflag:$0x3], $0x30, s22, s15, $0xb8;
	[tilespmem:$0xE180] =	vst v63  }
0x43: {  	_ =	swait.ge [sflag:s12], $0xF00  }
0x44: {  	s23 =	smov.u32 s26;
	s22 =	sshra.s32 s25, $0x2;
	[sflag:s12] =	ssyncset.done $0x0  }
0x45: {  	s23 =	sadd.s32 $0x50, s22;
	[sflag:s12] =	ssyncadd.s32 $0xFFFFF100  }
0x46: {  	[tilespmem:s17], [sflag:$0x2] =	stream.indirect.gather [hbm4b:s3+s15], $0x30, s23, s15, $0xb8;
	[tilespmem:$0xE180] =	vst v63  }
0x47: {  	_ =	swait.ge [sflag:s18], $0xF00  }
0x48: {  	[sflag:s18] =	ssyncset.done $0x0  }
0x49: {  	s29 =	sadd.s32 $0x2710, s22;
	[sflag:s18] =	ssyncadd.s32 $0xFFFFF100  }
0x4a: {  	[spmem:s1] =	stream.indirect.scatter.add.f32 [tilespmem:s16], [sflag:$0x3], $0x30, s29, s15, $0xb8;
	[tilespmem:$0xE180] =	vst v63  }
0x4b: {  	_ =	swait.ge [sflag:s12], $0xF00  }
0x4c: {  	[sflag:s12] =	ssyncset.done $0x0  }
0x4d: {  	s30 =	sadd.s32 $0xA0, s22;
	[sflag:s12] =	ssyncadd.s32 $0xFFFFF100  }
0x4e: {  	[tilespmem:s16], [sflag:$0x1] =	stream.indirect.gather [hbm4b:s3+s15], $0x30, s30, s15, $0xb8;
	[tilespmem:$0xE180] =	vst v63  }
0x4f: {  	_ =	swait.ge [sflag:s19], $0xF00  }
0x50: {  	[sflag:s19] =	ssyncset.done $0x0  }
0x51: {  	s31 =	sadd.s32 $0x2760, s22;
	[sflag:s19] =	ssyncadd.s32 $0xFFFFF100  }
0x52: {  	[spmem:s1] =	stream.indirect.scatter.add.f32 [tilespmem:s17], [sflag:$0x3], $0x30, s31, s15, $0xb8;
	[tilespmem:$0xE180] =	vst v63  }
0x53: {  	_ =	swait.ge [sflag:s12], $0xF00  }
0x54: {  	[sflag:s12] =	ssyncset.done $0x0  }
0x55: {  	[sflag:s12] =	ssyncadd.s32 $0xFFFFF100  }
0x56: {  	_ =	swait.ge [sflag:s18], $0xF00  }
0x57: {  	[sflag:s18] =	ssyncset.done $0x0  }
0x58: {  	[sflag:s18] =	ssyncadd.s32 $0xFFFFF100  }
0x59: {  	[spmem:s1] =	stream.indirect.scatter.add.f32 [tilespmem:s16], [sflag:$0x3], $0x30, s20, s15, $0xb8;
	[tilespmem:$0xE180] =	vst v63  }
0x5a: {  	_ =	swait.ge [sflag:s12], $0xF00  }
0x5b: {  	[sflag:s12] =	ssyncset.done $0x0  }
0x5c: {  	[sflag:s12] =	ssyncadd.s32 $0xFFFFF100  }
0x5d: {  	[bflag:$0x0] =	sbarrier.arrive $0xFFFF  }
0x5e: {  	[hbm:s8], [sflag:s5] =	dma.local [spmem:s11], $0xEA0  }
0x5f: {  	s21 =	sadd.s32 $0x1, s21;
	_ =	swait.ge [sflag:s12], $0xEA0  }
0x60: {  	p1 =	sne.s32 s21, s10;
	[sflag:s12] =	ssyncset.done $0x0  }
.Ltmp1:
0x61: {  	s22 =	simm.s32 @!p0 $0x3;
	[sflag:s12] =	ssyncadd.s32 $0xFFFFF160;
	(pc) =	sbr.rel @p1 .LBB2_1-.Ltmp1, $4  }
0x62: {  	[hbm:s9], [sflag:s5] =	dma.local @!p0 [spmem:s13], $0x60  }
0x63: {  	_ =	swait.ge @!p0 [sflag:s22], $0x60  }
0x64: {  	[sflag:s22] =	ssyncset.done @!p0 $0x0  }
0x65: {  	[sflag:s22] =	ssyncadd.s32 @!p0 $0xFFFFFFA0  }
0x66: {  	_ =	sfence.sel $0x180000  }
0x67: {  	[bflag:$0x0] =	sbarrier.arrive $0xFFFF  }
0x68: {  	_ =	strace $0x90000050  }
0x69: {  	s0 =	sadd.s32 @!p0 $0x100000, s0;
	[bflag:$0x2] =	sbarrier.arrive $0xFFFF  }
0x6a: {  	[sflag:s0] =	ssyncadd.tile.s32 @!p0 $0x1;
	_ =	shalt  }
.Lfunc_end2:
_tile_overlayer_lowered:
.L_overlay_start_2:
0x6b: {  	(tag) =	ssettag $0x2  }
0x6c: {  	s0 =	rddreg [dreg:$0x0];
	s2 =	stileid.u32  }
0x6d: {  	s1 =	rddreg [dreg:$0x1];
	p0 =	sne.s32 s2, $0x0  }
0x6e: {  	s3 =	rddreg [dreg:$0x2];
	[bflag:$0x3] =	sbarrier.arrive $0xFFFF;
	s2 =	simm.s32 @!p0 $0x1C03  }
0x6f: {  	[timem:s3], [sflag:s2] =	dma.local @!p0 [hbm:s0], s1  }
0x70: {  	s0 =	simm.s32 @!p0 $0x3  }
0x71: {  	_ =	swait.ge @!p0 [sflag:s0], s1  }
0x72: {  	s1 =	ssub.s32 @!p0 $0x0, s1;
	[sflag:s0] =	ssyncset.done @!p0 $0x0  }
0x73: {  	[sflag:s0] =	ssyncadd.s32 @!p0 s1  }
0x74: {  	[bflag:$0x3] =	sbarrier.arrive $0xFFFF  }
0x75: {  	_ =	shalt  }

// kernel: kernel.24.cloned.1.call-start
scs
__scs_entry_jumppad:
0x0: {  	(pc) =	sbr.rel $0x88, $3  }
0x1: {  	(tag) =	ssettag $0x0;
	lr =	simm.s32 $0x1  }
0x2: {  	[smem:$0x3F97] =	sst lr;
	_ =	strace $0xD0000000  }
0x3: {  	_ = 	snop  }
0x4: {  	_ = 	snop  }
0x5: {  	_ = 	snop  }
0x6: {  	_ = 	snop  }
0x7: {  	_ = 	snop  }
__scs_overlays_trampoline_lowered:
0x8: {  	[smem:$0x3FA6] =	sst s0  }
0x9: {  	[smem:$0x3FA7] =	sst s1  }
0xa: {  	[smem:$0x3FA8] =	sst s2  }
0xb: {  	[smem:$0x3FA9] =	sst s3  }
0xc: {  	[smem:$0x3FAA] =	sst s4  }
0xd: {  	[smem:$0x3FAB] =	sst s5  }
0xe: {  	[smem:$0x3FAC] =	sst s6  }
0xf: {  	[smem:$0x3FAD] =	sst s7  }
0x10: {  	[smem:$0x3FAE] =	sst s8  }
0x11: {  	[smem:$0x3FAF] =	sst s9;
	s0 =	simm.s32 @!p0 $0x0  }
0x12: {  	s1 =	sld [smem:$0x3F95];
	s0 =	simm.s32 @p0 $0x1  }
0x13: {  	[smem:$0x3FB0] =	sst s0;
	s0 =	simm.s32 @!p1 $0x0  }
0x14: {  	s2 =	sld [smem:$0x3F94];
	s0 =	simm.s32 @p1 $0x1  }
0x15: {  	[smem:$0x3FB1] =	sst s0;
	s0 =	simm.s32 @!p2 $0x0  }
0x16: {  	s3 =	sld [smem:$0x3FDB];
	s0 =	simm.s32 @p2 $0x1  }
0x17: {  	s4 =	simm.s32 $0x1BF5;
	[smem:$0x3FB3] =	sst s0  }
0x18: {  	s0 =	sld [smem:$0x3F96];
	_ =	swait.ge [sflag:s4], $0x0  }
0x19: {  	s7 =	sld [smem:$0x3F97]  }
0x1a: {  	s8 =	sadd.s32 $0xFFFFE003, lr  }
0x1b: {  	s9 =	sadd.s32 $0xFFFFFEF7, lr;
	s5 =	simm.s32 $0xFFFFFFFF;
	p2 =	slt.u32 s8, $0xFFFFF086  }
0x1c: {  	p1 =	slt.u32 s9, $0xF7A;
	s5 =	simm.s32 @!p2 $0x0  }
0x1d: {  	s5 =	simm.s32 @p1 $0x1;
	p0 =	seq.s32 s7, s2  }
0x1e: {  	s7 =	smul.u32 @!p0 $0xF7A, s2;
	p2 =	seq.s32 @!p0 s5, $0x0  }
0x1f: {  	s9 =	smul.u32 $0xF7A, s1;
	s8 =	simm.s32 @!p0 $0x1BF5;
	p2 =	por !p2, p0  }
0x20: {  	[sflag:s8] =	ssyncset.s32 @!p0 $0xFFFFF086;
	s6 =	sadd.s32 @!p0 s3, s7;
	s7 =	simm.s32 @!p0 $0x108  }
0x21: {  	s3 =	sadd.s32 s3, s9;
	s6 =	sadd.s32 @!p0 $0x88, s6;
	s7 =	simm.s32 @p2 $0x1082  }
0x22: {  	[simem:s7], [sflag:s8] =	dma.local @!p0 [hbm:s6], $0xF7A  }
0x23: {  	s9 =	sor.u32 $0xD0000000, s2;
	s6 =	simm.s32 $0x108;
	_ =	swait.ge @!p0 [sflag:s8], $0x0  }
0x24: {  	s3 =	sadd.s32 $0x88, s3;
	s6 =	simm.s32 @!p1 $0x1082;
	[sflag:s4] =	ssyncset.s32 $0xFFFFF086  }
0x25: {  	[simem:s6], [sflag:s4] =	dma.local [hbm:s3], $0xF7A  }
0x26: {  	[smem:$0x3F97] =	sst s1;
	(tag) =	ssettag s2;
	_ =	strace s9  }
0x27: {  	s1 =	sld [smem:$0x3FA7]  }
0x28: {  	s2 =	sld [smem:$0x3FA8]  }
0x29: {  	s4 =	sld [smem:$0x3FAA]  }
0x2a: {  	p0 =	seq.s32 s5, $0x0;
	s5 =	sld [smem:$0x3FAB]  }
0x2b: {  	s6 =	sld [smem:$0x3FAC]  }
0x2c: {  	s7 =	sld [smem:$0x3FAD]  }
0x2d: {  	s3 =	simm.s32 $0x108;
	s8 =	sld [smem:$0x3FAE]  }
0x2e: {  	s3 =	simm.s32 @!p0 $0x1082;
	s9 =	sld [smem:$0x3FAF]  }
0x2f: {  	lr =	sadd.s32 s0, s3;
	s0 =	sld [smem:$0x3FA6]  }
0x30: {  	s3 =	sld [smem:$0x3FA9]  }
0x31: {  	[smem:$0x3FB2] =	sst s10  }
0x32: {  	s10 =	sld [smem:$0x3FB0];
	_ =	sdelay $0x3  }
0x33: {  	p0 =	seq.s32 s10, $0x1;
	s10 =	sld [smem:$0x3FB2];
	_ =	sdelay $0x3  }
0x34: {  	[smem:$0x3FB2] =	sst s10  }
0x35: {  	s10 =	sld [smem:$0x3FB1];
	_ =	sdelay $0x3  }
0x36: {  	p1 =	seq.s32 s10, $0x1;
	s10 =	sld [smem:$0x3FB2];
	_ =	sdelay $0x3  }
0x37: {  	[smem:$0x3FB2] =	sst s10  }
0x38: {  	s10 =	sld [smem:$0x3FB3]  }
0x39: {  	_ = 	snop;
	(pc) =	sbr.ind lr, $3  }
0x3a: {  	_ = 	snop  }
0x3b: {  	_ = 	snop  }
0x3c: {  	p2 =	seq.s32 s10, $0x1;
	s10 =	sld [smem:$0x3FB2]  }
0x3d: {  	_ =	shalt  }
0x3e: {  	_ =	shalt  }
0x3f: {  	_ =	shalt  }
0x40: {  	_ =	shalt  }
0x41: {  	_ =	shalt  }
0x42: {  	_ =	shalt  }
0x43: {  	_ =	shalt  }
0x44: {  	_ =	shalt  }
0x45: {  	_ =	shalt  }
0x46: {  	_ =	shalt  }
0x47: {  	_ =	shalt  }
0x48: {  	_ =	shalt  }
0x49: {  	_ =	shalt  }
0x4a: {  	_ =	shalt  }
0x4b: {  	_ =	shalt  }
0x4c: {  	_ =	shalt  }
0x4d: {  	_ =	shalt  }
0x4e: {  	_ =	shalt  }
0x4f: {  	_ =	shalt  }
0x50: {  	_ =	shalt  }
0x51: {  	_ =	shalt  }
0x52: {  	_ =	shalt  }
0x53: {  	_ =	shalt  }
0x54: {  	_ =	shalt  }
0x55: {  	_ =	shalt  }
0x56: {  	_ =	shalt  }
0x57: {  	_ =	shalt  }
0x58: {  	_ =	shalt  }
0x59: {  	_ =	shalt  }
0x5a: {  	_ =	shalt  }
0x5b: {  	_ =	shalt  }
0x5c: {  	_ =	shalt  }
0x5d: {  	_ =	shalt  }
0x5e: {  	_ =	shalt  }
0x5f: {  	_ =	shalt  }
0x60: {  	_ =	shalt  }
0x61: {  	_ =	shalt  }
0x62: {  	_ =	shalt  }
0x63: {  	_ =	shalt  }
0x64: {  	_ =	shalt  }
0x65: {  	_ =	shalt  }
0x66: {  	_ =	shalt  }
0x67: {  	_ =	shalt  }
0x68: {  	_ =	shalt  }
0x69: {  	_ =	shalt  }
0x6a: {  	_ =	shalt  }
0x6b: {  	_ =	shalt  }
0x6c: {  	_ =	shalt  }
0x6d: {  	_ =	shalt  }
0x6e: {  	_ =	shalt  }
0x6f: {  	_ =	shalt  }
0x70: {  	_ =	shalt  }
0x71: {  	_ =	shalt  }
0x72: {  	_ =	shalt  }
0x73: {  	_ =	shalt  }
0x74: {  	_ =	shalt  }
0x75: {  	_ =	shalt  }
0x76: {  	_ =	shalt  }
0x77: {  	_ =	shalt  }
0x78: {  	_ =	shalt  }
0x79: {  	_ =	shalt  }
0x7a: {  	_ =	shalt  }
0x7b: {  	_ =	shalt  }
0x7c: {  	_ =	shalt  }
0x7d: {  	_ =	shalt  }
0x7e: {  	_ =	shalt  }
0x7f: {  	_ =	shalt  }
0x80: {  	_ =	shalt  }
0x81: {  	_ =	shalt  }
0x82: {  	_ =	shalt  }
0x83: {  	_ =	shalt  }
0x84: {  	_ =	shalt  }
0x85: {  	_ =	shalt  }
0x86: {  	_ =	shalt  }
0x87: {  	_ =	shalt  }
.Lfunc_end0:
.L_simem_size_0:
called_computation.4_lowered:
.L_overlay_start_0:
0x88: {  	s2 =	sld [smem:$0x3FD9]  }
0x89: {  	s3 =	sld [smem:$0x3FFE];
	_ =	sdelay $0x1  }
0x8a: {  	s1 =	srdreg.scid  }
0x8b: {  	s0 =	sand.u32 $0x1, s1  }
0x8c: {  	s17 =	sshll.u32 s0, $0xA;
	s2 =	sadd.s32 s3, s2  }
0x8d: {  	s2 =	sadd.s32 s2, s17  }
0x8e: {  	[smem:$0x3FBE] =	sst s2  }
0x8f: {  	_ = 	snop  }
0x90: {  	s2 =	sld [smem:$0x3FD0];
	(tm) =	ssettm $0x1  }
0x91: {  	s18 =	sld [smem:$0x3FFB];
	_ =	sdelay $0x3  }
0x92: {  	_ =	strace s18  }
0x93: {  	s3 =	sld [smem:$0x3FFC];
	_ =	sdelay $0x3  }
0x94: {  	_ =	strace s3  }
0x95: {  	s3 =	sld [smem:$0x3FFD];
	_ =	sdelay $0x3  }
0x96: {  	_ =	strace s3  }
0x97: {  	_ =	strace $0x8FFFFFFF  }
0x98: {  	s19 =	sld [smem:$0x3FDB];
	_ =	sdelay $0x1  }
0x99: {  	s4 =	simm.s32 $_scs_section_size  }
0x9a: {  	s5 =	simm.s32 $_size__tile_overlayer_lowered;
	s6 =	simm.s32 $_tile_overlayer_lowered  }
0x9b: {  	s22 =	simm.s32 $0x1BFF;
	s21 =	sshll.u32 s6, $0x1;
	s3 =	sadd.s32 s4, s19  }
0x9c: {  	s7 =	simm.s32 $0x0;
	s20 =	sshll.u32 s5, $0x1;
	s5 =	sadd.s32 s21, s3  }
0x9d: {  	[timem:s7], [sflag:s22] =	dma.local [hbm:s5], s20  }
0x9e: {  	_ =	swait.ge [sflag:s22], s20  }
0x9f: {  	s4 =	ssub.s32 $0x0, s20;
	[sflag:s22] =	ssyncset.done $0x0  }
0xa0: {  	[sflag:s22] =	ssyncadd.s32 s4;
	_ =	sdelay $0x1  }
0xa1: {  	s23 =	simm.s32 $0x1B8B  }
0xa2: {  	_ =	swait.ge [sflag:s23], $0x1  }
0xa3: {  	[sflag:s23] =	ssyncset.done $0x0  }
0xa4: {  	s25 =	simm.s32 $0x1B8E;
	s24 =	sld [smem:$0x3FFE];
	[sflag:s23] =	ssyncadd.s32 $0xFFFFFFFF  }
0xa5: {  	s26 =	simm.s32 $execute0_lowered;
	[smem:$0x3FD2] =	sst s25  }
0xa6: {  	s5 =	sshll.u32 s26, $0x1;
	_ =	strace $0x80000052;
	[dreg:$0x1] =	wrdreg $0xFFFFFFFF  }
0xa7: {  	s28 =	simm.s32 $_size_execute0_lowered;
	s3 =	sadd.s32 s3, s5;
	[dreg:$0x0] =	wrdreg $0x0  }
0xa8: {  	s5 =	sshll.u32 s28, $0x1;
	[dreg:$0x2] =	wrdreg s3  }
0xa9: {  	[dreg:$0x3] =	wrdreg s5  }
0xaa: {  	[dreg:$0x4] =	wrdreg $0xC0  }
0xab: {  	_ =	task [dreg:s7], $0x5FFFF  }
0xac: {  	[dreg:$0x1] =	wrdreg $0xFFFFFFFF  }
0xad: {  	[dreg:$0x0] =	wrdreg $0x60  }
0xae: {  	[dreg:$0x2] =	wrdreg s24  }
0xaf: {  	[dreg:$0x3] =	wrdreg s2  }
0xb0: {  	[dreg:$0x4] =	wrdreg $0x6C200  }
0xb1: {  	[dreg:$0x5] =	wrdreg $0x9  }
0xb2: {  	_ =	task.clear_ibuf [dreg:s7], $0x6FFFF;
	_ =	strace $0x90000052  }
0xb3: {  	s29 =	simm.s32 $0x9;
	_ =	strace $0x80000054  }
0xb4: {  	_ =	swait.ge [sflag:s29], $0x1  }
0xb5: {  	[sflag:s29] =	ssyncadd.s32 $0xFFFFFFFF  }
0xb6: {  	_ =	strace $0x90000054  }
0xb7: {  	_ =	sfence  }
0xb8: {  	s30 =	sld [smem:$0x0];
	_ =	sdelay $0x2  }
0xb9: {  	s31 =	sshll.u32 s1, $0xD;
	s1 =	sshrl.u32 s1, $0x2  }
0xba: {  	s3 =	sand.u32 $0x4000, s31;
	s1 =	sadd.s32 s1, s30  }
0xbb: {  	s0 =	sor.u32 s3, s0;
	s1 =	sshll.u32 s1, $0x11  }
0xbc: {  	s0 =	sor.u32 s1, s0  }
0xbd: {  	s0 =	sadd.s32 $0x8F2B, s0  }
0xbe: {  	[sflag:s0] =	ssyncadd.remote.s32 $0x1  }
0xbf: {  	_ =	sfence.sel $0xFFFF  }
0xc0: {  	[dreg:$0x0] =	wrdreg $0xFFFFFFFF;
	(pc) =	sbr.abs _section_cstart, $3  }
0xc1: {  	[dreg:$0x1] =	wrdreg $0xFFFFFFFF  }
0xc2: {  	_ =	task.clear_ibuf [dreg:s7], $0x2FFFF;
	_ =	strace $0x9FFFFFFF  }
0xc3: {  	(tm) =	ssettm $0x7FFFFFFF  }
tec
execute0_lowered:
.L_overlay_start_1:
0x0: {  	(tag) =	ssettag $0x1  }
0x1: {  	s5 =	rddreg [dreg:$0x0]  }
0x2: {  	s6 =	rddreg [dreg:$0x1];
	s0 =	srdreg.scid  }
0x3: {  	s11 =	stileid.u32;
	s1 =	rddreg [dreg:$0x2]  }
0x4: {  	s2 =	simm.s32 $0x0;
	s16 =	simm.s32 $0x4E20;
	s17 =	simm.s32 $0x5D20  }
0x5: {  	s18 =	simm.s32 $0x1;
	s19 =	simm.s32 $0x2;
	s20 =	simm.s32 $0x4DD0  }
0x6: {  	s21 =	simm.s32 $0x0;
	s7 =	sand.u32 $0x1, s0;
	s0 =	rddreg [dreg:$0x3]  }
0x7: {  	s3 =	sshll.u32 s11, $0x1;
	[smem:$0x7FF] =	sst s2;
	s4 =	sadd.s32 $0x69800, s5  }
0x8: {  	s12 =	sadd.s32 $0x6A800, s5;
	s13 =	smul.u32 $0x7500, s11;
	s28 =	sshll.u32 s11, $0x6  }
0x9: {  	s15 =	sadd.s32 $0x75000, s1;
	p0 =	sne.s32 s11, $0x0;
	s3 =	sor.u32 s7, s3  }
0xa: {  	_ =	strace $0x80000053;
	s10 =	ssub.s32 $0x2, s7;
	s7 =	smul.u32 $0x75300, s7  }
0xb: {  	s8 =	smul.u32 $0x4E2, s3;
	s3 =	sadd.s32 $0x5AC00, s5;
	s26 =	sshrl.u32 s10, $0x1  }
0xc: {  	s14 =	sadd.s32 s13, s1;
	s10 =	ssub.s32 s10, s26;
	s29 =	sadd.s32 s13, s7  }
0xd: {  	s30 =	sshrl.u32 s7, $0x3;
	s11 =	sshrl.u32 s14, $0x3;
	s13 =	sshrl.u32 @!p0 s15, $0x3  }
0xe: {  	s14 =	simm.s32 $0x2710;
	s15 =	simm.s32 $0x50;
	s9 =	sadd.s32 s8, s5  }
0xf: {  	s5 =	sor.u32 $0x1C03, s28;
	s6 =	sadd.s32 s6, s8;
	s8 =	sshrl.u32 s29, $0x3  }
0x10: {  	s31 =	sadd.s32 s12, s30;
	s10 =	smax.u32 s10, $0x1;
	s7 =	sadd.s32 $0x2C00, s9  }
0x11: {  	s8 =	sadd.s32 s12, s8;
	s9 =	sadd.s32 $0xEA00, s31;
	s12 =	simm.s32 $0x3  }
.LBB2_1:
0x12: {  	[spmem:s11], [sflag:s5] =	dma.local [hbm:s4], $0xEA0  }
0x13: {  	_ =	swait.ge [sflag:s12], $0xEA0  }
0x14: {  	[sflag:s12] =	ssyncset.done $0x0  }
0x15: {  	s22 =	simm.s32 @!p0 $0x3;
	[sflag:s12] =	ssyncadd.s32 $0xFFFFF160  }
0x16: {  	[spmem:s13], [sflag:s5] =	dma.local @!p0 [hbm:s4], $0xC0  }
0x17: {  	_ =	swait.ge @!p0 [sflag:s22], $0xC0  }
0x18: {  	[sflag:s22] =	ssyncset.done @!p0 $0x0  }
0x19: {  	[sflag:s22] =	ssyncadd.s32 @!p0 $0xFFFFFF40  }
0x1a: {  	[tilespmem:s2], [sflag:$0x3] =	stream.linear.gather [hbm4b:s6+s2], $0x2710, $0x38;
	[tilespmem:$0xE180] =	vst v63  }
0x1b: {  	_ =	swait.ge [sflag:s12], $0x2710  }
0x1c: {  	[sflag:s12] =	ssyncset.done $0x0  }
0x1d: {  	[sflag:s12] =	ssyncadd.s32 $0xFFFFD8F0  }
0x1e: {  	[tilespmem:s14], [sflag:$0x3] =	stream.linear.gather [hbm4b:s7+s2], $0x2710, $0x38;
	[tilespmem:$0xE180] =	vst v63  }
0x1f: {  	_ =	swait.ge [sflag:s12], $0x2710  }
0x20: {  	[sflag:s12] =	ssyncset.done $0x0  }
0x21: {  	[sflag:s12] =	ssyncadd.s32 $0xFFFFD8F0  }
0x22: {  	[bflag:$0x0] =	sbarrier.arrive $0xFFFF  }
0x23: {  	[tilespmem:s16], [sflag:$0x1] =	stream.indirect.gather [hbm4b:s3+s15], $0x30, s2, s15, $0xb8;
	[tilespmem:$0xE180] =	vst v63  }
0x24: {  	s28 =	simm.s32 $0x50  }
0x25: {  	[tilespmem:s17], [sflag:$0x2] =	stream.indirect.gather [hbm4b:s3+s15], $0x30, s28, s15, $0xb8;
	[tilespmem:$0xE180] =	vst v63  }
0x26: {  	_ =	swait.ge [sflag:s18], $0xF00  }
0x27: {  	[sflag:s18] =	ssyncset.done $0x0  }
0x28: {  	s29 =	simm.s32 $0x2710;
	[sflag:s18] =	ssyncadd.s32 $0xFFFFF100  }
0x29: {  	[spmem:s1] =	stream.indirect.scatter.add.f32 [tilespmem:s16], [sflag:$0x3], $0x30, s29, s15, $0xb8;
	[tilespmem:$0xE180] =	vst v63  }
0x2a: {  	_ =	swait.ge [sflag:s12], $0xF00  }
0x2b: {  	[sflag:s12] =	ssyncset.done $0x0  }
0x2c: {  	s30 =	simm.s32 $0xA0;
	[sflag:s12] =	ssyncadd.s32 $0xFFFFF100  }
0x2d: {  	[tilespmem:s16], [sflag:$0x1] =	stream.indirect.gather [hbm4b:s3+s15], $0x30, s30, s15, $0xb8;
	[tilespmem:$0xE180] =	vst v63  }
0x2e: {  	_ =	swait.ge [sflag:s19], $0xF00  }
0x2f: {  	[sflag:s19] =	ssyncset.done $0x0  }
0x30: {  	s31 =	simm.s32 $0x2760;
	[sflag:s19] =	ssyncadd.s32 $0xFFFFF100  }
0x31: {  	[spmem:s1] =	stream.indirect.scatter.add.f32 [tilespmem:s17], [sflag:$0x3], $0x30, s31, s15, $0xb8;
	[tilespmem:$0xE180] =	vst v63  }
0x32: {  	_ =	swait.ge [sflag:s12], $0xF00  }
0x33: {  	s23 =	simm.s32 $0x500;
	s22 =	simm.s32 $0xA0;
	[sflag:s12] =	ssyncset.done $0x0  }
.LBB2_2:
0x34: {  	s24 =	sadd.s32 $0x50, s22  }
0x35: {  	[sflag:s12] =	ssyncadd.s32 $0xFFFFF100;
	s25 =	smov.u32 s23;
	s26 =	sadd.s32 $0x280, s23  }
0x36: {  	[tilespmem:s17], [sflag:$0x2] =	stream.indirect.gather [hbm4b:s3+s15], $0x30, s24, s15, $0xb8;
	[tilespmem:$0xE180] =	vst v63  }
0x37: {  	p1 =	sne.s32 s23, $0x9880;
	_ =	swait.ge [sflag:s18], $0xF00  }
0x38: {  	[sflag:s18] =	ssyncset.done $0x0  }
0x39: {  	s23 =	sadd.s32 $0x2710, s22;
	[sflag:s18] =	ssyncadd.s32 $0xFFFFF100  }
0x3a: {  	[spmem:s1] =	stream.indirect.scatter.add.f32 [tilespmem:s16], [sflag:$0x3], $0x30, s23, s15, $0xb8;
	[tilespmem:$0xE180] =	vst v63  }
0x3b: {  	_ =	swait.ge [sflag:s12], $0xF00  }
0x3c: {  	[sflag:s12] =	ssyncset.done $0x0  }
0x3d: {  	s23 =	sadd.s32 $0xA0, s22;
	[sflag:s12] =	ssyncadd.s32 $0xFFFFF100  }
0x3e: {  	[tilespmem:s16], [sflag:$0x1] =	stream.indirect.gather [hbm4b:s3+s15], $0x30, s23, s15, $0xb8;
	[tilespmem:$0xE180] =	vst v63  }
0x3f: {  	_ =	swait.ge [sflag:s19], $0xF00  }
.Ltmp0:
0x40: {  	[sflag:s19] =	ssyncset.done $0x0;
	(pc) =	sbr.rel @p1 .LBB2_2-.Ltmp0, $4  }
0x41: {  	s22 =	sadd.s32 $0x2760, s22;
	[sflag:s19] =	ssyncadd.s32 $0xFFFFF100  }
0x42: {  	[spmem:s1] =	stream.indirect.scatter.add.f32 [tilespmem:s17], [sflag:$0x3], $0x30, s22, s15, $0xb8;
	[tilespmem:$0xE180] =	vst v63  }
0x43: {  	_ =	swait.ge [sflag:s12], $0xF00  }
0x44: {  	s23 =	smov.u32 s26;
	s22 =	sshra.s32 s25, $0x2;
	[sflag:s12] =	ssyncset.done $0x0  }
0x45: {  	s23 =	sadd.s32 $0x50, s22;
	[sflag:s12] =	ssyncadd.s32 $0xFFFFF100  }
0x46: {  	[tilespmem:s17], [sflag:$0x2] =	stream.indirect.gather [hbm4b:s3+s15], $0x30, s23, s15, $0xb8;
	[tilespmem:$0xE180] =	vst v63  }
0x47: {  	_ =	swait.ge [sflag:s18], $0xF00  }
0x48: {  	[sflag:s18] =	ssyncset.done $0x0  }
0x49: {  	s29 =	sadd.s32 $0x2710, s22;
	[sflag:s18] =	ssyncadd.s32 $0xFFFFF100  }
0x4a: {  	[spmem:s1] =	stream.indirect.scatter.add.f32 [tilespmem:s16], [sflag:$0x3], $0x30, s29, s15, $0xb8;
	[tilespmem:$0xE180] =	vst v63  }
0x4b: {  	_ =	swait.ge [sflag:s12], $0xF00  }
0x4c: {  	[sflag:s12] =	ssyncset.done $0x0  }
0x4d: {  	s30 =	sadd.s32 $0xA0, s22;
	[sflag:s12] =	ssyncadd.s32 $0xFFFFF100  }
0x4e: {  	[tilespmem:s16], [sflag:$0x1] =	stream.indirect.gather [hbm4b:s3+s15], $0x30, s30, s15, $0xb8;
	[tilespmem:$0xE180] =	vst v63  }
0x4f: {  	_ =	swait.ge [sflag:s19], $0xF00  }
0x50: {  	[sflag:s19] =	ssyncset.done $0x0  }
0x51: {  	s31 =	sadd.s32 $0x2760, s22;
	[sflag:s19] =	ssyncadd.s32 $0xFFFFF100  }
0x52: {  	[spmem:s1] =	stream.indirect.scatter.add.f32 [tilespmem:s17], [sflag:$0x3], $0x30, s31, s15, $0xb8;
	[tilespmem:$0xE180] =	vst v63  }
0x53: {  	_ =	swait.ge [sflag:s12], $0xF00  }
0x54: {  	[sflag:s12] =	ssyncset.done $0x0  }
0x55: {  	[sflag:s12] =	ssyncadd.s32 $0xFFFFF100  }
0x56: {  	_ =	swait.ge [sflag:s18], $0xF00  }
0x57: {  	[sflag:s18] =	ssyncset.done $0x0  }
0x58: {  	[sflag:s18] =	ssyncadd.s32 $0xFFFFF100  }
0x59: {  	[spmem:s1] =	stream.indirect.scatter.add.f32 [tilespmem:s16], [sflag:$0x3], $0x30, s20, s15, $0xb8;
	[tilespmem:$0xE180] =	vst v63  }
0x5a: {  	_ =	swait.ge [sflag:s12], $0xF00  }
0x5b: {  	[sflag:s12] =	ssyncset.done $0x0  }
0x5c: {  	[sflag:s12] =	ssyncadd.s32 $0xFFFFF100  }
0x5d: {  	[bflag:$0x0] =	sbarrier.arrive $0xFFFF  }
0x5e: {  	[hbm:s8], [sflag:s5] =	dma.local [spmem:s11], $0xEA0  }
0x5f: {  	s21 =	sadd.s32 $0x1, s21;
	_ =	swait.ge [sflag:s12], $0xEA0  }
0x60: {  	p1 =	sne.s32 s21, s10;
	[sflag:s12] =	ssyncset.done $0x0  }
.Ltmp1:
0x61: {  	s22 =	simm.s32 @!p0 $0x3;
	[sflag:s12] =	ssyncadd.s32 $0xFFFFF160;
	(pc) =	sbr.rel @p1 .LBB2_1-.Ltmp1, $4  }
0x62: {  	[hbm:s9], [sflag:s5] =	dma.local @!p0 [spmem:s13], $0x60  }
0x63: {  	_ =	swait.ge @!p0 [sflag:s22], $0x60  }
0x64: {  	[sflag:s22] =	ssyncset.done @!p0 $0x0  }
0x65: {  	[sflag:s22] =	ssyncadd.s32 @!p0 $0xFFFFFFA0  }
0x66: {  	_ =	sfence.sel $0x180000  }
0x67: {  	[bflag:$0x0] =	sbarrier.arrive $0xFFFF  }
0x68: {  	_ =	strace $0x90000053  }
0x69: {  	s0 =	sadd.s32 @!p0 $0x100000, s0;
	[bflag:$0x2] =	sbarrier.arrive $0xFFFF  }
0x6a: {  	[sflag:s0] =	ssyncadd.tile.s32 @!p0 $0x1;
	_ =	shalt  }
.Lfunc_end2:
_tile_overlayer_lowered:
.L_overlay_start_2:
0x6b: {  	(tag) =	ssettag $0x2  }
0x6c: {  	s0 =	rddreg [dreg:$0x0];
	s2 =	stileid.u32  }
0x6d: {  	s1 =	rddreg [dreg:$0x1];
	p0 =	sne.s32 s2, $0x0  }
0x6e: {  	s3 =	rddreg [dreg:$0x2];
	[bflag:$0x3] =	sbarrier.arrive $0xFFFF;
	s2 =	simm.s32 @!p0 $0x1C03  }
0x6f: {  	[timem:s3], [sflag:s2] =	dma.local @!p0 [hbm:s0], s1  }
0x70: {  	s0 =	simm.s32 @!p0 $0x3  }
0x71: {  	_ =	swait.ge @!p0 [sflag:s0], s1  }
0x72: {  	s1 =	ssub.s32 @!p0 $0x0, s1;
	[sflag:s0] =	ssyncset.done @!p0 $0x0  }
0x73: {  	[sflag:s0] =	ssyncadd.s32 @!p0 s1  }
0x74: {  	[bflag:$0x3] =	sbarrier.arrive $0xFFFF  }
0x75: {  	_ =	shalt  }

</sc_bundles>
